<compile_context>
chip_gen: v7x
topology: tpu7x:2x2x1
jax: 0.10.2.dev20260603
libtpu: 0.0.44.dev20260713+nightly
codegen_flags: <defaults>
</compile_context>

<pallas_src>
import functools

import jax
import jax.numpy as jnp
from jax import lax
from jax.experimental import pallas as pl
from jax.experimental.pallas import tpu as pltpu
from jax.experimental.pallas import tpu_sc as plsc

N_NODES_ = 100000
DEG_PAD_ = 100352
DEG_TRASH_ = 100000
P_ = 4096
S_ = 128
OUT_DIM_ = 64
N_EDGES_ = 1600000
HIST_LOC_ = 2048 * 64
HIST_PAD_ = HIST_LOC_ + 512
CW_ = 1280
NCH_ = 78
TSPAN_ = NCH_ * CW_
HALF_ = 8192

_mesh = plsc.VectorSubcoreMesh(core_axis_name="c", subcore_axis_name="s")


@functools.partial(
    pl.kernel,
    out_type=jax.ShapeDtypeStruct((P_ * OUT_DIM_,), jnp.float32),
    mesh=_mesh,
    scratch_types=[
        pltpu.VMEM_SHARED((DEG_PAD_,), jnp.int32),
        pltpu.VMEM_SHARED((DEG_PAD_,), jnp.float32),
        pltpu.VMEM_SHARED((HIST_PAD_,), jnp.float32),
        pltpu.VMEM((2, CW_), jnp.int32),
        pltpu.VMEM((2, CW_), jnp.int32),
        pltpu.VMEM((2 * CW_,), jnp.int32),
        pltpu.VMEM((2 * CW_,), jnp.int32),
        pltpu.VMEM((2, 256), jnp.int32),
        pltpu.VMEM((512,), jnp.int32),
        pltpu.VMEM((2 * CW_,), jnp.int32),
        pltpu.VMEM((16384,), jnp.int32),
        pltpu.VMEM((HALF_,), jnp.int32),
        pltpu.VMEM((HALF_,), jnp.int32),
        pltpu.VMEM((HALF_,), jnp.float32),
        pltpu.VMEM((HALF_,), jnp.float32),
        pltpu.VMEM((6272,), jnp.int32),
        pltpu.VMEM((8224,), jnp.float32),
        pltpu.SemaphoreType.DMA,
        pltpu.SemaphoreType.DMA,
        pltpu.SemaphoreType.DMA,
        pltpu.SemaphoreType.DMA,
        pltpu.SemaphoreType.DMA,
        pltpu.SemaphoreType.DMA,
    ],
)
def _hist_kernel(edges_hbm, spot_hbm, nodes_hbm, out_hbm,
                 degs_sh, nodes_sh, hist_sh,
                 eb0, eb1, x0, x1, etail, xtail, ones_i, spot_idx,
                 sd0, sd1, nv0, nv1, zero_i, zero_f,
                 la, lb, sa, sb, se, sf):
    c = lax.axis_index("c")
    s = lax.axis_index("s")

    def _fill_zi(i, carry):
        for u in range(4):
            zero_i[pl.ds(i * 64 + u * 16, 16)] = jnp.zeros((16,), jnp.int32)
        return carry
    lax.fori_loop(0, 98, _fill_zi, 0)

    def _fill_zf(i, carry):
        for u in range(4):
            zero_f[pl.ds(i * 64 + u * 16, 16)] = jnp.zeros((16,), jnp.float32)
        return carry
    lax.fori_loop(0, 128, _fill_zf, 0)
    for u in range(2):
        zero_f[pl.ds(8192 + u * 16, 16)] = jnp.zeros((16,), jnp.float32)

    def _fill_ones(i, carry):
        for u in range(4):
            ones_i[pl.ds(i * 64 + u * 16, 16)] = jnp.ones((16,), jnp.int32)
        return carry
    lax.fori_loop(0, 2 * CW_ // 64, _fill_ones, 0)

    d1 = pltpu.async_copy(zero_i, degs_sh.at[pl.ds(s * 6272, 6272)], la)
    d2 = pltpu.async_copy(zero_f, hist_sh.at[pl.ds(s * 8224, 8224)], lb)
    d3 = pltpu.async_copy(nodes_hbm.at[pl.ds(s * 6272, 6272)],
                          nodes_sh.at[pl.ds(s * 6272, 6272)], se)
    d1.wait(); d2.wait(); d3.wait()
    plsc.subcore_barrier()

    m0 = (c * 2048 + s * 128) * S_
    dspot = pltpu.async_copy(spot_hbm.at[pl.ds(m0, 16384)], spot_idx, se)

    col0 = pl.multiple_of(s * TSPAN_, 128)

    def _load(chunk, buf, sem):
        off = pl.multiple_of(col0 + chunk * CW_, 128)
        return pltpu.async_copy(edges_hbm.at[:, pl.ds(off, CW_)], buf, sem)

    def _repack(buf, xb):
        def _rp(j, carry):
            for r in range(2):
                for u in range(4):
                    v = buf[r, pl.ds(j * 64 + u * 16, 16)]
                    xb[pl.ds(r * CW_ + j * 64 + u * 16, 16)] = v
            return carry
        lax.fori_loop(0, CW_ // 64, _rp, 0)

    def _fire(xb, sem):
        return pltpu.async_copy(ones_i, degs_sh.at[xb], sem, add=True)

    def _drain_scatter(xb, sem):
        pltpu.make_async_copy(ones_i, degs_sh.at[xb], sem).wait()

    _load(0, eb0, la).wait()
    _load(1, eb1, lb)
    _repack(eb0, x0)
    _load(2, eb0, la)
    _fire(x0, sa)
    dspot.wait()
    pltpu.async_copy(nodes_sh.at[spot_idx.at[pl.ds(0, HALF_)]], nv0, se)
    pltpu.async_copy(nodes_sh.at[spot_idx.at[pl.ds(HALF_, HALF_)]], nv1, sf)
    pltpu.make_async_copy(edges_hbm.at[:, pl.ds(0, CW_)], eb1, lb).wait()
    _repack(eb1, x1)
    _load(3, eb1, lb)
    _fire(x1, sb)

    def _ring(i, carry):
        c0 = 2 * i
        pltpu.make_async_copy(edges_hbm.at[:, pl.ds(0, CW_)], eb0, la).wait()
        _drain_scatter(x0, sa)
        _repack(eb0, x0)
        _load(c0 + 2, eb0, la)
        _fire(x0, sa)
        pltpu.make_async_copy(edges_hbm.at[:, pl.ds(0, CW_)], eb1, lb).wait()
        _drain_scatter(x1, sb)
        _repack(eb1, x1)
        _load(c0 + 3, eb1, lb)
        _fire(x1, sb)
        return carry
    lax.fori_loop(1, NCH_ // 2, _ring, 0)
    pltpu.make_async_copy(edges_hbm.at[:, pl.ds(0, CW_)], eb0, la).wait()
    pltpu.make_async_copy(edges_hbm.at[:, pl.ds(0, CW_)], eb1, lb).wait()
    _drain_scatter(x0, sa)
    _drain_scatter(x1, sb)

    toff = pl.multiple_of(
        jnp.where(s < 4, (12480 + 2 * s) * 128, (12483 + s) * 128), 128)
    pltpu.sync_copy(edges_hbm.at[:, pl.ds(toff, 256)], etail)
    keep_all = s < 4
    for r in range(2):
        for j in range(16):
            v = etail[r, pl.ds(j * 16, 16)]
            if j < 8:
                v = jnp.where(keep_all, v,
                              jnp.full((16,), DEG_TRASH_, jnp.int32))
            xtail[pl.ds(r * 256 + j * 16, 16)] = v
    tdone = pltpu.async_copy(ones_i.at[pl.ds(0, 512)], degs_sh.at[xtail],
                             sa, add=True)
    tdone.wait()
    pltpu.make_async_copy(nodes_sh.at[spot_idx.at[pl.ds(0, HALF_)]],
                          nv0, se).wait()
    pltpu.make_async_copy(nodes_sh.at[spot_idx.at[pl.ds(HALF_, HALF_)]],
                          nv1, sf).wait()
    plsc.subcore_barrier()

    g0 = pltpu.async_copy(degs_sh.at[spot_idx.at[pl.ds(0, HALF_)]], sd0, la)
    g1 = pltpu.async_copy(degs_sh.at[spot_idx.at[pl.ds(HALF_, HALF_)]],
                          sd1, lb)

    def _compute_half(h, sdb, nvb):
        def _p2(j, carry):
            hbase = (s * 128 + h * 64 + j) * OUT_DIM_
            for k in range(8):
                off = j * 128 + k * 16
                d = sdb[pl.ds(off, 16)]
                nv = nvb[pl.ds(off, 16)]
                idx = hbase + jnp.minimum(d, OUT_DIM_ - 1)
                w = jnp.where(d < OUT_DIM_, nv, jnp.zeros((16,), jnp.float32))
                sdb[pl.ds(off, 16)] = idx
                nvb[pl.ds(off, 16)] = w
            return carry
        lax.fori_loop(0, 64, _p2, 0)

    g0.wait()
    _compute_half(0, sd0, nv0)
    h0 = pltpu.async_copy(nv0, hist_sh.at[sd0], sa, add=True)
    g1.wait()
    _compute_half(1, sd1, nv1)
    h1 = pltpu.async_copy(nv1, hist_sh.at[sd1], sb, add=True)
    h0.wait()
    h1.wait()
    plsc.subcore_barrier()

    loc = s * (128 * OUT_DIM_)
    glob = c * HIST_LOC_ + loc
    pltpu.sync_copy(hist_sh.at[pl.ds(loc, 128 * OUT_DIM_)],
                    out_hbm.at[pl.ds(glob, 128 * OUT_DIM_)])


def kernel(t, spotlights, edge_index_initial, nodes_initial):
    del t
    spot = spotlights.reshape(P_ * S_)
    nodes = jnp.concatenate(
        [nodes_initial, jnp.zeros((DEG_PAD_ - N_NODES_,), jnp.float32)])
    out = _hist_kernel(edge_index_initial, spot, nodes)
    return out.reshape(P_, OUT_DIM_)

# --- scband reference (transcript-rebuilt; emitter-appended) ---
"""Pipeline reference for scband-hard-embedder-31825707664031 (READ-ONLY COPY).

The authoritative reference and input builder live on the scoring server;
editing this copy changes nothing except your own understanding.
"""

import jax, jax.numpy as jnp
import numpy as np

N_NODES = 100000
N_EDGES = 1600000
P_POOL = 4096
S_SPOT = 128
OUT_DIM = 64


def setup_inputs(seed: int = 0) -> dict:
    key = jax.random.key(seed)
    k1, k2 = jax.random.split(key)
    t = 0  # python int scalar time step (t==0 branch: global-degree histogram)
    spotlights = jax.random.randint(k1, (1, P_POOL, S_SPOT), 0, N_NODES)
    edge_index_initial = jax.random.randint(k2, (2, N_EDGES), 0, N_NODES)
    nodes_initial = jnp.ones((N_NODES,), dtype=jnp.float32)  # per-node weight (1.0 -> plain counts)
    return {
        "t": t,
        "spotlights": spotlights,
        "edge_index_initial": edge_index_initial,
        "nodes_initial": nodes_initial,
    }


def reference(t, spotlights, edge_index_initial, nodes_initial):
    # Global degree of every node (undirected graph: each edge contributes to both endpoints).
    degs = jnp.bincount(edge_index_initial.reshape(-1), length=N_NODES)
    # Spotlight node sets at time t: [P, S] node indices.
    spot = spotlights[t]
    # Gather each spotlight member's global degree (t == 0 branch of the original module).
    sd = degs[spot]  # [P, S] int
    # Only degrees < out_dim land in a histogram bin (matches deg_hist indexing 0..out_dim-1).
    valid = (sd < OUT_DIM).astype(jnp.float32)
    w = nodes_initial[spot] * valid  # per-member weight (ones -> pure counting)
    P, S = spot.shape
    rows = jnp.broadcast_to(jnp.arange(P)[:, None], (P, S))
    cols = jnp.clip(sd, 0, OUT_DIM - 1)
    hist = jnp.zeros((P, OUT_DIM), dtype=jnp.float32).at[rows, cols].add(w)
    return hist

if __name__ == "__main__":
    import jax
    _d = setup_inputs()
    print(jax.jit(kernel)(*tuple(_d.values())))

</pallas_src>

<mosaic_0001>
#map = affine_map<(d0, d1) -> (0, 0)>
#map1 = affine_map<(d0, d1) -> (0)>
module attributes {stable_mosaic.version = 14 : i64} {
  func.func @_hist_kernel(%arg0: i32, %arg1: i32, %arg2: memref<2x1600000xi32, #tpu.memory_space<hbm>>, %arg3: memref<524288xi32, #tpu.memory_space<hbm>>, %arg4: memref<100352xf32, #tpu.memory_space<hbm>>, %arg5: memref<262144xf32, #tpu.memory_space<hbm>>, %arg6: memref<100352xi32, #tpu.memory_space<vmem_shared>>, %arg7: memref<100352xf32, #tpu.memory_space<vmem_shared>>, %arg8: memref<131584xf32, #tpu.memory_space<vmem_shared>>, %arg9: memref<2x1280xi32, #tpu.memory_space<vmem>>, %arg10: memref<2x1280xi32, #tpu.memory_space<vmem>>, %arg11: memref<2560xi32, #tpu.memory_space<vmem>>, %arg12: memref<2560xi32, #tpu.memory_space<vmem>>, %arg13: memref<2x256xi32, #tpu.memory_space<vmem>>, %arg14: memref<512xi32, #tpu.memory_space<vmem>>, %arg15: memref<2560xi32, #tpu.memory_space<vmem>>, %arg16: memref<16384xi32, #tpu.memory_space<vmem>>, %arg17: memref<8192xi32, #tpu.memory_space<vmem>>, %arg18: memref<8192xi32, #tpu.memory_space<vmem>>, %arg19: memref<8192xf32, #tpu.memory_space<vmem>>, %arg20: memref<8192xf32, #tpu.memory_space<vmem>>, %arg21: memref<6272xi32, #tpu.memory_space<vmem>>, %arg22: memref<8224xf32, #tpu.memory_space<vmem>>, %arg23: memref<!tpu.dma_semaphore, #tpu.memory_space<semaphore_mem>>, %arg24: memref<!tpu.dma_semaphore, #tpu.memory_space<semaphore_mem>>, %arg25: memref<!tpu.dma_semaphore, #tpu.memory_space<semaphore_mem>>, %arg26: memref<!tpu.dma_semaphore, #tpu.memory_space<semaphore_mem>>, %arg27: memref<!tpu.dma_semaphore, #tpu.memory_space<semaphore_mem>>, %arg28: memref<!tpu.dma_semaphore, #tpu.memory_space<semaphore_mem>>) attributes {dimension_semantics = [#tpu.dimension_semantics<core_parallel>, #tpu.dimension_semantics<subcore_parallel>], iteration_bounds = array<i64: 2, 16>, scalar_prefetch = 0 : i64, scratch_operands = 23 : i64, tpu.core_type = #tpu.core_type<sc_vector_subcore>, window_params = [{transform_indices = #map}, {transform_indices = #map1}, {transform_indices = #map1}, {transform_indices = #map1}]} {
    %scan3A = arith.constant 0 : i32
    %scan3A_0 = arith.constant 0 : i32
    %scan3A_1 = arith.constant 98 : i32
    %scan3A_2 = arith.addi %scan3A_0, %scan3A_1 : i32
    %scan3A_3 = arith.constant 1 : i32
    scf.for %scan3A_548 = %scan3A_0 to %scan3A_2 step %scan3A_3  : i32 {
      %broadcast_in_dim3A_549 = arith.constant 0 : i32
      %broadcast_in_dim3A_550 = vector.broadcast %broadcast_in_dim3A_549 : i32 to vector<16xi32>
      %mul3A_551 = arith.constant 64 : i32
      %mul3A_552 = arith.muli %scan3A_548, %mul3A_551 : i32
      %add3A_553 = arith.constant 0 : i32
      %add3A_554 = arith.addi %mul3A_552, %add3A_553 : i32
      %swap3A_555 = arith.index_cast %add3A_554 : i32 to index
      %swap3A_556 = tpu.vector_load %arg21[%swap3A_555] {strides = array<i32>} : memref<6272xi32, #tpu.memory_space<vmem>>, vector<16xi32>,
      %swap3A_557 = vector.shape_cast %swap3A_556 : vector<16xi32> to vector<16xi32>
      %swap3A_558 = vector.shape_cast %broadcast_in_dim3A_550 : vector<16xi32> to vector<16xi32>
      tpu.vector_store %arg21[%swap3A_555], %swap3A_558 {strides = array<i32>} : memref<6272xi32, #tpu.memory_space<vmem>>, vector<16xi32>,
      %broadcast_in_dim3A_559 = arith.constant 0 : i32
      %broadcast_in_dim3A_560 = vector.broadcast %broadcast_in_dim3A_559 : i32 to vector<16xi32>
      %mul3A_561 = arith.constant 64 : i32
      %mul3A_562 = arith.muli %scan3A_548, %mul3A_561 : i32
      %add3A_563 = arith.constant 16 : i32
      %add3A_564 = arith.addi %mul3A_562, %add3A_563 : i32
      %swap3A_565 = arith.index_cast %add3A_564 : i32 to index
      %swap3A_566 = tpu.vector_load %arg21[%swap3A_565] {strides = array<i32>} : memref<6272xi32, #tpu.memory_space<vmem>>, vector<16xi32>,
      %swap3A_567 = vector.shape_cast %swap3A_566 : vector<16xi32> to vector<16xi32>
      %swap3A_568 = vector.shape_cast %broadcast_in_dim3A_560 : vector<16xi32> to vector<16xi32>
      tpu.vector_store %arg21[%swap3A_565], %swap3A_568 {strides = array<i32>} : memref<6272xi32, #tpu.memory_space<vmem>>, vector<16xi32>,
      %broadcast_in_dim3A_569 = arith.constant 0 : i32
      %broadcast_in_dim3A_570 = vector.broadcast %broadcast_in_dim3A_569 : i32 to vector<16xi32>
      %mul3A_571 = arith.constant 64 : i32
      %mul3A_572 = arith.muli %scan3A_548, %mul3A_571 : i32
      %add3A_573 = arith.constant 32 : i32
      %add3A_574 = arith.addi %mul3A_572, %add3A_573 : i32
      %swap3A_575 = arith.index_cast %add3A_574 : i32 to index
      %swap3A_576 = tpu.vector_load %arg21[%swap3A_575] {strides = array<i32>} : memref<6272xi32, #tpu.memory_space<vmem>>, vector<16xi32>,
      %swap3A_577 = vector.shape_cast %swap3A_576 : vector<16xi32> to vector<16xi32>
      %swap3A_578 = vector.shape_cast %broadcast_in_dim3A_570 : vector<16xi32> to vector<16xi32>
      tpu.vector_store %arg21[%swap3A_575], %swap3A_578 {strides = array<i32>} : memref<6272xi32, #tpu.memory_space<vmem>>, vector<16xi32>,
      %broadcast_in_dim3A_579 = arith.constant 0 : i32
      %broadcast_in_dim3A_580 = vector.broadcast %broadcast_in_dim3A_579 : i32 to vector<16xi32>
      %mul3A_581 = arith.constant 64 : i32
      %mul3A_582 = arith.muli %scan3A_548, %mul3A_581 : i32
      %add3A_583 = arith.constant 48 : i32
      %add3A_584 = arith.addi %mul3A_582, %add3A_583 : i32
      %swap3A_585 = arith.index_cast %add3A_584 : i32 to index
      %swap3A_586 = tpu.vector_load %arg21[%swap3A_585] {strides = array<i32>} : memref<6272xi32, #tpu.memory_space<vmem>>, vector<16xi32>,
      %swap3A_587 = vector.shape_cast %swap3A_586 : vector<16xi32> to vector<16xi32>
      %swap3A_588 = vector.shape_cast %broadcast_in_dim3A_580 : vector<16xi32> to vector<16xi32>
      tpu.vector_store %arg21[%swap3A_585], %swap3A_588 {strides = array<i32>} : memref<6272xi32, #tpu.memory_space<vmem>>, vector<16xi32>,
    }
    %scan3A_4 = arith.constant 98 : i32
    %scan3A_5 = arith.constant 0 : i32
    %scan3A_6 = arith.constant 0 : i32
    %scan3A_7 = arith.constant 128 : i32
    %scan3A_8 = arith.addi %scan3A_6, %scan3A_7 : i32
    %scan3A_9 = arith.constant 1 : i32
    scf.for %scan3A_548 = %scan3A_6 to %scan3A_8 step %scan3A_9  : i32 {
      %broadcast_in_dim3A_549 = arith.constant 0.000000e+00 : f32
      %broadcast_in_dim3A_550 = vector.broadcast %broadcast_in_dim3A_549 : f32 to vector<16xf32>
      %mul3A_551 = arith.constant 64 : i32
      %mul3A_552 = arith.muli %scan3A_548, %mul3A_551 : i32
      %add3A_553 = arith.constant 0 : i32
      %add3A_554 = arith.addi %mul3A_552, %add3A_553 : i32
      %swap3A_555 = arith.index_cast %add3A_554 : i32 to index
      %swap3A_556 = tpu.vector_load %arg22[%swap3A_555] {strides = array<i32>} : memref<8224xf32, #tpu.memory_space<vmem>>, vector<16xf32>,
      %swap3A_557 = vector.shape_cast %swap3A_556 : vector<16xf32> to vector<16xf32>
      %swap3A_558 = vector.shape_cast %broadcast_in_dim3A_550 : vector<16xf32> to vector<16xf32>
      tpu.vector_store %arg22[%swap3A_555], %swap3A_558 {strides = array<i32>} : memref<8224xf32, #tpu.memory_space<vmem>>, vector<16xf32>,
      %broadcast_in_dim3A_559 = arith.constant 0.000000e+00 : f32
      %broadcast_in_dim3A_560 = vector.broadcast %broadcast_in_dim3A_559 : f32 to vector<16xf32>
      %mul3A_561 = arith.constant 64 : i32
      %mul3A_562 = arith.muli %scan3A_548, %mul3A_561 : i32
      %add3A_563 = arith.constant 16 : i32
      %add3A_564 = arith.addi %mul3A_562, %add3A_563 : i32
      %swap3A_565 = arith.index_cast %add3A_564 : i32 to index
      %swap3A_566 = tpu.vector_load %arg22[%swap3A_565] {strides = array<i32>} : memref<8224xf32, #tpu.memory_space<vmem>>, vector<16xf32>,
      %swap3A_567 = vector.shape_cast %swap3A_566 : vector<16xf32> to vector<16xf32>
      %swap3A_568 = vector.shape_cast %broadcast_in_dim3A_560 : vector<16xf32> to vector<16xf32>
      tpu.vector_store %arg22[%swap3A_565], %swap3A_568 {strides = array<i32>} : memref<8224xf32, #tpu.memory_space<vmem>>, vector<16xf32>,
      %broadcast_in_dim3A_569 = arith.constant 0.000000e+00 : f32
      %broadcast_in_dim3A_570 = vector.broadcast %broadcast_in_dim3A_569 : f32 to vector<16xf32>
      %mul3A_571 = arith.constant 64 : i32
      %mul3A_572 = arith.muli %scan3A_548, %mul3A_571 : i32
      %add3A_573 = arith.constant 32 : i32
      %add3A_574 = arith.addi %mul3A_572, %add3A_573 : i32
      %swap3A_575 = arith.index_cast %add3A_574 : i32 to index
      %swap3A_576 = tpu.vector_load %arg22[%swap3A_575] {strides = array<i32>} : memref<8224xf32, #tpu.memory_space<vmem>>, vector<16xf32>,
      %swap3A_577 = vector.shape_cast %swap3A_576 : vector<16xf32> to vector<16xf32>
      %swap3A_578 = vector.shape_cast %broadcast_in_dim3A_570 : vector<16xf32> to vector<16xf32>
      tpu.vector_store %arg22[%swap3A_575], %swap3A_578 {strides = array<i32>} : memref<8224xf32, #tpu.memory_space<vmem>>, vector<16xf32>,
      %broadcast_in_dim3A_579 = arith.constant 0.000000e+00 : f32
      %broadcast_in_dim3A_580 = vector.broadcast %broadcast_in_dim3A_579 : f32 to vector<16xf32>
      %mul3A_581 = arith.constant 64 : i32
      %mul3A_582 = arith.muli %scan3A_548, %mul3A_581 : i32
      %add3A_583 = arith.constant 48 : i32
      %add3A_584 = arith.addi %mul3A_582, %add3A_583 : i32
      %swap3A_585 = arith.index_cast %add3A_584 : i32 to index
      %swap3A_586 = tpu.vector_load %arg22[%swap3A_585] {strides = array<i32>} : memref<8224xf32, #tpu.memory_space<vmem>>, vector<16xf32>,
      %swap3A_587 = vector.shape_cast %swap3A_586 : vector<16xf32> to vector<16xf32>
      %swap3A_588 = vector.shape_cast %broadcast_in_dim3A_580 : vector<16xf32> to vector<16xf32>
      tpu.vector_store %arg22[%swap3A_585], %swap3A_588 {strides = array<i32>} : memref<8224xf32, #tpu.memory_space<vmem>>, vector<16xf32>,
    }
    %scan3A_10 = arith.constant 128 : i32
    %broadcast_in_dim3A = arith.constant 0.000000e+00 : f32
    %broadcast_in_dim3A_11 = vector.broadcast %broadcast_in_dim3A : f32 to vector<16xf32>
    %swap3A = arith.constant 8192 : index
    %swap3A_12 = tpu.vector_load %arg22[%swap3A] {strides = array<i32>} : memref<8224xf32, #tpu.memory_space<vmem>>, vector<16xf32>,
    %swap3A_13 = vector.shape_cast %swap3A_12 : vector<16xf32> to vector<16xf32>
    %swap3A_14 = vector.shape_cast %broadcast_in_dim3A_11 : vector<16xf32> to vector<16xf32>
    tpu.vector_store %arg22[%swap3A], %swap3A_14 {strides = array<i32>} : memref<8224xf32, #tpu.memory_space<vmem>>, vector<16xf32>,
    %broadcast_in_dim3A_15 = arith.constant 0.000000e+00 : f32
    %broadcast_in_dim3A_16 = vector.broadcast %broadcast_in_dim3A_15 : f32 to vector<16xf32>
    %swap3A_17 = arith.constant 8208 : index
    %swap3A_18 = tpu.vector_load %arg22[%swap3A_17] {strides = array<i32>} : memref<8224xf32, #tpu.memory_space<vmem>>, vector<16xf32>,
    %swap3A_19 = vector.shape_cast %swap3A_18 : vector<16xf32> to vector<16xf32>
    %swap3A_20 = vector.shape_cast %broadcast_in_dim3A_16 : vector<16xf32> to vector<16xf32>
    tpu.vector_store %arg22[%swap3A_17], %swap3A_20 {strides = array<i32>} : memref<8224xf32, #tpu.memory_space<vmem>>, vector<16xf32>,
    %scan3A_21 = arith.constant 0 : i32
    %scan3A_22 = arith.constant 0 : i32
    %scan3A_23 = arith.constant 40 : i32
    %scan3A_24 = arith.addi %scan3A_22, %scan3A_23 : i32
    %scan3A_25 = arith.constant 1 : i32
    scf.for %scan3A_548 = %scan3A_22 to %scan3A_24 step %scan3A_25  : i32 {
      %broadcast_in_dim3A_549 = arith.constant 1 : i32
      %broadcast_in_dim3A_550 = vector.broadcast %broadcast_in_dim3A_549 : i32 to vector<16xi32>
      %mul3A_551 = arith.constant 64 : i32
      %mul3A_552 = arith.muli %scan3A_548, %mul3A_551 : i32
      %add3A_553 = arith.constant 0 : i32
      %add3A_554 = arith.addi %mul3A_552, %add3A_553 : i32
      %swap3A_555 = arith.index_cast %add3A_554 : i32 to index
      %swap3A_556 = tpu.vector_load %arg15[%swap3A_555] {strides = array<i32>} : memref<2560xi32, #tpu.memory_space<vmem>>, vector<16xi32>,
      %swap3A_557 = vector.shape_cast %swap3A_556 : vector<16xi32> to vector<16xi32>
      %swap3A_558 = vector.shape_cast %broadcast_in_dim3A_550 : vector<16xi32> to vector<16xi32>
      tpu.vector_store %arg15[%swap3A_555], %swap3A_558 {strides = array<i32>} : memref<2560xi32, #tpu.memory_space<vmem>>, vector<16xi32>,
      %broadcast_in_dim3A_559 = arith.constant 1 : i32
      %broadcast_in_dim3A_560 = vector.broadcast %broadcast_in_dim3A_559 : i32 to vector<16xi32>
      %mul3A_561 = arith.constant 64 : i32
      %mul3A_562 = arith.muli %scan3A_548, %mul3A_561 : i32
      %add3A_563 = arith.constant 16 : i32
      %add3A_564 = arith.addi %mul3A_562, %add3A_563 : i32
      %swap3A_565 = arith.index_cast %add3A_564 : i32 to index
      %swap3A_566 = tpu.vector_load %arg15[%swap3A_565] {strides = array<i32>} : memref<2560xi32, #tpu.memory_space<vmem>>, vector<16xi32>,
      %swap3A_567 = vector.shape_cast %swap3A_566 : vector<16xi32> to vector<16xi32>
      %swap3A_568 = vector.shape_cast %broadcast_in_dim3A_560 : vector<16xi32> to vector<16xi32>
      tpu.vector_store %arg15[%swap3A_565], %swap3A_568 {strides = array<i32>} : memref<2560xi32, #tpu.memory_space<vmem>>, vector<16xi32>,
      %broadcast_in_dim3A_569 = arith.constant 1 : i32
      %broadcast_in_dim3A_570 = vector.broadcast %broadcast_in_dim3A_569 : i32 to vector<16xi32>
      %mul3A_571 = arith.constant 64 : i32
      %mul3A_572 = arith.muli %scan3A_548, %mul3A_571 : i32
      %add3A_573 = arith.constant 32 : i32
      %add3A_574 = arith.addi %mul3A_572, %add3A_573 : i32
      %swap3A_575 = arith.index_cast %add3A_574 : i32 to index
      %swap3A_576 = tpu.vector_load %arg15[%swap3A_575] {strides = array<i32>} : memref<2560xi32, #tpu.memory_space<vmem>>, vector<16xi32>,
      %swap3A_577 = vector.shape_cast %swap3A_576 : vector<16xi32> to vector<16xi32>
      %swap3A_578 = vector.shape_cast %broadcast_in_dim3A_570 : vector<16xi32> to vector<16xi32>
      tpu.vector_store %arg15[%swap3A_575], %swap3A_578 {strides = array<i32>} : memref<2560xi32, #tpu.memory_space<vmem>>, vector<16xi32>,
      %broadcast_in_dim3A_579 = arith.constant 1 : i32
      %broadcast_in_dim3A_580 = vector.broadcast %broadcast_in_dim3A_579 : i32 to vector<16xi32>
      %mul3A_581 = arith.constant 64 : i32
      %mul3A_582 = arith.muli %scan3A_548, %mul3A_581 : i32
      %add3A_583 = arith.constant 48 : i32
      %add3A_584 = arith.addi %mul3A_582, %add3A_583 : i32
      %swap3A_585 = arith.index_cast %add3A_584 : i32 to index
      %swap3A_586 = tpu.vector_load %arg15[%swap3A_585] {strides = array<i32>} : memref<2560xi32, #tpu.memory_space<vmem>>, vector<16xi32>,
      %swap3A_587 = vector.shape_cast %swap3A_586 : vector<16xi32> to vector<16xi32>
      %swap3A_588 = vector.shape_cast %broadcast_in_dim3A_580 : vector<16xi32> to vector<16xi32>
      tpu.vector_store %arg15[%swap3A_585], %swap3A_588 {strides = array<i32>} : memref<2560xi32, #tpu.memory_space<vmem>>, vector<16xi32>,
    }
    %scan3A_26 = arith.constant 40 : i32
    %mul3A = arith.constant 6272 : i32
    %mul3A_27 = arith.muli %arg1, %mul3A : i32
    %dma_start3A = tpu.memref_slice %arg6[%mul3A_27] : memref<100352xi32, #tpu.memory_space<vmem_shared>> -> memref<6272xi32, #tpu.memory_space<vmem_shared>>
    %dma_start3A_28 = tpu.memref_slice %arg6[%mul3A_27] : memref<100352xi32, #tpu.memory_space<vmem_shared>> -> memref<6272xi32, #tpu.memory_space<vmem_shared>>
    tpu.enqueue_dma source(%arg21 : memref<6272xi32, #tpu.memory_space<vmem>>) target(%dma_start3A_28 : memref<6272xi32, #tpu.memory_space<vmem_shared>>) target_semaphore(%arg23 : memref<!tpu.dma_semaphore, #tpu.memory_space<semaphore_mem>>)
    %mul3A_29 = arith.constant 8224 : i32
    %mul3A_30 = arith.muli %arg1, %mul3A_29 : i32
    %dma_start3A_31 = tpu.memref_slice %arg8[%mul3A_30] : memref<131584xf32, #tpu.memory_space<vmem_shared>> -> memref<8224xf32, #tpu.memory_space<vmem_shared>>
    %dma_start3A_32 = tpu.memref_slice %arg8[%mul3A_30] : memref<131584xf32, #tpu.memory_space<vmem_shared>> -> memref<8224xf32, #tpu.memory_space<vmem_shared>>
    tpu.enqueue_dma source(%arg22 : memref<8224xf32, #tpu.memory_space<vmem>>) target(%dma_start3A_32 : memref<8224xf32, #tpu.memory_space<vmem_shared>>) target_semaphore(%arg24 : memref<!tpu.dma_semaphore, #tpu.memory_space<semaphore_mem>>)
    %mul3A_33 = arith.constant 6272 : i32
    %mul3A_34 = arith.muli %arg1, %mul3A_33 : i32
    %mul3A_35 = arith.constant 6272 : i32
    %mul3A_36 = arith.muli %arg1, %mul3A_35 : i32
    %dma_start3A_37 = tpu.memref_slice %arg7[%mul3A_36] : memref<100352xf32, #tpu.memory_space<vmem_shared>> -> memref<6272xf32, #tpu.memory_space<vmem_shared>>
    %dma_start3A_38 = tpu.memref_slice %arg4[%mul3A_34] : memref<100352xf32, #tpu.memory_space<hbm>> -> memref<6272xf32, #tpu.memory_space<hbm>>
    tpu.enqueue_dma source(%dma_start3A_38 : memref<6272xf32, #tpu.memory_space<hbm>>) target(%dma_start3A_37 : memref<6272xf32, #tpu.memory_space<vmem_shared>>) target_semaphore(%arg27 : memref<!tpu.dma_semaphore, #tpu.memory_space<semaphore_mem>>)
    %dma_wait3A = tpu.memref_slice %arg6[%mul3A_27] : memref<100352xi32, #tpu.memory_space<vmem_shared>> -> memref<6272xi32, #tpu.memory_space<vmem_shared>>
    %dma_wait3A_39 = tpu.memref_slice %arg6[%mul3A_27] : memref<100352xi32, #tpu.memory_space<vmem_shared>> -> memref<6272xi32, #tpu.memory_space<vmem_shared>>
    tpu.wait_dma2 semaphore(%arg23 : memref<!tpu.dma_semaphore, #tpu.memory_space<semaphore_mem>>) src(%arg21 : memref<6272xi32, #tpu.memory_space<vmem>>) dst(%dma_wait3A_39 : memref<6272xi32, #tpu.memory_space<vmem_shared>>)
    %dma_wait3A_40 = tpu.memref_slice %arg8[%mul3A_30] : memref<131584xf32, #tpu.memory_space<vmem_shared>> -> memref<8224xf32, #tpu.memory_space<vmem_shared>>
    %dma_wait3A_41 = tpu.memref_slice %arg8[%mul3A_30] : memref<131584xf32, #tpu.memory_space<vmem_shared>> -> memref<8224xf32, #tpu.memory_space<vmem_shared>>
    tpu.wait_dma2 semaphore(%arg24 : memref<!tpu.dma_semaphore, #tpu.memory_space<semaphore_mem>>) src(%arg22 : memref<8224xf32, #tpu.memory_space<vmem>>) dst(%dma_wait3A_41 : memref<8224xf32, #tpu.memory_space<vmem_shared>>)
    %dma_wait3A_42 = tpu.memref_slice %arg7[%mul3A_36] : memref<100352xf32, #tpu.memory_space<vmem_shared>> -> memref<6272xf32, #tpu.memory_space<vmem_shared>>
    %dma_wait3A_43 = tpu.memref_slice %arg4[%mul3A_34] : memref<100352xf32, #tpu.memory_space<hbm>> -> memref<6272xf32, #tpu.memory_space<hbm>>
    tpu.wait_dma2 semaphore(%arg27 : memref<!tpu.dma_semaphore, #tpu.memory_space<semaphore_mem>>) src(%dma_wait3A_43 : memref<6272xf32, #tpu.memory_space<hbm>>) dst(%dma_wait3A_42 : memref<6272xf32, #tpu.memory_space<vmem_shared>>)
    %barrier3A = arith.constant 0 : index
    tpu.barrier barrier_id(%barrier3A)
    %mul3A_44 = arith.constant 2048 : i32
    %mul3A_45 = arith.muli %arg0, %mul3A_44 : i32
    %mul3A_46 = arith.constant 128 : i32
    %mul3A_47 = arith.muli %arg1, %mul3A_46 : i32
    %add3A = arith.addi %mul3A_45, %mul3A_47 : i32
    %mul3A_48 = arith.constant 128 : i32
    %mul3A_49 = arith.muli %add3A, %mul3A_48 : i32
    %dma_start3A_50 = tpu.memref_slice %arg3[%mul3A_49] : memref<524288xi32, #tpu.memory_space<hbm>> -> memref<16384xi32, #tpu.memory_space<hbm>>
    %dma_start3A_51 = tpu.memref_slice %arg3[%mul3A_49] : memref<524288xi32, #tpu.memory_space<hbm>> -> memref<16384xi32, #tpu.memory_space<hbm>>
    tpu.enqueue_dma source(%dma_start3A_51 : memref<16384xi32, #tpu.memory_space<hbm>>) target(%arg16 : memref<16384xi32, #tpu.memory_space<vmem>>) target_semaphore(%arg27 : memref<!tpu.dma_semaphore, #tpu.memory_space<semaphore_mem>>)
    %mul3A_52 = arith.constant 99840 : i32
    %mul3A_53 = arith.muli %arg1, %mul3A_52 : i32
    %multiple_of3A = tpu.assume_multiple %mul3A_53, 128 : i32
    %add3A_54 = arith.constant 0 : i32
    %add3A_55 = arith.addi %multiple_of3A, %add3A_54 : i32
    %multiple_of3A_56 = tpu.assume_multiple %add3A_55, 128 : i32
    %dma_start3A_57 = arith.constant 0 : i32
    %dma_start3A_58 = tpu.memref_slice %arg2[%dma_start3A_57, %multiple_of3A_56] : memref<2x1600000xi32, #tpu.memory_space<hbm>> -> memref<2x1280xi32, #tpu.memory_space<hbm>>
    %dma_start3A_59 = arith.constant 0 : i32
    %dma_start3A_60 = tpu.memref_slice %arg2[%dma_start3A_59, %multiple_of3A_56] : memref<2x1600000xi32, #tpu.memory_space<hbm>> -> memref<2x1280xi32, #tpu.memory_space<hbm>>
    tpu.enqueue_dma source(%dma_start3A_60 : memref<2x1280xi32, #tpu.memory_space<hbm>>) target(%arg9 : memref<2x1280xi32, #tpu.memory_space<vmem>>) target_semaphore(%arg23 : memref<!tpu.dma_semaphore, #tpu.memory_space<semaphore_mem>>)
    %dma_wait3A_61 = arith.constant 0 : i32
    %dma_wait3A_62 = tpu.memref_slice %arg2[%dma_wait3A_61, %multiple_of3A_56] : memref<2x1600000xi32, #tpu.memory_space<hbm>> -> memref<2x1280xi32, #tpu.memory_space<hbm>>
    %dma_wait3A_63 = arith.constant 0 : i32
    %dma_wait3A_64 = tpu.memref_slice %arg2[%dma_wait3A_63, %multiple_of3A_56] : memref<2x1600000xi32, #tpu.memory_space<hbm>> -> memref<2x1280xi32, #tpu.memory_space<hbm>>
    tpu.wait_dma2 semaphore(%arg23 : memref<!tpu.dma_semaphore, #tpu.memory_space<semaphore_mem>>) src(%dma_wait3A_64 : memref<2x1280xi32, #tpu.memory_space<hbm>>) dst(%arg9 : memref<2x1280xi32, #tpu.memory_space<vmem>>)
    %add3A_65 = arith.constant 1280 : i32
    %add3A_66 = arith.addi %multiple_of3A, %add3A_65 : i32
    %multiple_of3A_67 = tpu.assume_multiple %add3A_66, 128 : i32
    %dma_start3A_68 = arith.constant 0 : i32
    %dma_start3A_69 = tpu.memref_slice %arg2[%dma_start3A_68, %multiple_of3A_67] : memref<2x1600000xi32, #tpu.memory_space<hbm>> -> memref<2x1280xi32, #tpu.memory_space<hbm>>
    %dma_start3A_70 = arith.constant 0 : i32
    %dma_start3A_71 = tpu.memref_slice %arg2[%dma_start3A_70, %multiple_of3A_67] : memref<2x1600000xi32, #tpu.memory_space<hbm>> -> memref<2x1280xi32, #tpu.memory_space<hbm>>
    tpu.enqueue_dma source(%dma_start3A_71 : memref<2x1280xi32, #tpu.memory_space<hbm>>) target(%arg10 : memref<2x1280xi32, #tpu.memory_space<vmem>>) target_semaphore(%arg24 : memref<!tpu.dma_semaphore, #tpu.memory_space<semaphore_mem>>)
    %scan3A_72 = arith.constant 0 : i32
    %scan3A_73 = arith.constant 0 : i32
    %scan3A_74 = arith.constant 20 : i32
    %scan3A_75 = arith.addi %scan3A_73, %scan3A_74 : i32
    %scan3A_76 = arith.constant 1 : i32
    scf.for %scan3A_548 = %scan3A_73 to %scan3A_75 step %scan3A_76  : i32 {
      %mul3A_549 = arith.constant 64 : i32
      %mul3A_550 = arith.muli %scan3A_548, %mul3A_549 : i32
      %add3A_551 = arith.constant 0 : i32
      %add3A_552 = arith.addi %mul3A_550, %add3A_551 : i32
      %get3A_553 = arith.constant 0 : i32
      %get3A_554 = arith.index_cast %get3A_553 : i32 to index
      %get3A_555 = arith.index_cast %add3A_552 : i32 to index
      %get3A_556 = tpu.vector_load %arg9[%get3A_554, %get3A_555] {strides = array<i32>} : memref<2x1280xi32, #tpu.memory_space<vmem>>, vector<1x16xi32>,
      %get3A_557 = vector.shape_cast %get3A_556 : vector<1x16xi32> to vector<16xi32>
      %mul3A_558 = arith.constant 64 : i32
      %mul3A_559 = arith.muli %scan3A_548, %mul3A_558 : i32
      %add3A_560 = arith.constant 0 : i32
      %add3A_561 = arith.addi %add3A_560, %mul3A_559 : i32
      %add3A_562 = arith.constant 0 : i32
      %add3A_563 = arith.addi %add3A_561, %add3A_562 : i32
      %swap3A_564 = arith.index_cast %add3A_563 : i32 to index
      %swap3A_565 = tpu.vector_load %arg11[%swap3A_564] {strides = array<i32>} : memref<2560xi32, #tpu.memory_space<vmem>>, vector<16xi32>,
      %swap3A_566 = vector.shape_cast %swap3A_565 : vector<16xi32> to vector<16xi32>
      %swap3A_567 = vector.shape_cast %get3A_557 : vector<16xi32> to vector<16xi32>
      tpu.vector_store %arg11[%swap3A_564], %swap3A_567 {strides = array<i32>} : memref<2560xi32, #tpu.memory_space<vmem>>, vector<16xi32>,
      %mul3A_568 = arith.constant 64 : i32
      %mul3A_569 = arith.muli %scan3A_548, %mul3A_568 : i32
      %add3A_570 = arith.constant 16 : i32
      %add3A_571 = arith.addi %mul3A_569, %add3A_570 : i32
      %get3A_572 = arith.constant 0 : i32
      %get3A_573 = arith.index_cast %get3A_572 : i32 to index
      %get3A_574 = arith.index_cast %add3A_571 : i32 to index
      %get3A_575 = tpu.vector_load %arg9[%get3A_573, %get3A_574] {strides = array<i32>} : memref<2x1280xi32, #tpu.memory_space<vmem>>, vector<1x16xi32>,
      %get3A_576 = vector.shape_cast %get3A_575 : vector<1x16xi32> to vector<16xi32>
      %mul3A_577 = arith.constant 64 : i32
      %mul3A_578 = arith.muli %scan3A_548, %mul3A_577 : i32
      %add3A_579 = arith.constant 0 : i32
      %add3A_580 = arith.addi %add3A_579, %mul3A_578 : i32
      %add3A_581 = arith.constant 16 : i32
      %add3A_582 = arith.addi %add3A_580, %add3A_581 : i32
      %swap3A_583 = arith.index_cast %add3A_582 : i32 to index
      %swap3A_584 = tpu.vector_load %arg11[%swap3A_583] {strides = array<i32>} : memref<2560xi32, #tpu.memory_space<vmem>>, vector<16xi32>,
      %swap3A_585 = vector.shape_cast %swap3A_584 : vector<16xi32> to vector<16xi32>
      %swap3A_586 = vector.shape_cast %get3A_576 : vector<16xi32> to vector<16xi32>
      tpu.vector_store %arg11[%swap3A_583], %swap3A_586 {strides = array<i32>} : memref<2560xi32, #tpu.memory_space<vmem>>, vector<16xi32>,
      %mul3A_587 = arith.constant 64 : i32
      %mul3A_588 = arith.muli %scan3A_548, %mul3A_587 : i32
      %add3A_589 = arith.constant 32 : i32
      %add3A_590 = arith.addi %mul3A_588, %add3A_589 : i32
      %get3A_591 = arith.constant 0 : i32
      %get3A_592 = arith.index_cast %get3A_591 : i32 to index
      %get3A_593 = arith.index_cast %add3A_590 : i32 to index
      %get3A_594 = tpu.vector_load %arg9[%get3A_592, %get3A_593] {strides = array<i32>} : memref<2x1280xi32, #tpu.memory_space<vmem>>, vector<1x16xi32>,
      %get3A_595 = vector.shape_cast %get3A_594 : vector<1x16xi32> to vector<16xi32>
      %mul3A_596 = arith.constant 64 : i32
      %mul3A_597 = arith.muli %scan3A_548, %mul3A_596 : i32
      %add3A_598 = arith.constant 0 : i32
      %add3A_599 = arith.addi %add3A_598, %mul3A_597 : i32
      %add3A_600 = arith.constant 32 : i32
      %add3A_601 = arith.addi %add3A_599, %add3A_600 : i32
      %swap3A_602 = arith.index_cast %add3A_601 : i32 to index
      %swap3A_603 = tpu.vector_load %arg11[%swap3A_602] {strides = array<i32>} : memref<2560xi32, #tpu.memory_space<vmem>>, vector<16xi32>,
      %swap3A_604 = vector.shape_cast %swap3A_603 : vector<16xi32> to vector<16xi32>
      %swap3A_605 = vector.shape_cast %get3A_595 : vector<16xi32> to vector<16xi32>
      tpu.vector_store %arg11[%swap3A_602], %swap3A_605 {strides = array<i32>} : memref<2560xi32, #tpu.memory_space<vmem>>, vector<16xi32>,
      %mul3A_606 = arith.constant 64 : i32
      %mul3A_607 = arith.muli %scan3A_548, %mul3A_606 : i32
      %add3A_608 = arith.constant 48 : i32
      %add3A_609 = arith.addi %mul3A_607, %add3A_608 : i32
      %get3A_610 = arith.constant 0 : i32
      %get3A_611 = arith.index_cast %get3A_610 : i32 to index
      %get3A_612 = arith.index_cast %add3A_609 : i32 to index
      %get3A_613 = tpu.vector_load %arg9[%get3A_611, %get3A_612] {strides = array<i32>} : memref<2x1280xi32, #tpu.memory_space<vmem>>, vector<1x16xi32>,
      %get3A_614 = vector.shape_cast %get3A_613 : vector<1x16xi32> to vector<16xi32>
      %mul3A_615 = arith.constant 64 : i32
      %mul3A_616 = arith.muli %scan3A_548, %mul3A_615 : i32
      %add3A_617 = arith.constant 0 : i32
      %add3A_618 = arith.addi %add3A_617, %mul3A_616 : i32
      %add3A_619 = arith.constant 48 : i32
      %add3A_620 = arith.addi %add3A_618, %add3A_619 : i32
      %swap3A_621 = arith.index_cast %add3A_620 : i32 to index
      %swap3A_622 = tpu.vector_load %arg11[%swap3A_621] {strides = array<i32>} : memref<2560xi32, #tpu.memory_space<vmem>>, vector<16xi32>,
      %swap3A_623 = vector.shape_cast %swap3A_622 : vector<16xi32> to vector<16xi32>
      %swap3A_624 = vector.shape_cast %get3A_614 : vector<16xi32> to vector<16xi32>
      tpu.vector_store %arg11[%swap3A_621], %swap3A_624 {strides = array<i32>} : memref<2560xi32, #tpu.memory_space<vmem>>, vector<16xi32>,
      %mul3A_625 = arith.constant 64 : i32
      %mul3A_626 = arith.muli %scan3A_548, %mul3A_625 : i32
      %add3A_627 = arith.constant 0 : i32
      %add3A_628 = arith.addi %mul3A_626, %add3A_627 : i32
      %get3A_629 = arith.constant 1 : i32
      %get3A_630 = arith.index_cast %get3A_629 : i32 to index
      %get3A_631 = arith.index_cast %add3A_628 : i32 to index
      %get3A_632 = tpu.vector_load %arg9[%get3A_630, %get3A_631] {strides = array<i32>} : memref<2x1280xi32, #tpu.memory_space<vmem>>, vector<1x16xi32>,
      %get3A_633 = vector.shape_cast %get3A_632 : vector<1x16xi32> to vector<16xi32>
      %mul3A_634 = arith.constant 64 : i32
      %mul3A_635 = arith.muli %scan3A_548, %mul3A_634 : i32
      %add3A_636 = arith.constant 1280 : i32
      %add3A_637 = arith.addi %add3A_636, %mul3A_635 : i32
      %add3A_638 = arith.constant 0 : i32
      %add3A_639 = arith.addi %add3A_637, %add3A_638 : i32
      %swap3A_640 = arith.index_cast %add3A_639 : i32 to index
      %swap3A_641 = tpu.vector_load %arg11[%swap3A_640] {strides = array<i32>} : memref<2560xi32, #tpu.memory_space<vmem>>, vector<16xi32>,
      %swap3A_642 = vector.shape_cast %swap3A_641 : vector<16xi32> to vector<16xi32>
      %swap3A_643 = vector.shape_cast %get3A_633 : vector<16xi32> to vector<16xi32>
      tpu.vector_store %arg11[%swap3A_640], %swap3A_643 {strides = array<i32>} : memref<2560xi32, #tpu.memory_space<vmem>>, vector<16xi32>,
      %mul3A_644 = arith.constant 64 : i32
      %mul3A_645 = arith.muli %scan3A_548, %mul3A_644 : i32
      %add3A_646 = arith.constant 16 : i32
      %add3A_647 = arith.addi %mul3A_645, %add3A_646 : i32
      %get3A_648 = arith.constant 1 : i32
      %get3A_649 = arith.index_cast %get3A_648 : i32 to index
      %get3A_650 = arith.index_cast %add3A_647 : i32 to index
      %get3A_651 = tpu.vector_load %arg9[%get3A_649, %get3A_650] {strides = array<i32>} : memref<2x1280xi32, #tpu.memory_space<vmem>>, vector<1x16xi32>,
      %get3A_652 = vector.shape_cast %get3A_651 : vector<1x16xi32> to vector<16xi32>
      %mul3A_653 = arith.constant 64 : i32
      %mul3A_654 = arith.muli %scan3A_548, %mul3A_653 : i32
      %add3A_655 = arith.constant 1280 : i32
      %add3A_656 = arith.addi %add3A_655, %mul3A_654 : i32
      %add3A_657 = arith.constant 16 : i32
      %add3A_658 = arith.addi %add3A_656, %add3A_657 : i32
      %swap3A_659 = arith.index_cast %add3A_658 : i32 to index
      %swap3A_660 = tpu.vector_load %arg11[%swap3A_659] {strides = array<i32>} : memref<2560xi32, #tpu.memory_space<vmem>>, vector<16xi32>,
      %swap3A_661 = vector.shape_cast %swap3A_660 : vector<16xi32> to vector<16xi32>
      %swap3A_662 = vector.shape_cast %get3A_652 : vector<16xi32> to vector<16xi32>
      tpu.vector_store %arg11[%swap3A_659], %swap3A_662 {strides = array<i32>} : memref<2560xi32, #tpu.memory_space<vmem>>, vector<16xi32>,
      %mul3A_663 = arith.constant 64 : i32
      %mul3A_664 = arith.muli %scan3A_548, %mul3A_663 : i32
      %add3A_665 = arith.constant 32 : i32
      %add3A_666 = arith.addi %mul3A_664, %add3A_665 : i32
      %get3A_667 = arith.constant 1 : i32
      %get3A_668 = arith.index_cast %get3A_667 : i32 to index
      %get3A_669 = arith.index_cast %add3A_666 : i32 to index
      %get3A_670 = tpu.vector_load %arg9[%get3A_668, %get3A_669] {strides = array<i32>} : memref<2x1280xi32, #tpu.memory_space<vmem>>, vector<1x16xi32>,
      %get3A_671 = vector.shape_cast %get3A_670 : vector<1x16xi32> to vector<16xi32>
      %mul3A_672 = arith.constant 64 : i32
      %mul3A_673 = arith.muli %scan3A_548, %mul3A_672 : i32
      %add3A_674 = arith.constant 1280 : i32
      %add3A_675 = arith.addi %add3A_674, %mul3A_673 : i32
      %add3A_676 = arith.constant 32 : i32
      %add3A_677 = arith.addi %add3A_675, %add3A_676 : i32
      %swap3A_678 = arith.index_cast %add3A_677 : i32 to index
      %swap3A_679 = tpu.vector_load %arg11[%swap3A_678] {strides = array<i32>} : memref<2560xi32, #tpu.memory_space<vmem>>, vector<16xi32>,
      %swap3A_680 = vector.shape_cast %swap3A_679 : vector<16xi32> to vector<16xi32>
      %swap3A_681 = vector.shape_cast %get3A_671 : vector<16xi32> to vector<16xi32>
      tpu.vector_store %arg11[%swap3A_678], %swap3A_681 {strides = array<i32>} : memref<2560xi32, #tpu.memory_space<vmem>>, vector<16xi32>,
      %mul3A_682 = arith.constant 64 : i32
      %mul3A_683 = arith.muli %scan3A_548, %mul3A_682 : i32
      %add3A_684 = arith.constant 48 : i32
      %add3A_685 = arith.addi %mul3A_683, %add3A_684 : i32
      %get3A_686 = arith.constant 1 : i32
      %get3A_687 = arith.index_cast %get3A_686 : i32 to index
      %get3A_688 = arith.index_cast %add3A_685 : i32 to index
      %get3A_689 = tpu.vector_load %arg9[%get3A_687, %get3A_688] {strides = array<i32>} : memref<2x1280xi32, #tpu.memory_space<vmem>>, vector<1x16xi32>,
      %get3A_690 = vector.shape_cast %get3A_689 : vector<1x16xi32> to vector<16xi32>
      %mul3A_691 = arith.constant 64 : i32
      %mul3A_692 = arith.muli %scan3A_548, %mul3A_691 : i32
      %add3A_693 = arith.constant 1280 : i32
      %add3A_694 = arith.addi %add3A_693, %mul3A_692 : i32
      %add3A_695 = arith.constant 48 : i32
      %add3A_696 = arith.addi %add3A_694, %add3A_695 : i32
      %swap3A_697 = arith.index_cast %add3A_696 : i32 to index
      %swap3A_698 = tpu.vector_load %arg11[%swap3A_697] {strides = array<i32>} : memref<2560xi32, #tpu.memory_space<vmem>>, vector<16xi32>,
      %swap3A_699 = vector.shape_cast %swap3A_698 : vector<16xi32> to vector<16xi32>
      %swap3A_700 = vector.shape_cast %get3A_690 : vector<16xi32> to vector<16xi32>
      tpu.vector_store %arg11[%swap3A_697], %swap3A_700 {strides = array<i32>} : memref<2560xi32, #tpu.memory_space<vmem>>, vector<16xi32>,
    }
    %scan3A_77 = arith.constant 20 : i32
    %add3A_78 = arith.constant 2560 : i32
    %add3A_79 = arith.addi %multiple_of3A, %add3A_78 : i32
    %multiple_of3A_80 = tpu.assume_multiple %add3A_79, 128 : i32
    %dma_start3A_81 = arith.constant 0 : i32
    %dma_start3A_82 = tpu.memref_slice %arg2[%dma_start3A_81, %multiple_of3A_80] : memref<2x1600000xi32, #tpu.memory_space<hbm>> -> memref<2x1280xi32, #tpu.memory_space<hbm>>
    %dma_start3A_83 = arith.constant 0 : i32
    %dma_start3A_84 = tpu.memref_slice %arg2[%dma_start3A_83, %multiple_of3A_80] : memref<2x1600000xi32, #tpu.memory_space<hbm>> -> memref<2x1280xi32, #tpu.memory_space<hbm>>
    tpu.enqueue_dma source(%dma_start3A_84 : memref<2x1280xi32, #tpu.memory_space<hbm>>) target(%arg9 : memref<2x1280xi32, #tpu.memory_space<vmem>>) target_semaphore(%arg23 : memref<!tpu.dma_semaphore, #tpu.memory_space<semaphore_mem>>)
    %dma_start3A_85 = arith.constant 0 : i32
    %dma_start3A_86 = tpu.memref_slice %arg6[%dma_start3A_85] : memref<100352xi32, #tpu.memory_space<vmem_shared>> -> memref<100352xi32, #tpu.memory_space<vmem_shared>>
    tpu.enqueue_indirect_dma source(%arg15 : memref<2560xi32, #tpu.memory_space<vmem>>) target(%dma_start3A_86 : memref<100352xi32, #tpu.memory_space<vmem_shared>>) offsets(%arg11 : memref<2560xi32, #tpu.memory_space<vmem>>) semaphore(%arg25 : memref<!tpu.dma_semaphore, #tpu.memory_space<semaphore_mem>>) {add = true}
    %dma_wait3A_87 = tpu.memref_slice %arg3[%mul3A_49] : memref<524288xi32, #tpu.memory_space<hbm>> -> memref<16384xi32, #tpu.memory_space<hbm>>
    %dma_wait3A_88 = tpu.memref_slice %arg3[%mul3A_49] : memref<524288xi32, #tpu.memory_space<hbm>> -> memref<16384xi32, #tpu.memory_space<hbm>>
    tpu.wait_dma2 semaphore(%arg27 : memref<!tpu.dma_semaphore, #tpu.memory_space<semaphore_mem>>) src(%dma_wait3A_88 : memref<16384xi32, #tpu.memory_space<hbm>>) dst(%arg16 : memref<16384xi32, #tpu.memory_space<vmem>>)
    %dma_start3A_89 = arith.constant 0 : i32
    %dma_start3A_90 = tpu.memref_slice %arg16[%dma_start3A_89] : memref<16384xi32, #tpu.memory_space<vmem>> -> memref<8192xi32, #tpu.memory_space<vmem>>
    %dma_start3A_91 = arith.constant 0 : i32
    %dma_start3A_92 = tpu.memref_slice %arg7[%dma_start3A_91] : memref<100352xf32, #tpu.memory_space<vmem_shared>> -> memref<100352xf32, #tpu.memory_space<vmem_shared>>
    tpu.enqueue_indirect_dma source(%dma_start3A_92 : memref<100352xf32, #tpu.memory_space<vmem_shared>>) target(%arg19 : memref<8192xf32, #tpu.memory_space<vmem>>) offsets(%dma_start3A_90 : memref<8192xi32, #tpu.memory_space<vmem>>) semaphore(%arg27 : memref<!tpu.dma_semaphore, #tpu.memory_space<semaphore_mem>>)
    %dma_start3A_93 = arith.constant 8192 : i32
    %dma_start3A_94 = tpu.memref_slice %arg16[%dma_start3A_93] : memref<16384xi32, #tpu.memory_space<vmem>> -> memref<8192xi32, #tpu.memory_space<vmem>>
    %dma_start3A_95 = arith.constant 0 : i32
    %dma_start3A_96 = tpu.memref_slice %arg7[%dma_start3A_95] : memref<100352xf32, #tpu.memory_space<vmem_shared>> -> memref<100352xf32, #tpu.memory_space<vmem_shared>>
    tpu.enqueue_indirect_dma source(%dma_start3A_96 : memref<100352xf32, #tpu.memory_space<vmem_shared>>) target(%arg20 : memref<8192xf32, #tpu.memory_space<vmem>>) offsets(%dma_start3A_94 : memref<8192xi32, #tpu.memory_space<vmem>>) semaphore(%arg28 : memref<!tpu.dma_semaphore, #tpu.memory_space<semaphore_mem>>)
    %dma_wait3A_97 = arith.constant 0 : i32
    %dma_wait3A_98 = arith.constant 0 : i32
    %dma_wait3A_99 = tpu.memref_slice %arg2[%dma_wait3A_97, %dma_wait3A_98] : memref<2x1600000xi32, #tpu.memory_space<hbm>> -> memref<2x1280xi32, #tpu.memory_space<hbm>>
    %dma_wait3A_100 = arith.constant 0 : i32
    %dma_wait3A_101 = arith.constant 0 : i32
    %dma_wait3A_102 = tpu.memref_slice %arg2[%dma_wait3A_100, %dma_wait3A_101] : memref<2x1600000xi32, #tpu.memory_space<hbm>> -> memref<2x1280xi32, #tpu.memory_space<hbm>>
    tpu.wait_dma2 semaphore(%arg24 : memref<!tpu.dma_semaphore, #tpu.memory_space<semaphore_mem>>) src(%dma_wait3A_102 : memref<2x1280xi32, #tpu.memory_space<hbm>>) dst(%arg10 : memref<2x1280xi32, #tpu.memory_space<vmem>>)
    %scan3A_103 = arith.constant 0 : i32
    %scan3A_104 = arith.constant 0 : i32
    %scan3A_105 = arith.constant 20 : i32
    %scan3A_106 = arith.addi %scan3A_104, %scan3A_105 : i32
    %scan3A_107 = arith.constant 1 : i32
    scf.for %scan3A_548 = %scan3A_104 to %scan3A_106 step %scan3A_107  : i32 {
      %mul3A_549 = arith.constant 64 : i32
      %mul3A_550 = arith.muli %scan3A_548, %mul3A_549 : i32
      %add3A_551 = arith.constant 0 : i32
      %add3A_552 = arith.addi %mul3A_550, %add3A_551 : i32
      %get3A_553 = arith.constant 0 : i32
      %get3A_554 = arith.index_cast %get3A_553 : i32 to index
      %get3A_555 = arith.index_cast %add3A_552 : i32 to index
      %get3A_556 = tpu.vector_load %arg10[%get3A_554, %get3A_555] {strides = array<i32>} : memref<2x1280xi32, #tpu.memory_space<vmem>>, vector<1x16xi32>,
      %get3A_557 = vector.shape_cast %get3A_556 : vector<1x16xi32> to vector<16xi32>
      %mul3A_558 = arith.constant 64 : i32
      %mul3A_559 = arith.muli %scan3A_548, %mul3A_558 : i32
      %add3A_560 = arith.constant 0 : i32
      %add3A_561 = arith.addi %add3A_560, %mul3A_559 : i32
      %add3A_562 = arith.constant 0 : i32
      %add3A_563 = arith.addi %add3A_561, %add3A_562 : i32
      %swap3A_564 = arith.index_cast %add3A_563 : i32 to index
      %swap3A_565 = tpu.vector_load %arg12[%swap3A_564] {strides = array<i32>} : memref<2560xi32, #tpu.memory_space<vmem>>, vector<16xi32>,
      %swap3A_566 = vector.shape_cast %swap3A_565 : vector<16xi32> to vector<16xi32>
      %swap3A_567 = vector.shape_cast %get3A_557 : vector<16xi32> to vector<16xi32>
      tpu.vector_store %arg12[%swap3A_564], %swap3A_567 {strides = array<i32>} : memref<2560xi32, #tpu.memory_space<vmem>>, vector<16xi32>,
      %mul3A_568 = arith.constant 64 : i32
      %mul3A_569 = arith.muli %scan3A_548, %mul3A_568 : i32
      %add3A_570 = arith.constant 16 : i32
      %add3A_571 = arith.addi %mul3A_569, %add3A_570 : i32
      %get3A_572 = arith.constant 0 : i32
      %get3A_573 = arith.index_cast %get3A_572 : i32 to index
      %get3A_574 = arith.index_cast %add3A_571 : i32 to index
      %get3A_575 = tpu.vector_load %arg10[%get3A_573, %get3A_574] {strides = array<i32>} : memref<2x1280xi32, #tpu.memory_space<vmem>>, vector<1x16xi32>,
      %get3A_576 = vector.shape_cast %get3A_575 : vector<1x16xi32> to vector<16xi32>
      %mul3A_577 = arith.constant 64 : i32
      %mul3A_578 = arith.muli %scan3A_548, %mul3A_577 : i32
      %add3A_579 = arith.constant 0 : i32
      %add3A_580 = arith.addi %add3A_579, %mul3A_578 : i32
      %add3A_581 = arith.constant 16 : i32
      %add3A_582 = arith.addi %add3A_580, %add3A_581 : i32
      %swap3A_583 = arith.index_cast %add3A_582 : i32 to index
      %swap3A_584 = tpu.vector_load %arg12[%swap3A_583] {strides = array<i32>} : memref<2560xi32, #tpu.memory_space<vmem>>, vector<16xi32>,
      %swap3A_585 = vector.shape_cast %swap3A_584 : vector<16xi32> to vector<16xi32>
      %swap3A_586 = vector.shape_cast %get3A_576 : vector<16xi32> to vector<16xi32>
      tpu.vector_store %arg12[%swap3A_583], %swap3A_586 {strides = array<i32>} : memref<2560xi32, #tpu.memory_space<vmem>>, vector<16xi32>,
      %mul3A_587 = arith.constant 64 : i32
      %mul3A_588 = arith.muli %scan3A_548, %mul3A_587 : i32
      %add3A_589 = arith.constant 32 : i32
      %add3A_590 = arith.addi %mul3A_588, %add3A_589 : i32
      %get3A_591 = arith.constant 0 : i32
      %get3A_592 = arith.index_cast %get3A_591 : i32 to index
      %get3A_593 = arith.index_cast %add3A_590 : i32 to index
      %get3A_594 = tpu.vector_load %arg10[%get3A_592, %get3A_593] {strides = array<i32>} : memref<2x1280xi32, #tpu.memory_space<vmem>>, vector<1x16xi32>,
      %get3A_595 = vector.shape_cast %get3A_594 : vector<1x16xi32> to vector<16xi32>
      %mul3A_596 = arith.constant 64 : i32
      %mul3A_597 = arith.muli %scan3A_548, %mul3A_596 : i32
      %add3A_598 = arith.constant 0 : i32
      %add3A_599 = arith.addi %add3A_598, %mul3A_597 : i32
      %add3A_600 = arith.constant 32 : i32
      %add3A_601 = arith.addi %add3A_599, %add3A_600 : i32
      %swap3A_602 = arith.index_cast %add3A_601 : i32 to index
      %swap3A_603 = tpu.vector_load %arg12[%swap3A_602] {strides = array<i32>} : memref<2560xi32, #tpu.memory_space<vmem>>, vector<16xi32>,
      %swap3A_604 = vector.shape_cast %swap3A_603 : vector<16xi32> to vector<16xi32>
      %swap3A_605 = vector.shape_cast %get3A_595 : vector<16xi32> to vector<16xi32>
      tpu.vector_store %arg12[%swap3A_602], %swap3A_605 {strides = array<i32>} : memref<2560xi32, #tpu.memory_space<vmem>>, vector<16xi32>,
      %mul3A_606 = arith.constant 64 : i32
      %mul3A_607 = arith.muli %scan3A_548, %mul3A_606 : i32
      %add3A_608 = arith.constant 48 : i32
      %add3A_609 = arith.addi %mul3A_607, %add3A_608 : i32
      %get3A_610 = arith.constant 0 : i32
      %get3A_611 = arith.index_cast %get3A_610 : i32 to index
      %get3A_612 = arith.index_cast %add3A_609 : i32 to index
      %get3A_613 = tpu.vector_load %arg10[%get3A_611, %get3A_612] {strides = array<i32>} : memref<2x1280xi32, #tpu.memory_space<vmem>>, vector<1x16xi32>,
      %get3A_614 = vector.shape_cast %get3A_613 : vector<1x16xi32> to vector<16xi32>
      %mul3A_615 = arith.constant 64 : i32
      %mul3A_616 = arith.muli %scan3A_548, %mul3A_615 : i32
      %add3A_617 = arith.constant 0 : i32
      %add3A_618 = arith.addi %add3A_617, %mul3A_616 : i32
      %add3A_619 = arith.constant 48 : i32
      %add3A_620 = arith.addi %add3A_618, %add3A_619 : i32
      %swap3A_621 = arith.index_cast %add3A_620 : i32 to index
      %swap3A_622 = tpu.vector_load %arg12[%swap3A_621] {strides = array<i32>} : memref<2560xi32, #tpu.memory_space<vmem>>, vector<16xi32>,
      %swap3A_623 = vector.shape_cast %swap3A_622 : vector<16xi32> to vector<16xi32>
      %swap3A_624 = vector.shape_cast %get3A_614 : vector<16xi32> to vector<16xi32>
      tpu.vector_store %arg12[%swap3A_621], %swap3A_624 {strides = array<i32>} : memref<2560xi32, #tpu.memory_space<vmem>>, vector<16xi32>,
      %mul3A_625 = arith.constant 64 : i32
      %mul3A_626 = arith.muli %scan3A_548, %mul3A_625 : i32
      %add3A_627 = arith.constant 0 : i32
      %add3A_628 = arith.addi %mul3A_626, %add3A_627 : i32
      %get3A_629 = arith.constant 1 : i32
      %get3A_630 = arith.index_cast %get3A_629 : i32 to index
      %get3A_631 = arith.index_cast %add3A_628 : i32 to index
      %get3A_632 = tpu.vector_load %arg10[%get3A_630, %get3A_631] {strides = array<i32>} : memref<2x1280xi32, #tpu.memory_space<vmem>>, vector<1x16xi32>,
      %get3A_633 = vector.shape_cast %get3A_632 : vector<1x16xi32> to vector<16xi32>
      %mul3A_634 = arith.constant 64 : i32
      %mul3A_635 = arith.muli %scan3A_548, %mul3A_634 : i32
      %add3A_636 = arith.constant 1280 : i32
      %add3A_637 = arith.addi %add3A_636, %mul3A_635 : i32
      %add3A_638 = arith.constant 0 : i32
      %add3A_639 = arith.addi %add3A_637, %add3A_638 : i32
      %swap3A_640 = arith.index_cast %add3A_639 : i32 to index
      %swap3A_641 = tpu.vector_load %arg12[%swap3A_640] {strides = array<i32>} : memref<2560xi32, #tpu.memory_space<vmem>>, vector<16xi32>,
      %swap3A_642 = vector.shape_cast %swap3A_641 : vector<16xi32> to vector<16xi32>
      %swap3A_643 = vector.shape_cast %get3A_633 : vector<16xi32> to vector<16xi32>
      tpu.vector_store %arg12[%swap3A_640], %swap3A_643 {strides = array<i32>} : memref<2560xi32, #tpu.memory_space<vmem>>, vector<16xi32>,
      %mul3A_644 = arith.constant 64 : i32
      %mul3A_645 = arith.muli %scan3A_548, %mul3A_644 : i32
      %add3A_646 = arith.constant 16 : i32
      %add3A_647 = arith.addi %mul3A_645, %add3A_646 : i32
      %get3A_648 = arith.constant 1 : i32
      %get3A_649 = arith.index_cast %get3A_648 : i32 to index
      %get3A_650 = arith.index_cast %add3A_647 : i32 to index
      %get3A_651 = tpu.vector_load %arg10[%get3A_649, %get3A_650] {strides = array<i32>} : memref<2x1280xi32, #tpu.memory_space<vmem>>, vector<1x16xi32>,
      %get3A_652 = vector.shape_cast %get3A_651 : vector<1x16xi32> to vector<16xi32>
      %mul3A_653 = arith.constant 64 : i32
      %mul3A_654 = arith.muli %scan3A_548, %mul3A_653 : i32
      %add3A_655 = arith.constant 1280 : i32
      %add3A_656 = arith.addi %add3A_655, %mul3A_654 : i32
      %add3A_657 = arith.constant 16 : i32
      %add3A_658 = arith.addi %add3A_656, %add3A_657 : i32
      %swap3A_659 = arith.index_cast %add3A_658 : i32 to index
      %swap3A_660 = tpu.vector_load %arg12[%swap3A_659] {strides = array<i32>} : memref<2560xi32, #tpu.memory_space<vmem>>, vector<16xi32>,
      %swap3A_661 = vector.shape_cast %swap3A_660 : vector<16xi32> to vector<16xi32>
      %swap3A_662 = vector.shape_cast %get3A_652 : vector<16xi32> to vector<16xi32>
      tpu.vector_store %arg12[%swap3A_659], %swap3A_662 {strides = array<i32>} : memref<2560xi32, #tpu.memory_space<vmem>>, vector<16xi32>,
      %mul3A_663 = arith.constant 64 : i32
      %mul3A_664 = arith.muli %scan3A_548, %mul3A_663 : i32
      %add3A_665 = arith.constant 32 : i32
      %add3A_666 = arith.addi %mul3A_664, %add3A_665 : i32
      %get3A_667 = arith.constant 1 : i32
      %get3A_668 = arith.index_cast %get3A_667 : i32 to index
      %get3A_669 = arith.index_cast %add3A_666 : i32 to index
      %get3A_670 = tpu.vector_load %arg10[%get3A_668, %get3A_669] {strides = array<i32>} : memref<2x1280xi32, #tpu.memory_space<vmem>>, vector<1x16xi32>,
      %get3A_671 = vector.shape_cast %get3A_670 : vector<1x16xi32> to vector<16xi32>
      %mul3A_672 = arith.constant 64 : i32
      %mul3A_673 = arith.muli %scan3A_548, %mul3A_672 : i32
      %add3A_674 = arith.constant 1280 : i32
      %add3A_675 = arith.addi %add3A_674, %mul3A_673 : i32
      %add3A_676 = arith.constant 32 : i32
      %add3A_677 = arith.addi %add3A_675, %add3A_676 : i32
      %swap3A_678 = arith.index_cast %add3A_677 : i32 to index
      %swap3A_679 = tpu.vector_load %arg12[%swap3A_678] {strides = array<i32>} : memref<2560xi32, #tpu.memory_space<vmem>>, vector<16xi32>,
      %swap3A_680 = vector.shape_cast %swap3A_679 : vector<16xi32> to vector<16xi32>
      %swap3A_681 = vector.shape_cast %get3A_671 : vector<16xi32> to vector<16xi32>
      tpu.vector_store %arg12[%swap3A_678], %swap3A_681 {strides = array<i32>} : memref<2560xi32, #tpu.memory_space<vmem>>, vector<16xi32>,
      %mul3A_682 = arith.constant 64 : i32
      %mul3A_683 = arith.muli %scan3A_548, %mul3A_682 : i32
      %add3A_684 = arith.constant 48 : i32
      %add3A_685 = arith.addi %mul3A_683, %add3A_684 : i32
      %get3A_686 = arith.constant 1 : i32
      %get3A_687 = arith.index_cast %get3A_686 : i32 to index
      %get3A_688 = arith.index_cast %add3A_685 : i32 to index
      %get3A_689 = tpu.vector_load %arg10[%get3A_687, %get3A_688] {strides = array<i32>} : memref<2x1280xi32, #tpu.memory_space<vmem>>, vector<1x16xi32>,
      %get3A_690 = vector.shape_cast %get3A_689 : vector<1x16xi32> to vector<16xi32>
      %mul3A_691 = arith.constant 64 : i32
      %mul3A_692 = arith.muli %scan3A_548, %mul3A_691 : i32
      %add3A_693 = arith.constant 1280 : i32
      %add3A_694 = arith.addi %add3A_693, %mul3A_692 : i32
      %add3A_695 = arith.constant 48 : i32
      %add3A_696 = arith.addi %add3A_694, %add3A_695 : i32
      %swap3A_697 = arith.index_cast %add3A_696 : i32 to index
      %swap3A_698 = tpu.vector_load %arg12[%swap3A_697] {strides = array<i32>} : memref<2560xi32, #tpu.memory_space<vmem>>, vector<16xi32>,
      %swap3A_699 = vector.shape_cast %swap3A_698 : vector<16xi32> to vector<16xi32>
      %swap3A_700 = vector.shape_cast %get3A_690 : vector<16xi32> to vector<16xi32>
      tpu.vector_store %arg12[%swap3A_697], %swap3A_700 {strides = array<i32>} : memref<2560xi32, #tpu.memory_space<vmem>>, vector<16xi32>,
    }
    %scan3A_108 = arith.constant 20 : i32
    %add3A_109 = arith.constant 3840 : i32
    %add3A_110 = arith.addi %multiple_of3A, %add3A_109 : i32
    %multiple_of3A_111 = tpu.assume_multiple %add3A_110, 128 : i32
    %dma_start3A_112 = arith.constant 0 : i32
    %dma_start3A_113 = tpu.memref_slice %arg2[%dma_start3A_112, %multiple_of3A_111] : memref<2x1600000xi32, #tpu.memory_space<hbm>> -> memref<2x1280xi32, #tpu.memory_space<hbm>>
    %dma_start3A_114 = arith.constant 0 : i32
    %dma_start3A_115 = tpu.memref_slice %arg2[%dma_start3A_114, %multiple_of3A_111] : memref<2x1600000xi32, #tpu.memory_space<hbm>> -> memref<2x1280xi32, #tpu.memory_space<hbm>>
    tpu.enqueue_dma source(%dma_start3A_115 : memref<2x1280xi32, #tpu.memory_space<hbm>>) target(%arg10 : memref<2x1280xi32, #tpu.memory_space<vmem>>) target_semaphore(%arg24 : memref<!tpu.dma_semaphore, #tpu.memory_space<semaphore_mem>>)
    %dma_start3A_116 = arith.constant 0 : i32
    %dma_start3A_117 = tpu.memref_slice %arg6[%dma_start3A_116] : memref<100352xi32, #tpu.memory_space<vmem_shared>> -> memref<100352xi32, #tpu.memory_space<vmem_shared>>
    tpu.enqueue_indirect_dma source(%arg15 : memref<2560xi32, #tpu.memory_space<vmem>>) target(%dma_start3A_117 : memref<100352xi32, #tpu.memory_space<vmem_shared>>) offsets(%arg12 : memref<2560xi32, #tpu.memory_space<vmem>>) semaphore(%arg26 : memref<!tpu.dma_semaphore, #tpu.memory_space<semaphore_mem>>) {add = true}
    %scan3A_118 = arith.constant 0 : i32
    %scan3A_119 = arith.constant 1 : i32
    %scan3A_120 = arith.constant 38 : i32
    %scan3A_121 = arith.addi %scan3A_119, %scan3A_120 : i32
    %scan3A_122 = arith.constant 1 : i32
    scf.for %scan3A_548 = %scan3A_119 to %scan3A_121 step %scan3A_122  : i32 {
      %mul3A_549 = arith.constant 2 : i32
      %mul3A_550 = arith.muli %mul3A_549, %scan3A_548 : i32
      %dma_wait3A_551 = arith.constant 0 : i32
      %dma_wait3A_552 = arith.constant 0 : i32
      %dma_wait3A_553 = tpu.memref_slice %arg2[%dma_wait3A_551, %dma_wait3A_552] : memref<2x1600000xi32, #tpu.memory_space<hbm>> -> memref<2x1280xi32, #tpu.memory_space<hbm>>
      %dma_wait3A_554 = arith.constant 0 : i32
      %dma_wait3A_555 = arith.constant 0 : i32
      %dma_wait3A_556 = tpu.memref_slice %arg2[%dma_wait3A_554, %dma_wait3A_555] : memref<2x1600000xi32, #tpu.memory_space<hbm>> -> memref<2x1280xi32, #tpu.memory_space<hbm>>
      tpu.wait_dma2 semaphore(%arg23 : memref<!tpu.dma_semaphore, #tpu.memory_space<semaphore_mem>>) src(%dma_wait3A_556 : memref<2x1280xi32, #tpu.memory_space<hbm>>) dst(%arg9 : memref<2x1280xi32, #tpu.memory_space<vmem>>)
      %dma_wait3A_557 = arith.constant 0 : i32
      %dma_wait3A_558 = tpu.memref_slice %arg6[%dma_wait3A_557] : memref<100352xi32, #tpu.memory_space<vmem_shared>> -> memref<100352xi32, #tpu.memory_space<vmem_shared>>
      tpu.wait_indirect_dma semaphore(%arg25 : memref<!tpu.dma_semaphore, #tpu.memory_space<semaphore_mem>>) src(%arg15 : memref<2560xi32, #tpu.memory_space<vmem>>) dst(%dma_wait3A_558 : memref<100352xi32, #tpu.memory_space<vmem_shared>>)
      %scan3A_559 = arith.constant 0 : i32
      %scan3A_560 = arith.constant 0 : i32
      %scan3A_561 = arith.constant 20 : i32
      %scan3A_562 = arith.addi %scan3A_560, %scan3A_561 : i32
      %scan3A_563 = arith.constant 1 : i32
      scf.for %scan3A_603 = %scan3A_560 to %scan3A_562 step %scan3A_563  : i32 {
        %mul3A_604 = arith.constant 64 : i32
        %mul3A_605 = arith.muli %scan3A_603, %mul3A_604 : i32
        %add3A_606 = arith.constant 0 : i32
        %add3A_607 = arith.addi %mul3A_605, %add3A_606 : i32
        %get3A_608 = arith.constant 0 : i32
        %get3A_609 = arith.index_cast %get3A_608 : i32 to index
        %get3A_610 = arith.index_cast %add3A_607 : i32 to index
        %get3A_611 = tpu.vector_load %arg9[%get3A_609, %get3A_610] {strides = array<i32>} : memref<2x1280xi32, #tpu.memory_space<vmem>>, vector<1x16xi32>,
        %get3A_612 = vector.shape_cast %get3A_611 : vector<1x16xi32> to vector<16xi32>
        %mul3A_613 = arith.constant 64 : i32
        %mul3A_614 = arith.muli %scan3A_603, %mul3A_613 : i32
        %add3A_615 = arith.constant 0 : i32
        %add3A_616 = arith.addi %add3A_615, %mul3A_614 : i32
        %add3A_617 = arith.constant 0 : i32
        %add3A_618 = arith.addi %add3A_616, %add3A_617 : i32
        %swap3A_619 = arith.index_cast %add3A_618 : i32 to index
        %swap3A_620 = tpu.vector_load %arg11[%swap3A_619] {strides = array<i32>} : memref<2560xi32, #tpu.memory_space<vmem>>, vector<16xi32>,
        %swap3A_621 = vector.shape_cast %swap3A_620 : vector<16xi32> to vector<16xi32>
        %swap3A_622 = vector.shape_cast %get3A_612 : vector<16xi32> to vector<16xi32>
        tpu.vector_store %arg11[%swap3A_619], %swap3A_622 {strides = array<i32>} : memref<2560xi32, #tpu.memory_space<vmem>>, vector<16xi32>,
        %mul3A_623 = arith.constant 64 : i32
        %mul3A_624 = arith.muli %scan3A_603, %mul3A_623 : i32
        %add3A_625 = arith.constant 16 : i32
        %add3A_626 = arith.addi %mul3A_624, %add3A_625 : i32
        %get3A_627 = arith.constant 0 : i32
        %get3A_628 = arith.index_cast %get3A_627 : i32 to index
        %get3A_629 = arith.index_cast %add3A_626 : i32 to index
        %get3A_630 = tpu.vector_load %arg9[%get3A_628, %get3A_629] {strides = array<i32>} : memref<2x1280xi32, #tpu.memory_space<vmem>>, vector<1x16xi32>,
        %get3A_631 = vector.shape_cast %get3A_630 : vector<1x16xi32> to vector<16xi32>
        %mul3A_632 = arith.constant 64 : i32
        %mul3A_633 = arith.muli %scan3A_603, %mul3A_632 : i32
        %add3A_634 = arith.constant 0 : i32
        %add3A_635 = arith.addi %add3A_634, %mul3A_633 : i32
        %add3A_636 = arith.constant 16 : i32
        %add3A_637 = arith.addi %add3A_635, %add3A_636 : i32
        %swap3A_638 = arith.index_cast %add3A_637 : i32 to index
        %swap3A_639 = tpu.vector_load %arg11[%swap3A_638] {strides = array<i32>} : memref<2560xi32, #tpu.memory_space<vmem>>, vector<16xi32>,
        %swap3A_640 = vector.shape_cast %swap3A_639 : vector<16xi32> to vector<16xi32>
        %swap3A_641 = vector.shape_cast %get3A_631 : vector<16xi32> to vector<16xi32>
        tpu.vector_store %arg11[%swap3A_638], %swap3A_641 {strides = array<i32>} : memref<2560xi32, #tpu.memory_space<vmem>>, vector<16xi32>,
        %mul3A_642 = arith.constant 64 : i32
        %mul3A_643 = arith.muli %scan3A_603, %mul3A_642 : i32
        %add3A_644 = arith.constant 32 : i32
        %add3A_645 = arith.addi %mul3A_643, %add3A_644 : i32
        %get3A_646 = arith.constant 0 : i32
        %get3A_647 = arith.index_cast %get3A_646 : i32 to index
        %get3A_648 = arith.index_cast %add3A_645 : i32 to index
        %get3A_649 = tpu.vector_load %arg9[%get3A_647, %get3A_648] {strides = array<i32>} : memref<2x1280xi32, #tpu.memory_space<vmem>>, vector<1x16xi32>,
        %get3A_650 = vector.shape_cast %get3A_649 : vector<1x16xi32> to vector<16xi32>
        %mul3A_651 = arith.constant 64 : i32
        %mul3A_652 = arith.muli %scan3A_603, %mul3A_651 : i32
        %add3A_653 = arith.constant 0 : i32
        %add3A_654 = arith.addi %add3A_653, %mul3A_652 : i32
        %add3A_655 = arith.constant 32 : i32
        %add3A_656 = arith.addi %add3A_654, %add3A_655 : i32
        %swap3A_657 = arith.index_cast %add3A_656 : i32 to index
        %swap3A_658 = tpu.vector_load %arg11[%swap3A_657] {strides = array<i32>} : memref<2560xi32, #tpu.memory_space<vmem>>, vector<16xi32>,
        %swap3A_659 = vector.shape_cast %swap3A_658 : vector<16xi32> to vector<16xi32>
        %swap3A_660 = vector.shape_cast %get3A_650 : vector<16xi32> to vector<16xi32>
        tpu.vector_store %arg11[%swap3A_657], %swap3A_660 {strides = array<i32>} : memref<2560xi32, #tpu.memory_space<vmem>>, vector<16xi32>,
        %mul3A_661 = arith.constant 64 : i32
        %mul3A_662 = arith.muli %scan3A_603, %mul3A_661 : i32
        %add3A_663 = arith.constant 48 : i32
        %add3A_664 = arith.addi %mul3A_662, %add3A_663 : i32
        %get3A_665 = arith.constant 0 : i32
        %get3A_666 = arith.index_cast %get3A_665 : i32 to index
        %get3A_667 = arith.index_cast %add3A_664 : i32 to index
        %get3A_668 = tpu.vector_load %arg9[%get3A_666, %get3A_667] {strides = array<i32>} : memref<2x1280xi32, #tpu.memory_space<vmem>>, vector<1x16xi32>,
        %get3A_669 = vector.shape_cast %get3A_668 : vector<1x16xi32> to vector<16xi32>
        %mul3A_670 = arith.constant 64 : i32
        %mul3A_671 = arith.muli %scan3A_603, %mul3A_670 : i32
        %add3A_672 = arith.constant 0 : i32
        %add3A_673 = arith.addi %add3A_672, %mul3A_671 : i32
        %add3A_674 = arith.constant 48 : i32
        %add3A_675 = arith.addi %add3A_673, %add3A_674 : i32
        %swap3A_676 = arith.index_cast %add3A_675 : i32 to index
        %swap3A_677 = tpu.vector_load %arg11[%swap3A_676] {strides = array<i32>} : memref<2560xi32, #tpu.memory_space<vmem>>, vector<16xi32>,
        %swap3A_678 = vector.shape_cast %swap3A_677 : vector<16xi32> to vector<16xi32>
        %swap3A_679 = vector.shape_cast %get3A_669 : vector<16xi32> to vector<16xi32>
        tpu.vector_store %arg11[%swap3A_676], %swap3A_679 {strides = array<i32>} : memref<2560xi32, #tpu.memory_space<vmem>>, vector<16xi32>,
        %mul3A_680 = arith.constant 64 : i32
        %mul3A_681 = arith.muli %scan3A_603, %mul3A_680 : i32
        %add3A_682 = arith.constant 0 : i32
        %add3A_683 = arith.addi %mul3A_681, %add3A_682 : i32
        %get3A_684 = arith.constant 1 : i32
        %get3A_685 = arith.index_cast %get3A_684 : i32 to index
        %get3A_686 = arith.index_cast %add3A_683 : i32 to index
        %get3A_687 = tpu.vector_load %arg9[%get3A_685, %get3A_686] {strides = array<i32>} : memref<2x1280xi32, #tpu.memory_space<vmem>>, vector<1x16xi32>,
        %get3A_688 = vector.shape_cast %get3A_687 : vector<1x16xi32> to vector<16xi32>
        %mul3A_689 = arith.constant 64 : i32
        %mul3A_690 = arith.muli %scan3A_603, %mul3A_689 : i32
        %add3A_691 = arith.constant 1280 : i32
        %add3A_692 = arith.addi %add3A_691, %mul3A_690 : i32
        %add3A_693 = arith.constant 0 : i32
        %add3A_694 = arith.addi %add3A_692, %add3A_693 : i32
        %swap3A_695 = arith.index_cast %add3A_694 : i32 to index
        %swap3A_696 = tpu.vector_load %arg11[%swap3A_695] {strides = array<i32>} : memref<2560xi32, #tpu.memory_space<vmem>>, vector<16xi32>,
        %swap3A_697 = vector.shape_cast %swap3A_696 : vector<16xi32> to vector<16xi32>
        %swap3A_698 = vector.shape_cast %get3A_688 : vector<16xi32> to vector<16xi32>
        tpu.vector_store %arg11[%swap3A_695], %swap3A_698 {strides = array<i32>} : memref<2560xi32, #tpu.memory_space<vmem>>, vector<16xi32>,
        %mul3A_699 = arith.constant 64 : i32
        %mul3A_700 = arith.muli %scan3A_603, %mul3A_699 : i32
        %add3A_701 = arith.constant 16 : i32
        %add3A_702 = arith.addi %mul3A_700, %add3A_701 : i32
        %get3A_703 = arith.constant 1 : i32
        %get3A_704 = arith.index_cast %get3A_703 : i32 to index
        %get3A_705 = arith.index_cast %add3A_702 : i32 to index
        %get3A_706 = tpu.vector_load %arg9[%get3A_704, %get3A_705] {strides = array<i32>} : memref<2x1280xi32, #tpu.memory_space<vmem>>, vector<1x16xi32>,
        %get3A_707 = vector.shape_cast %get3A_706 : vector<1x16xi32> to vector<16xi32>
        %mul3A_708 = arith.constant 64 : i32
        %mul3A_709 = arith.muli %scan3A_603, %mul3A_708 : i32
        %add3A_710 = arith.constant 1280 : i32
        %add3A_711 = arith.addi %add3A_710, %mul3A_709 : i32
        %add3A_712 = arith.constant 16 : i32
        %add3A_713 = arith.addi %add3A_711, %add3A_712 : i32
        %swap3A_714 = arith.index_cast %add3A_713 : i32 to index
        %swap3A_715 = tpu.vector_load %arg11[%swap3A_714] {strides = array<i32>} : memref<2560xi32, #tpu.memory_space<vmem>>, vector<16xi32>,
        %swap3A_716 = vector.shape_cast %swap3A_715 : vector<16xi32> to vector<16xi32>
        %swap3A_717 = vector.shape_cast %get3A_707 : vector<16xi32> to vector<16xi32>
        tpu.vector_store %arg11[%swap3A_714], %swap3A_717 {strides = array<i32>} : memref<2560xi32, #tpu.memory_space<vmem>>, vector<16xi32>,
        %mul3A_718 = arith.constant 64 : i32
        %mul3A_719 = arith.muli %scan3A_603, %mul3A_718 : i32
        %add3A_720 = arith.constant 32 : i32
        %add3A_721 = arith.addi %mul3A_719, %add3A_720 : i32
        %get3A_722 = arith.constant 1 : i32
        %get3A_723 = arith.index_cast %get3A_722 : i32 to index
        %get3A_724 = arith.index_cast %add3A_721 : i32 to index
        %get3A_725 = tpu.vector_load %arg9[%get3A_723, %get3A_724] {strides = array<i32>} : memref<2x1280xi32, #tpu.memory_space<vmem>>, vector<1x16xi32>,
        %get3A_726 = vector.shape_cast %get3A_725 : vector<1x16xi32> to vector<16xi32>
        %mul3A_727 = arith.constant 64 : i32
        %mul3A_728 = arith.muli %scan3A_603, %mul3A_727 : i32
        %add3A_729 = arith.constant 1280 : i32
        %add3A_730 = arith.addi %add3A_729, %mul3A_728 : i32
        %add3A_731 = arith.constant 32 : i32
        %add3A_732 = arith.addi %add3A_730, %add3A_731 : i32
        %swap3A_733 = arith.index_cast %add3A_732 : i32 to index
        %swap3A_734 = tpu.vector_load %arg11[%swap3A_733] {strides = array<i32>} : memref<2560xi32, #tpu.memory_space<vmem>>, vector<16xi32>,
        %swap3A_735 = vector.shape_cast %swap3A_734 : vector<16xi32> to vector<16xi32>
        %swap3A_736 = vector.shape_cast %get3A_726 : vector<16xi32> to vector<16xi32>
        tpu.vector_store %arg11[%swap3A_733], %swap3A_736 {strides = array<i32>} : memref<2560xi32, #tpu.memory_space<vmem>>, vector<16xi32>,
        %mul3A_737 = arith.constant 64 : i32
        %mul3A_738 = arith.muli %scan3A_603, %mul3A_737 : i32
        %add3A_739 = arith.constant 48 : i32
        %add3A_740 = arith.addi %mul3A_738, %add3A_739 : i32
        %get3A_741 = arith.constant 1 : i32
        %get3A_742 = arith.index_cast %get3A_741 : i32 to index
        %get3A_743 = arith.index_cast %add3A_740 : i32 to index
        %get3A_744 = tpu.vector_load %arg9[%get3A_742, %get3A_743] {strides = array<i32>} : memref<2x1280xi32, #tpu.memory_space<vmem>>, vector<1x16xi32>,
        %get3A_745 = vector.shape_cast %get3A_744 : vector<1x16xi32> to vector<16xi32>
        %mul3A_746 = arith.constant 64 : i32
        %mul3A_747 = arith.muli %scan3A_603, %mul3A_746 : i32
        %add3A_748 = arith.constant 1280 : i32
        %add3A_749 = arith.addi %add3A_748, %mul3A_747 : i32
        %add3A_750 = arith.constant 48 : i32
        %add3A_751 = arith.addi %add3A_749, %add3A_750 : i32
        %swap3A_752 = arith.index_cast %add3A_751 : i32 to index
        %swap3A_753 = tpu.vector_load %arg11[%swap3A_752] {strides = array<i32>} : memref<2560xi32, #tpu.memory_space<vmem>>, vector<16xi32>,
        %swap3A_754 = vector.shape_cast %swap3A_753 : vector<16xi32> to vector<16xi32>
        %swap3A_755 = vector.shape_cast %get3A_745 : vector<16xi32> to vector<16xi32>
        tpu.vector_store %arg11[%swap3A_752], %swap3A_755 {strides = array<i32>} : memref<2560xi32, #tpu.memory_space<vmem>>, vector<16xi32>,
      }
      %scan3A_564 = arith.constant 20 : i32
      %add3A_565 = arith.constant 2 : i32
      %add3A_566 = arith.addi %mul3A_550, %add3A_565 : i32
      %mul3A_567 = arith.constant 1280 : i32
      %mul3A_568 = arith.muli %add3A_566, %mul3A_567 : i32
      %add3A_569 = arith.addi %multiple_of3A, %mul3A_568 : i32
      %multiple_of3A_570 = tpu.assume_multiple %add3A_569, 128 : i32
      %dma_start3A_571 = arith.constant 0 : i32
      %dma_start3A_572 = tpu.memref_slice %arg2[%dma_start3A_571, %multiple_of3A_570] : memref<2x1600000xi32, #tpu.memory_space<hbm>> -> memref<2x1280xi32, #tpu.memory_space<hbm>>
      %dma_start3A_573 = arith.constant 0 : i32
      %dma_start3A_574 = tpu.memref_slice %arg2[%dma_start3A_573, %multiple_of3A_570] : memref<2x1600000xi32, #tpu.memory_space<hbm>> -> memref<2x1280xi32, #tpu.memory_space<hbm>>
      tpu.enqueue_dma source(%dma_start3A_574 : memref<2x1280xi32, #tpu.memory_space<hbm>>) target(%arg9 : memref<2x1280xi32, #tpu.memory_space<vmem>>) target_semaphore(%arg23 : memref<!tpu.dma_semaphore, #tpu.memory_space<semaphore_mem>>)
      %dma_start3A_575 = arith.constant 0 : i32
      %dma_start3A_576 = tpu.memref_slice %arg6[%dma_start3A_575] : memref<100352xi32, #tpu.memory_space<vmem_shared>> -> memref<100352xi32, #tpu.memory_space<vmem_shared>>
      tpu.enqueue_indirect_dma source(%arg15 : memref<2560xi32, #tpu.memory_space<vmem>>) target(%dma_start3A_576 : memref<100352xi32, #tpu.memory_space<vmem_shared>>) offsets(%arg11 : memref<2560xi32, #tpu.memory_space<vmem>>) semaphore(%arg25 : memref<!tpu.dma_semaphore, #tpu.memory_space<semaphore_mem>>) {add = true}
      %dma_wait3A_577 = arith.constant 0 : i32
      %dma_wait3A_578 = arith.constant 0 : i32
      %dma_wait3A_579 = tpu.memref_slice %arg2[%dma_wait3A_577, %dma_wait3A_578] : memref<2x1600000xi32, #tpu.memory_space<hbm>> -> memref<2x1280xi32, #tpu.memory_space<hbm>>
      %dma_wait3A_580 = arith.constant 0 : i32
      %dma_wait3A_581 = arith.constant 0 : i32
      %dma_wait3A_582 = tpu.memref_slice %arg2[%dma_wait3A_580, %dma_wait3A_581] : memref<2x1600000xi32, #tpu.memory_space<hbm>> -> memref<2x1280xi32, #tpu.memory_space<hbm>>
      tpu.wait_dma2 semaphore(%arg24 : memref<!tpu.dma_semaphore, #tpu.memory_space<semaphore_mem>>) src(%dma_wait3A_582 : memref<2x1280xi32, #tpu.memory_space<hbm>>) dst(%arg10 : memref<2x1280xi32, #tpu.memory_space<vmem>>)
      %dma_wait3A_583 = arith.constant 0 : i32
      %dma_wait3A_584 = tpu.memref_slice %arg6[%dma_wait3A_583] : memref<100352xi32, #tpu.memory_space<vmem_shared>> -> memref<100352xi32, #tpu.memory_space<vmem_shared>>
      tpu.wait_indirect_dma semaphore(%arg26 : memref<!tpu.dma_semaphore, #tpu.memory_space<semaphore_mem>>) src(%arg15 : memref<2560xi32, #tpu.memory_space<vmem>>) dst(%dma_wait3A_584 : memref<100352xi32, #tpu.memory_space<vmem_shared>>)
      %scan3A_585 = arith.constant 0 : i32
      %scan3A_586 = arith.constant 0 : i32
      %scan3A_587 = arith.constant 20 : i32
      %scan3A_588 = arith.addi %scan3A_586, %scan3A_587 : i32
      %scan3A_589 = arith.constant 1 : i32
      scf.for %scan3A_603 = %scan3A_586 to %scan3A_588 step %scan3A_589  : i32 {
        %mul3A_604 = arith.constant 64 : i32
        %mul3A_605 = arith.muli %scan3A_603, %mul3A_604 : i32
        %add3A_606 = arith.constant 0 : i32
        %add3A_607 = arith.addi %mul3A_605, %add3A_606 : i32
        %get3A_608 = arith.constant 0 : i32
        %get3A_609 = arith.index_cast %get3A_608 : i32 to index
        %get3A_610 = arith.index_cast %add3A_607 : i32 to index
        %get3A_611 = tpu.vector_load %arg10[%get3A_609, %get3A_610] {strides = array<i32>} : memref<2x1280xi32, #tpu.memory_space<vmem>>, vector<1x16xi32>,
        %get3A_612 = vector.shape_cast %get3A_611 : vector<1x16xi32> to vector<16xi32>
        %mul3A_613 = arith.constant 64 : i32
        %mul3A_614 = arith.muli %scan3A_603, %mul3A_613 : i32
        %add3A_615 = arith.constant 0 : i32
        %add3A_616 = arith.addi %add3A_615, %mul3A_614 : i32
        %add3A_617 = arith.constant 0 : i32
        %add3A_618 = arith.addi %add3A_616, %add3A_617 : i32
        %swap3A_619 = arith.index_cast %add3A_618 : i32 to index
        %swap3A_620 = tpu.vector_load %arg12[%swap3A_619] {strides = array<i32>} : memref<2560xi32, #tpu.memory_space<vmem>>, vector<16xi32>,
        %swap3A_621 = vector.shape_cast %swap3A_620 : vector<16xi32> to vector<16xi32>
        %swap3A_622 = vector.shape_cast %get3A_612 : vector<16xi32> to vector<16xi32>
        tpu.vector_store %arg12[%swap3A_619], %swap3A_622 {strides = array<i32>} : memref<2560xi32, #tpu.memory_space<vmem>>, vector<16xi32>,
        %mul3A_623 = arith.constant 64 : i32
        %mul3A_624 = arith.muli %scan3A_603, %mul3A_623 : i32
        %add3A_625 = arith.constant 16 : i32
        %add3A_626 = arith.addi %mul3A_624, %add3A_625 : i32
        %get3A_627 = arith.constant 0 : i32
        %get3A_628 = arith.index_cast %get3A_627 : i32 to index
        %get3A_629 = arith.index_cast %add3A_626 : i32 to index
        %get3A_630 = tpu.vector_load %arg10[%get3A_628, %get3A_629] {strides = array<i32>} : memref<2x1280xi32, #tpu.memory_space<vmem>>, vector<1x16xi32>,
        %get3A_631 = vector.shape_cast %get3A_630 : vector<1x16xi32> to vector<16xi32>
        %mul3A_632 = arith.constant 64 : i32
        %mul3A_633 = arith.muli %scan3A_603, %mul3A_632 : i32
        %add3A_634 = arith.constant 0 : i32
        %add3A_635 = arith.addi %add3A_634, %mul3A_633 : i32
        %add3A_636 = arith.constant 16 : i32
        %add3A_637 = arith.addi %add3A_635, %add3A_636 : i32
        %swap3A_638 = arith.index_cast %add3A_637 : i32 to index
        %swap3A_639 = tpu.vector_load %arg12[%swap3A_638] {strides = array<i32>} : memref<2560xi32, #tpu.memory_space<vmem>>, vector<16xi32>,
        %swap3A_640 = vector.shape_cast %swap3A_639 : vector<16xi32> to vector<16xi32>
        %swap3A_641 = vector.shape_cast %get3A_631 : vector<16xi32> to vector<16xi32>
        tpu.vector_store %arg12[%swap3A_638], %swap3A_641 {strides = array<i32>} : memref<2560xi32, #tpu.memory_space<vmem>>, vector<16xi32>,
        %mul3A_642 = arith.constant 64 : i32
        %mul3A_643 = arith.muli %scan3A_603, %mul3A_642 : i32
        %add3A_644 = arith.constant 32 : i32
        %add3A_645 = arith.addi %mul3A_643, %add3A_644 : i32
        %get3A_646 = arith.constant 0 : i32
        %get3A_647 = arith.index_cast %get3A_646 : i32 to index
        %get3A_648 = arith.index_cast %add3A_645 : i32 to index
        %get3A_649 = tpu.vector_load %arg10[%get3A_647, %get3A_648] {strides = array<i32>} : memref<2x1280xi32, #tpu.memory_space<vmem>>, vector<1x16xi32>,
        %get3A_650 = vector.shape_cast %get3A_649 : vector<1x16xi32> to vector<16xi32>
        %mul3A_651 = arith.constant 64 : i32
        %mul3A_652 = arith.muli %scan3A_603, %mul3A_651 : i32
        %add3A_653 = arith.constant 0 : i32
        %add3A_654 = arith.addi %add3A_653, %mul3A_652 : i32
        %add3A_655 = arith.constant 32 : i32
        %add3A_656 = arith.addi %add3A_654, %add3A_655 : i32
        %swap3A_657 = arith.index_cast %add3A_656 : i32 to index
        %swap3A_658 = tpu.vector_load %arg12[%swap3A_657] {strides = array<i32>} : memref<2560xi32, #tpu.memory_space<vmem>>, vector<16xi32>,
        %swap3A_659 = vector.shape_cast %swap3A_658 : vector<16xi32> to vector<16xi32>
        %swap3A_660 = vector.shape_cast %get3A_650 : vector<16xi32> to vector<16xi32>
        tpu.vector_store %arg12[%swap3A_657], %swap3A_660 {strides = array<i32>} : memref<2560xi32, #tpu.memory_space<vmem>>, vector<16xi32>,
        %mul3A_661 = arith.constant 64 : i32
        %mul3A_662 = arith.muli %scan3A_603, %mul3A_661 : i32
        %add3A_663 = arith.constant 48 : i32
        %add3A_664 = arith.addi %mul3A_662, %add3A_663 : i32
        %get3A_665 = arith.constant 0 : i32
        %get3A_666 = arith.index_cast %get3A_665 : i32 to index
        %get3A_667 = arith.index_cast %add3A_664 : i32 to index
        %get3A_668 = tpu.vector_load %arg10[%get3A_666, %get3A_667] {strides = array<i32>} : memref<2x1280xi32, #tpu.memory_space<vmem>>, vector<1x16xi32>,
        %get3A_669 = vector.shape_cast %get3A_668 : vector<1x16xi32> to vector<16xi32>
        %mul3A_670 = arith.constant 64 : i32
        %mul3A_671 = arith.muli %scan3A_603, %mul3A_670 : i32
        %add3A_672 = arith.constant 0 : i32
        %add3A_673 = arith.addi %add3A_672, %mul3A_671 : i32
        %add3A_674 = arith.constant 48 : i32
        %add3A_675 = arith.addi %add3A_673, %add3A_674 : i32
        %swap3A_676 = arith.index_cast %add3A_675 : i32 to index
        %swap3A_677 = tpu.vector_load %arg12[%swap3A_676] {strides = array<i32>} : memref<2560xi32, #tpu.memory_space<vmem>>, vector<16xi32>,
        %swap3A_678 = vector.shape_cast %swap3A_677 : vector<16xi32> to vector<16xi32>
        %swap3A_679 = vector.shape_cast %get3A_669 : vector<16xi32> to vector<16xi32>
        tpu.vector_store %arg12[%swap3A_676], %swap3A_679 {strides = array<i32>} : memref<2560xi32, #tpu.memory_space<vmem>>, vector<16xi32>,
        %mul3A_680 = arith.constant 64 : i32
        %mul3A_681 = arith.muli %scan3A_603, %mul3A_680 : i32
        %add3A_682 = arith.constant 0 : i32
        %add3A_683 = arith.addi %mul3A_681, %add3A_682 : i32
        %get3A_684 = arith.constant 1 : i32
        %get3A_685 = arith.index_cast %get3A_684 : i32 to index
        %get3A_686 = arith.index_cast %add3A_683 : i32 to index
        %get3A_687 = tpu.vector_load %arg10[%get3A_685, %get3A_686] {strides = array<i32>} : memref<2x1280xi32, #tpu.memory_space<vmem>>, vector<1x16xi32>,
        %get3A_688 = vector.shape_cast %get3A_687 : vector<1x16xi32> to vector<16xi32>
        %mul3A_689 = arith.constant 64 : i32
        %mul3A_690 = arith.muli %scan3A_603, %mul3A_689 : i32
        %add3A_691 = arith.constant 1280 : i32
        %add3A_692 = arith.addi %add3A_691, %mul3A_690 : i32
        %add3A_693 = arith.constant 0 : i32
        %add3A_694 = arith.addi %add3A_692, %add3A_693 : i32
        %swap3A_695 = arith.index_cast %add3A_694 : i32 to index
        %swap3A_696 = tpu.vector_load %arg12[%swap3A_695] {strides = array<i32>} : memref<2560xi32, #tpu.memory_space<vmem>>, vector<16xi32>,
        %swap3A_697 = vector.shape_cast %swap3A_696 : vector<16xi32> to vector<16xi32>
        %swap3A_698 = vector.shape_cast %get3A_688 : vector<16xi32> to vector<16xi32>
        tpu.vector_store %arg12[%swap3A_695], %swap3A_698 {strides = array<i32>} : memref<2560xi32, #tpu.memory_space<vmem>>, vector<16xi32>,
        %mul3A_699 = arith.constant 64 : i32
        %mul3A_700 = arith.muli %scan3A_603, %mul3A_699 : i32
        %add3A_701 = arith.constant 16 : i32
        %add3A_702 = arith.addi %mul3A_700, %add3A_701 : i32
        %get3A_703 = arith.constant 1 : i32
        %get3A_704 = arith.index_cast %get3A_703 : i32 to index
        %get3A_705 = arith.index_cast %add3A_702 : i32 to index
        %get3A_706 = tpu.vector_load %arg10[%get3A_704, %get3A_705] {strides = array<i32>} : memref<2x1280xi32, #tpu.memory_space<vmem>>, vector<1x16xi32>,
        %get3A_707 = vector.shape_cast %get3A_706 : vector<1x16xi32> to vector<16xi32>
        %mul3A_708 = arith.constant 64 : i32
        %mul3A_709 = arith.muli %scan3A_603, %mul3A_708 : i32
        %add3A_710 = arith.constant 1280 : i32
        %add3A_711 = arith.addi %add3A_710, %mul3A_709 : i32
        %add3A_712 = arith.constant 16 : i32
        %add3A_713 = arith.addi %add3A_711, %add3A_712 : i32
        %swap3A_714 = arith.index_cast %add3A_713 : i32 to index
        %swap3A_715 = tpu.vector_load %arg12[%swap3A_714] {strides = array<i32>} : memref<2560xi32, #tpu.memory_space<vmem>>, vector<16xi32>,
        %swap3A_716 = vector.shape_cast %swap3A_715 : vector<16xi32> to vector<16xi32>
        %swap3A_717 = vector.shape_cast %get3A_707 : vector<16xi32> to vector<16xi32>
        tpu.vector_store %arg12[%swap3A_714], %swap3A_717 {strides = array<i32>} : memref<2560xi32, #tpu.memory_space<vmem>>, vector<16xi32>,
        %mul3A_718 = arith.constant 64 : i32
        %mul3A_719 = arith.muli %scan3A_603, %mul3A_718 : i32
        %add3A_720 = arith.constant 32 : i32
        %add3A_721 = arith.addi %mul3A_719, %add3A_720 : i32
        %get3A_722 = arith.constant 1 : i32
        %get3A_723 = arith.index_cast %get3A_722 : i32 to index
        %get3A_724 = arith.index_cast %add3A_721 : i32 to index
        %get3A_725 = tpu.vector_load %arg10[%get3A_723, %get3A_724] {strides = array<i32>} : memref<2x1280xi32, #tpu.memory_space<vmem>>, vector<1x16xi32>,
        %get3A_726 = vector.shape_cast %get3A_725 : vector<1x16xi32> to vector<16xi32>
        %mul3A_727 = arith.constant 64 : i32
        %mul3A_728 = arith.muli %scan3A_603, %mul3A_727 : i32
        %add3A_729 = arith.constant 1280 : i32
        %add3A_730 = arith.addi %add3A_729, %mul3A_728 : i32
        %add3A_731 = arith.constant 32 : i32
        %add3A_732 = arith.addi %add3A_730, %add3A_731 : i32
        %swap3A_733 = arith.index_cast %add3A_732 : i32 to index
        %swap3A_734 = tpu.vector_load %arg12[%swap3A_733] {strides = array<i32>} : memref<2560xi32, #tpu.memory_space<vmem>>, vector<16xi32>,
        %swap3A_735 = vector.shape_cast %swap3A_734 : vector<16xi32> to vector<16xi32>
        %swap3A_736 = vector.shape_cast %get3A_726 : vector<16xi32> to vector<16xi32>
        tpu.vector_store %arg12[%swap3A_733], %swap3A_736 {strides = array<i32>} : memref<2560xi32, #tpu.memory_space<vmem>>, vector<16xi32>,
        %mul3A_737 = arith.constant 64 : i32
        %mul3A_738 = arith.muli %scan3A_603, %mul3A_737 : i32
        %add3A_739 = arith.constant 48 : i32
        %add3A_740 = arith.addi %mul3A_738, %add3A_739 : i32
        %get3A_741 = arith.constant 1 : i32
        %get3A_742 = arith.index_cast %get3A_741 : i32 to index
        %get3A_743 = arith.index_cast %add3A_740 : i32 to index
        %get3A_744 = tpu.vector_load %arg10[%get3A_742, %get3A_743] {strides = array<i32>} : memref<2x1280xi32, #tpu.memory_space<vmem>>, vector<1x16xi32>,
        %get3A_745 = vector.shape_cast %get3A_744 : vector<1x16xi32> to vector<16xi32>
        %mul3A_746 = arith.constant 64 : i32
        %mul3A_747 = arith.muli %scan3A_603, %mul3A_746 : i32
        %add3A_748 = arith.constant 1280 : i32
        %add3A_749 = arith.addi %add3A_748, %mul3A_747 : i32
        %add3A_750 = arith.constant 48 : i32
        %add3A_751 = arith.addi %add3A_749, %add3A_750 : i32
        %swap3A_752 = arith.index_cast %add3A_751 : i32 to index
        %swap3A_753 = tpu.vector_load %arg12[%swap3A_752] {strides = array<i32>} : memref<2560xi32, #tpu.memory_space<vmem>>, vector<16xi32>,
        %swap3A_754 = vector.shape_cast %swap3A_753 : vector<16xi32> to vector<16xi32>
        %swap3A_755 = vector.shape_cast %get3A_745 : vector<16xi32> to vector<16xi32>
        tpu.vector_store %arg12[%swap3A_752], %swap3A_755 {strides = array<i32>} : memref<2560xi32, #tpu.memory_space<vmem>>, vector<16xi32>,
      }
      %scan3A_590 = arith.constant 20 : i32
      %add3A_591 = arith.constant 3 : i32
      %add3A_592 = arith.addi %mul3A_550, %add3A_591 : i32
      %mul3A_593 = arith.constant 1280 : i32
      %mul3A_594 = arith.muli %add3A_592, %mul3A_593 : i32
      %add3A_595 = arith.addi %multiple_of3A, %mul3A_594 : i32
      %multiple_of3A_596 = tpu.assume_multiple %add3A_595, 128 : i32
      %dma_start3A_597 = arith.constant 0 : i32
      %dma_start3A_598 = tpu.memref_slice %arg2[%dma_start3A_597, %multiple_of3A_596] : memref<2x1600000xi32, #tpu.memory_space<hbm>> -> memref<2x1280xi32, #tpu.memory_space<hbm>>
      %dma_start3A_599 = arith.constant 0 : i32
      %dma_start3A_600 = tpu.memref_slice %arg2[%dma_start3A_599, %multiple_of3A_596] : memref<2x1600000xi32, #tpu.memory_space<hbm>> -> memref<2x1280xi32, #tpu.memory_space<hbm>>
      tpu.enqueue_dma source(%dma_start3A_600 : memref<2x1280xi32, #tpu.memory_space<hbm>>) target(%arg10 : memref<2x1280xi32, #tpu.memory_space<vmem>>) target_semaphore(%arg24 : memref<!tpu.dma_semaphore, #tpu.memory_space<semaphore_mem>>)
      %dma_start3A_601 = arith.constant 0 : i32
      %dma_start3A_602 = tpu.memref_slice %arg6[%dma_start3A_601] : memref<100352xi32, #tpu.memory_space<vmem_shared>> -> memref<100352xi32, #tpu.memory_space<vmem_shared>>
      tpu.enqueue_indirect_dma source(%arg15 : memref<2560xi32, #tpu.memory_space<vmem>>) target(%dma_start3A_602 : memref<100352xi32, #tpu.memory_space<vmem_shared>>) offsets(%arg12 : memref<2560xi32, #tpu.memory_space<vmem>>) semaphore(%arg26 : memref<!tpu.dma_semaphore, #tpu.memory_space<semaphore_mem>>) {add = true}
    }
    %scan3A_123 = arith.constant 38 : i32
    %dma_wait3A_124 = arith.constant 0 : i32
    %dma_wait3A_125 = arith.constant 0 : i32
    %dma_wait3A_126 = tpu.memref_slice %arg2[%dma_wait3A_124, %dma_wait3A_125] : memref<2x1600000xi32, #tpu.memory_space<hbm>> -> memref<2x1280xi32, #tpu.memory_space<hbm>>
    %dma_wait3A_127 = arith.constant 0 : i32
    %dma_wait3A_128 = arith.constant 0 : i32
    %dma_wait3A_129 = tpu.memref_slice %arg2[%dma_wait3A_127, %dma_wait3A_128] : memref<2x1600000xi32, #tpu.memory_space<hbm>> -> memref<2x1280xi32, #tpu.memory_space<hbm>>
    tpu.wait_dma2 semaphore(%arg23 : memref<!tpu.dma_semaphore, #tpu.memory_space<semaphore_mem>>) src(%dma_wait3A_129 : memref<2x1280xi32, #tpu.memory_space<hbm>>) dst(%arg9 : memref<2x1280xi32, #tpu.memory_space<vmem>>)
    %dma_wait3A_130 = arith.constant 0 : i32
    %dma_wait3A_131 = arith.constant 0 : i32
    %dma_wait3A_132 = tpu.memref_slice %arg2[%dma_wait3A_130, %dma_wait3A_131] : memref<2x1600000xi32, #tpu.memory_space<hbm>> -> memref<2x1280xi32, #tpu.memory_space<hbm>>
    %dma_wait3A_133 = arith.constant 0 : i32
    %dma_wait3A_134 = arith.constant 0 : i32
    %dma_wait3A_135 = tpu.memref_slice %arg2[%dma_wait3A_133, %dma_wait3A_134] : memref<2x1600000xi32, #tpu.memory_space<hbm>> -> memref<2x1280xi32, #tpu.memory_space<hbm>>
    tpu.wait_dma2 semaphore(%arg24 : memref<!tpu.dma_semaphore, #tpu.memory_space<semaphore_mem>>) src(%dma_wait3A_135 : memref<2x1280xi32, #tpu.memory_space<hbm>>) dst(%arg10 : memref<2x1280xi32, #tpu.memory_space<vmem>>)
    %dma_wait3A_136 = arith.constant 0 : i32
    %dma_wait3A_137 = tpu.memref_slice %arg6[%dma_wait3A_136] : memref<100352xi32, #tpu.memory_space<vmem_shared>> -> memref<100352xi32, #tpu.memory_space<vmem_shared>>
    tpu.wait_indirect_dma semaphore(%arg25 : memref<!tpu.dma_semaphore, #tpu.memory_space<semaphore_mem>>) src(%arg15 : memref<2560xi32, #tpu.memory_space<vmem>>) dst(%dma_wait3A_137 : memref<100352xi32, #tpu.memory_space<vmem_shared>>)
    %dma_wait3A_138 = arith.constant 0 : i32
    %dma_wait3A_139 = tpu.memref_slice %arg6[%dma_wait3A_138] : memref<100352xi32, #tpu.memory_space<vmem_shared>> -> memref<100352xi32, #tpu.memory_space<vmem_shared>>
    tpu.wait_indirect_dma semaphore(%arg26 : memref<!tpu.dma_semaphore, #tpu.memory_space<semaphore_mem>>) src(%arg15 : memref<2560xi32, #tpu.memory_space<vmem>>) dst(%dma_wait3A_139 : memref<100352xi32, #tpu.memory_space<vmem_shared>>)
    %lt3A = arith.constant 4 : i32
    %lt3A_140 = arith.cmpi slt, %arg1, %lt3A : i32
    %mul3A_141 = arith.constant 2 : i32
    %mul3A_142 = arith.muli %mul3A_141, %arg1 : i32
    %add3A_143 = arith.constant 12480 : i32
    %add3A_144 = arith.addi %add3A_143, %mul3A_142 : i32
    %mul3A_145 = arith.constant 128 : i32
    %mul3A_146 = arith.muli %add3A_144, %mul3A_145 : i32
    %add3A_147 = arith.constant 12483 : i32
    %add3A_148 = arith.addi %add3A_147, %arg1 : i32
    %mul3A_149 = arith.constant 128 : i32
    %mul3A_150 = arith.muli %add3A_148, %mul3A_149 : i32
    %select_n3A = arith.select %lt3A_140, %mul3A_146, %mul3A_150 : i32
    %multiple_of3A_151 = tpu.assume_multiple %select_n3A, 128 : i32
    "tpu.region"() ({
      %run_scoped3A = tpu.sem_alloc : memref<!tpu.dma_semaphore, #tpu.memory_space<semaphore_mem>>
      %dma_start3A_548 = arith.constant 0 : i32
      %dma_start3A_549 = tpu.memref_slice %arg2[%dma_start3A_548, %multiple_of3A_151] : memref<2x1600000xi32, #tpu.memory_space<hbm>> -> memref<2x256xi32, #tpu.memory_space<hbm>>
      %dma_start3A_550 = arith.constant 0 : i32
      %dma_start3A_551 = tpu.memref_slice %arg2[%dma_start3A_550, %multiple_of3A_151] : memref<2x1600000xi32, #tpu.memory_space<hbm>> -> memref<2x256xi32, #tpu.memory_space<hbm>>
      tpu.enqueue_dma source(%dma_start3A_551 : memref<2x256xi32, #tpu.memory_space<hbm>>) target(%arg13 : memref<2x256xi32, #tpu.memory_space<vmem>>) target_semaphore(%run_scoped3A : memref<!tpu.dma_semaphore, #tpu.memory_space<semaphore_mem>>)
      %dma_wait3A_552 = arith.constant 0 : i32
      %dma_wait3A_553 = tpu.memref_slice %arg2[%dma_wait3A_552, %multiple_of3A_151] : memref<2x1600000xi32, #tpu.memory_space<hbm>> -> memref<2x256xi32, #tpu.memory_space<hbm>>
      %dma_wait3A_554 = arith.constant 0 : i32
      %dma_wait3A_555 = tpu.memref_slice %arg2[%dma_wait3A_554, %multiple_of3A_151] : memref<2x1600000xi32, #tpu.memory_space<hbm>> -> memref<2x256xi32, #tpu.memory_space<hbm>>
      tpu.wait_dma2 semaphore(%run_scoped3A : memref<!tpu.dma_semaphore, #tpu.memory_space<semaphore_mem>>) src(%dma_wait3A_555 : memref<2x256xi32, #tpu.memory_space<hbm>>) dst(%arg13 : memref<2x256xi32, #tpu.memory_space<vmem>>)
      tpu.yield
    }) : () -> ()
    %lt3A_152 = arith.constant 4 : i32
    %lt3A_153 = arith.cmpi slt, %arg1, %lt3A_152 : i32
    %get3A = arith.constant 0 : i32
    %get3A_154 = arith.index_cast %get3A : i32 to index
    %get3A_155 = arith.constant 0 : index
    %get3A_156 = tpu.vector_load %arg13[%get3A_154, %get3A_155] {strides = array<i32>} : memref<2x256xi32, #tpu.memory_space<vmem>>, vector<1x16xi32>,
    %get3A_157 = vector.shape_cast %get3A_156 : vector<1x16xi32> to vector<16xi32>
    %broadcast_in_dim3A_158 = arith.constant 100000 : i32
    %broadcast_in_dim3A_159 = vector.broadcast %broadcast_in_dim3A_158 : i32 to vector<16xi32>
    %select_n3A_160 = arith.select %lt3A_153, %get3A_157, %broadcast_in_dim3A_159 : vector<16xi32>
    %swap3A_161 = arith.constant 0 : index
    %swap3A_162 = tpu.vector_load %arg14[%swap3A_161] {strides = array<i32>} : memref<512xi32, #tpu.memory_space<vmem>>, vector<16xi32>,
    %swap3A_163 = vector.shape_cast %swap3A_162 : vector<16xi32> to vector<16xi32>
    %swap3A_164 = vector.shape_cast %select_n3A_160 : vector<16xi32> to vector<16xi32>
    tpu.vector_store %arg14[%swap3A_161], %swap3A_164 {strides = array<i32>} : memref<512xi32, #tpu.memory_space<vmem>>, vector<16xi32>,
    %get3A_165 = arith.constant 0 : i32
    %get3A_166 = arith.index_cast %get3A_165 : i32 to index
    %get3A_167 = arith.constant 16 : index
    %get3A_168 = tpu.vector_load %arg13[%get3A_166, %get3A_167] {strides = array<i32>} : memref<2x256xi32, #tpu.memory_space<vmem>>, vector<1x16xi32>,
    %get3A_169 = vector.shape_cast %get3A_168 : vector<1x16xi32> to vector<16xi32>
    %broadcast_in_dim3A_170 = arith.constant 100000 : i32
    %broadcast_in_dim3A_171 = vector.broadcast %broadcast_in_dim3A_170 : i32 to vector<16xi32>
    %select_n3A_172 = arith.select %lt3A_153, %get3A_169, %broadcast_in_dim3A_171 : vector<16xi32>
    %swap3A_173 = arith.constant 16 : index
    %swap3A_174 = tpu.vector_load %arg14[%swap3A_173] {strides = array<i32>} : memref<512xi32, #tpu.memory_space<vmem>>, vector<16xi32>,
    %swap3A_175 = vector.shape_cast %swap3A_174 : vector<16xi32> to vector<16xi32>
    %swap3A_176 = vector.shape_cast %select_n3A_172 : vector<16xi32> to vector<16xi32>
    tpu.vector_store %arg14[%swap3A_173], %swap3A_176 {strides = array<i32>} : memref<512xi32, #tpu.memory_space<vmem>>, vector<16xi32>,
    %get3A_177 = arith.constant 0 : i32
    %get3A_178 = arith.index_cast %get3A_177 : i32 to index
    %get3A_179 = arith.constant 32 : index
    %get3A_180 = tpu.vector_load %arg13[%get3A_178, %get3A_179] {strides = array<i32>} : memref<2x256xi32, #tpu.memory_space<vmem>>, vector<1x16xi32>,
    %get3A_181 = vector.shape_cast %get3A_180 : vector<1x16xi32> to vector<16xi32>
    %broadcast_in_dim3A_182 = arith.constant 100000 : i32
    %broadcast_in_dim3A_183 = vector.broadcast %broadcast_in_dim3A_182 : i32 to vector<16xi32>
    %select_n3A_184 = arith.select %lt3A_153, %get3A_181, %broadcast_in_dim3A_183 : vector<16xi32>
    %swap3A_185 = arith.constant 32 : index
    %swap3A_186 = tpu.vector_load %arg14[%swap3A_185] {strides = array<i32>} : memref<512xi32, #tpu.memory_space<vmem>>, vector<16xi32>,
    %swap3A_187 = vector.shape_cast %swap3A_186 : vector<16xi32> to vector<16xi32>
    %swap3A_188 = vector.shape_cast %select_n3A_184 : vector<16xi32> to vector<16xi32>
    tpu.vector_store %arg14[%swap3A_185], %swap3A_188 {strides = array<i32>} : memref<512xi32, #tpu.memory_space<vmem>>, vector<16xi32>,
    %get3A_189 = arith.constant 0 : i32
    %get3A_190 = arith.index_cast %get3A_189 : i32 to index
    %get3A_191 = arith.constant 48 : index
    %get3A_192 = tpu.vector_load %arg13[%get3A_190, %get3A_191] {strides = array<i32>} : memref<2x256xi32, #tpu.memory_space<vmem>>, vector<1x16xi32>,
    %get3A_193 = vector.shape_cast %get3A_192 : vector<1x16xi32> to vector<16xi32>
    %broadcast_in_dim3A_194 = arith.constant 100000 : i32
    %broadcast_in_dim3A_195 = vector.broadcast %broadcast_in_dim3A_194 : i32 to vector<16xi32>
    %select_n3A_196 = arith.select %lt3A_153, %get3A_193, %broadcast_in_dim3A_195 : vector<16xi32>
    %swap3A_197 = arith.constant 48 : index
    %swap3A_198 = tpu.vector_load %arg14[%swap3A_197] {strides = array<i32>} : memref<512xi32, #tpu.memory_space<vmem>>, vector<16xi32>,
    %swap3A_199 = vector.shape_cast %swap3A_198 : vector<16xi32> to vector<16xi32>
    %swap3A_200 = vector.shape_cast %select_n3A_196 : vector<16xi32> to vector<16xi32>
    tpu.vector_store %arg14[%swap3A_197], %swap3A_200 {strides = array<i32>} : memref<512xi32, #tpu.memory_space<vmem>>, vector<16xi32>,
    %get3A_201 = arith.constant 0 : i32
    %get3A_202 = arith.index_cast %get3A_201 : i32 to index
    %get3A_203 = arith.constant 64 : index
    %get3A_204 = tpu.vector_load %arg13[%get3A_202, %get3A_203] {strides = array<i32>} : memref<2x256xi32, #tpu.memory_space<vmem>>, vector<1x16xi32>,
    %get3A_205 = vector.shape_cast %get3A_204 : vector<1x16xi32> to vector<16xi32>
    %broadcast_in_dim3A_206 = arith.constant 100000 : i32
    %broadcast_in_dim3A_207 = vector.broadcast %broadcast_in_dim3A_206 : i32 to vector<16xi32>
    %select_n3A_208 = arith.select %lt3A_153, %get3A_205, %broadcast_in_dim3A_207 : vector<16xi32>
    %swap3A_209 = arith.constant 64 : index
    %swap3A_210 = tpu.vector_load %arg14[%swap3A_209] {strides = array<i32>} : memref<512xi32, #tpu.memory_space<vmem>>, vector<16xi32>,
    %swap3A_211 = vector.shape_cast %swap3A_210 : vector<16xi32> to vector<16xi32>
    %swap3A_212 = vector.shape_cast %select_n3A_208 : vector<16xi32> to vector<16xi32>
    tpu.vector_store %arg14[%swap3A_209], %swap3A_212 {strides = array<i32>} : memref<512xi32, #tpu.memory_space<vmem>>, vector<16xi32>,
    %get3A_213 = arith.constant 0 : i32
    %get3A_214 = arith.index_cast %get3A_213 : i32 to index
    %get3A_215 = arith.constant 80 : index
    %get3A_216 = tpu.vector_load %arg13[%get3A_214, %get3A_215] {strides = array<i32>} : memref<2x256xi32, #tpu.memory_space<vmem>>, vector<1x16xi32>,
    %get3A_217 = vector.shape_cast %get3A_216 : vector<1x16xi32> to vector<16xi32>
    %broadcast_in_dim3A_218 = arith.constant 100000 : i32
    %broadcast_in_dim3A_219 = vector.broadcast %broadcast_in_dim3A_218 : i32 to vector<16xi32>
    %select_n3A_220 = arith.select %lt3A_153, %get3A_217, %broadcast_in_dim3A_219 : vector<16xi32>
    %swap3A_221 = arith.constant 80 : index
    %swap3A_222 = tpu.vector_load %arg14[%swap3A_221] {strides = array<i32>} : memref<512xi32, #tpu.memory_space<vmem>>, vector<16xi32>,
    %swap3A_223 = vector.shape_cast %swap3A_222 : vector<16xi32> to vector<16xi32>
    %swap3A_224 = vector.shape_cast %select_n3A_220 : vector<16xi32> to vector<16xi32>
    tpu.vector_store %arg14[%swap3A_221], %swap3A_224 {strides = array<i32>} : memref<512xi32, #tpu.memory_space<vmem>>, vector<16xi32>,
    %get3A_225 = arith.constant 0 : i32
    %get3A_226 = arith.index_cast %get3A_225 : i32 to index
    %get3A_227 = arith.constant 96 : index
    %get3A_228 = tpu.vector_load %arg13[%get3A_226, %get3A_227] {strides = array<i32>} : memref<2x256xi32, #tpu.memory_space<vmem>>, vector<1x16xi32>,
    %get3A_229 = vector.shape_cast %get3A_228 : vector<1x16xi32> to vector<16xi32>
    %broadcast_in_dim3A_230 = arith.constant 100000 : i32
    %broadcast_in_dim3A_231 = vector.broadcast %broadcast_in_dim3A_230 : i32 to vector<16xi32>
    %select_n3A_232 = arith.select %lt3A_153, %get3A_229, %broadcast_in_dim3A_231 : vector<16xi32>
    %swap3A_233 = arith.constant 96 : index
    %swap3A_234 = tpu.vector_load %arg14[%swap3A_233] {strides = array<i32>} : memref<512xi32, #tpu.memory_space<vmem>>, vector<16xi32>,
    %swap3A_235 = vector.shape_cast %swap3A_234 : vector<16xi32> to vector<16xi32>
    %swap3A_236 = vector.shape_cast %select_n3A_232 : vector<16xi32> to vector<16xi32>
    tpu.vector_store %arg14[%swap3A_233], %swap3A_236 {strides = array<i32>} : memref<512xi32, #tpu.memory_space<vmem>>, vector<16xi32>,
    %get3A_237 = arith.constant 0 : i32
    %get3A_238 = arith.index_cast %get3A_237 : i32 to index
    %get3A_239 = arith.constant 112 : index
    %get3A_240 = tpu.vector_load %arg13[%get3A_238, %get3A_239] {strides = array<i32>} : memref<2x256xi32, #tpu.memory_space<vmem>>, vector<1x16xi32>,
    %get3A_241 = vector.shape_cast %get3A_240 : vector<1x16xi32> to vector<16xi32>
    %broadcast_in_dim3A_242 = arith.constant 100000 : i32
    %broadcast_in_dim3A_243 = vector.broadcast %broadcast_in_dim3A_242 : i32 to vector<16xi32>
    %select_n3A_244 = arith.select %lt3A_153, %get3A_241, %broadcast_in_dim3A_243 : vector<16xi32>
    %swap3A_245 = arith.constant 112 : index
    %swap3A_246 = tpu.vector_load %arg14[%swap3A_245] {strides = array<i32>} : memref<512xi32, #tpu.memory_space<vmem>>, vector<16xi32>,
    %swap3A_247 = vector.shape_cast %swap3A_246 : vector<16xi32> to vector<16xi32>
    %swap3A_248 = vector.shape_cast %select_n3A_244 : vector<16xi32> to vector<16xi32>
    tpu.vector_store %arg14[%swap3A_245], %swap3A_248 {strides = array<i32>} : memref<512xi32, #tpu.memory_space<vmem>>, vector<16xi32>,
    %get3A_249 = arith.constant 0 : i32
    %get3A_250 = arith.index_cast %get3A_249 : i32 to index
    %get3A_251 = arith.constant 128 : index
    %get3A_252 = tpu.vector_load %arg13[%get3A_250, %get3A_251] {strides = array<i32>} : memref<2x256xi32, #tpu.memory_space<vmem>>, vector<1x16xi32>,
    %get3A_253 = vector.shape_cast %get3A_252 : vector<1x16xi32> to vector<16xi32>
    %swap3A_254 = arith.constant 128 : index
    %swap3A_255 = tpu.vector_load %arg14[%swap3A_254] {strides = array<i32>} : memref<512xi32, #tpu.memory_space<vmem>>, vector<16xi32>,
    %swap3A_256 = vector.shape_cast %swap3A_255 : vector<16xi32> to vector<16xi32>
    %swap3A_257 = vector.shape_cast %get3A_253 : vector<16xi32> to vector<16xi32>
    tpu.vector_store %arg14[%swap3A_254], %swap3A_257 {strides = array<i32>} : memref<512xi32, #tpu.memory_space<vmem>>, vector<16xi32>,
    %get3A_258 = arith.constant 0 : i32
    %get3A_259 = arith.index_cast %get3A_258 : i32 to index
    %get3A_260 = arith.constant 144 : index
    %get3A_261 = tpu.vector_load %arg13[%get3A_259, %get3A_260] {strides = array<i32>} : memref<2x256xi32, #tpu.memory_space<vmem>>, vector<1x16xi32>,
    %get3A_262 = vector.shape_cast %get3A_261 : vector<1x16xi32> to vector<16xi32>
    %swap3A_263 = arith.constant 144 : index
    %swap3A_264 = tpu.vector_load %arg14[%swap3A_263] {strides = array<i32>} : memref<512xi32, #tpu.memory_space<vmem>>, vector<16xi32>,
    %swap3A_265 = vector.shape_cast %swap3A_264 : vector<16xi32> to vector<16xi32>
    %swap3A_266 = vector.shape_cast %get3A_262 : vector<16xi32> to vector<16xi32>
    tpu.vector_store %arg14[%swap3A_263], %swap3A_266 {strides = array<i32>} : memref<512xi32, #tpu.memory_space<vmem>>, vector<16xi32>,
    %get3A_267 = arith.constant 0 : i32
    %get3A_268 = arith.index_cast %get3A_267 : i32 to index
    %get3A_269 = arith.constant 160 : index
    %get3A_270 = tpu.vector_load %arg13[%get3A_268, %get3A_269] {strides = array<i32>} : memref<2x256xi32, #tpu.memory_space<vmem>>, vector<1x16xi32>,
    %get3A_271 = vector.shape_cast %get3A_270 : vector<1x16xi32> to vector<16xi32>
    %swap3A_272 = arith.constant 160 : index
    %swap3A_273 = tpu.vector_load %arg14[%swap3A_272] {strides = array<i32>} : memref<512xi32, #tpu.memory_space<vmem>>, vector<16xi32>,
    %swap3A_274 = vector.shape_cast %swap3A_273 : vector<16xi32> to vector<16xi32>
    %swap3A_275 = vector.shape_cast %get3A_271 : vector<16xi32> to vector<16xi32>
    tpu.vector_store %arg14[%swap3A_272], %swap3A_275 {strides = array<i32>} : memref<512xi32, #tpu.memory_space<vmem>>, vector<16xi32>,
    %get3A_276 = arith.constant 0 : i32
    %get3A_277 = arith.index_cast %get3A_276 : i32 to index
    %get3A_278 = arith.constant 176 : index
    %get3A_279 = tpu.vector_load %arg13[%get3A_277, %get3A_278] {strides = array<i32>} : memref<2x256xi32, #tpu.memory_space<vmem>>, vector<1x16xi32>,
    %get3A_280 = vector.shape_cast %get3A_279 : vector<1x16xi32> to vector<16xi32>
    %swap3A_281 = arith.constant 176 : index
    %swap3A_282 = tpu.vector_load %arg14[%swap3A_281] {strides = array<i32>} : memref<512xi32, #tpu.memory_space<vmem>>, vector<16xi32>,
    %swap3A_283 = vector.shape_cast %swap3A_282 : vector<16xi32> to vector<16xi32>
    %swap3A_284 = vector.shape_cast %get3A_280 : vector<16xi32> to vector<16xi32>
    tpu.vector_store %arg14[%swap3A_281], %swap3A_284 {strides = array<i32>} : memref<512xi32, #tpu.memory_space<vmem>>, vector<16xi32>,
    %get3A_285 = arith.constant 0 : i32
    %get3A_286 = arith.index_cast %get3A_285 : i32 to index
    %get3A_287 = arith.constant 192 : index
    %get3A_288 = tpu.vector_load %arg13[%get3A_286, %get3A_287] {strides = array<i32>} : memref<2x256xi32, #tpu.memory_space<vmem>>, vector<1x16xi32>,
    %get3A_289 = vector.shape_cast %get3A_288 : vector<1x16xi32> to vector<16xi32>
    %swap3A_290 = arith.constant 192 : index
    %swap3A_291 = tpu.vector_load %arg14[%swap3A_290] {strides = array<i32>} : memref<512xi32, #tpu.memory_space<vmem>>, vector<16xi32>,
    %swap3A_292 = vector.shape_cast %swap3A_291 : vector<16xi32> to vector<16xi32>
    %swap3A_293 = vector.shape_cast %get3A_289 : vector<16xi32> to vector<16xi32>
    tpu.vector_store %arg14[%swap3A_290], %swap3A_293 {strides = array<i32>} : memref<512xi32, #tpu.memory_space<vmem>>, vector<16xi32>,
    %get3A_294 = arith.constant 0 : i32
    %get3A_295 = arith.index_cast %get3A_294 : i32 to index
    %get3A_296 = arith.constant 208 : index
    %get3A_297 = tpu.vector_load %arg13[%get3A_295, %get3A_296] {strides = array<i32>} : memref<2x256xi32, #tpu.memory_space<vmem>>, vector<1x16xi32>,
    %get3A_298 = vector.shape_cast %get3A_297 : vector<1x16xi32> to vector<16xi32>
    %swap3A_299 = arith.constant 208 : index
    %swap3A_300 = tpu.vector_load %arg14[%swap3A_299] {strides = array<i32>} : memref<512xi32, #tpu.memory_space<vmem>>, vector<16xi32>,
    %swap3A_301 = vector.shape_cast %swap3A_300 : vector<16xi32> to vector<16xi32>
    %swap3A_302 = vector.shape_cast %get3A_298 : vector<16xi32> to vector<16xi32>
    tpu.vector_store %arg14[%swap3A_299], %swap3A_302 {strides = array<i32>} : memref<512xi32, #tpu.memory_space<vmem>>, vector<16xi32>,
    %get3A_303 = arith.constant 0 : i32
    %get3A_304 = arith.index_cast %get3A_303 : i32 to index
    %get3A_305 = arith.constant 224 : index
    %get3A_306 = tpu.vector_load %arg13[%get3A_304, %get3A_305] {strides = array<i32>} : memref<2x256xi32, #tpu.memory_space<vmem>>, vector<1x16xi32>,
    %get3A_307 = vector.shape_cast %get3A_306 : vector<1x16xi32> to vector<16xi32>
    %swap3A_308 = arith.constant 224 : index
    %swap3A_309 = tpu.vector_load %arg14[%swap3A_308] {strides = array<i32>} : memref<512xi32, #tpu.memory_space<vmem>>, vector<16xi32>,
    %swap3A_310 = vector.shape_cast %swap3A_309 : vector<16xi32> to vector<16xi32>
    %swap3A_311 = vector.shape_cast %get3A_307 : vector<16xi32> to vector<16xi32>
    tpu.vector_store %arg14[%swap3A_308], %swap3A_311 {strides = array<i32>} : memref<512xi32, #tpu.memory_space<vmem>>, vector<16xi32>,
    %get3A_312 = arith.constant 0 : i32
    %get3A_313 = arith.index_cast %get3A_312 : i32 to index
    %get3A_314 = arith.constant 240 : index
    %get3A_315 = tpu.vector_load %arg13[%get3A_313, %get3A_314] {strides = array<i32>} : memref<2x256xi32, #tpu.memory_space<vmem>>, vector<1x16xi32>,
    %get3A_316 = vector.shape_cast %get3A_315 : vector<1x16xi32> to vector<16xi32>
    %swap3A_317 = arith.constant 240 : index
    %swap3A_318 = tpu.vector_load %arg14[%swap3A_317] {strides = array<i32>} : memref<512xi32, #tpu.memory_space<vmem>>, vector<16xi32>,
    %swap3A_319 = vector.shape_cast %swap3A_318 : vector<16xi32> to vector<16xi32>
    %swap3A_320 = vector.shape_cast %get3A_316 : vector<16xi32> to vector<16xi32>
    tpu.vector_store %arg14[%swap3A_317], %swap3A_320 {strides = array<i32>} : memref<512xi32, #tpu.memory_space<vmem>>, vector<16xi32>,
    %get3A_321 = arith.constant 1 : i32
    %get3A_322 = arith.index_cast %get3A_321 : i32 to index
    %get3A_323 = arith.constant 0 : index
    %get3A_324 = tpu.vector_load %arg13[%get3A_322, %get3A_323] {strides = array<i32>} : memref<2x256xi32, #tpu.memory_space<vmem>>, vector<1x16xi32>,
    %get3A_325 = vector.shape_cast %get3A_324 : vector<1x16xi32> to vector<16xi32>
    %broadcast_in_dim3A_326 = arith.constant 100000 : i32
    %broadcast_in_dim3A_327 = vector.broadcast %broadcast_in_dim3A_326 : i32 to vector<16xi32>
    %select_n3A_328 = arith.select %lt3A_153, %get3A_325, %broadcast_in_dim3A_327 : vector<16xi32>
    %swap3A_329 = arith.constant 256 : index
    %swap3A_330 = tpu.vector_load %arg14[%swap3A_329] {strides = array<i32>} : memref<512xi32, #tpu.memory_space<vmem>>, vector<16xi32>,
    %swap3A_331 = vector.shape_cast %swap3A_330 : vector<16xi32> to vector<16xi32>
    %swap3A_332 = vector.shape_cast %select_n3A_328 : vector<16xi32> to vector<16xi32>
    tpu.vector_store %arg14[%swap3A_329], %swap3A_332 {strides = array<i32>} : memref<512xi32, #tpu.memory_space<vmem>>, vector<16xi32>,
    %get3A_333 = arith.constant 1 : i32
    %get3A_334 = arith.index_cast %get3A_333 : i32 to index
    %get3A_335 = arith.constant 16 : index
    %get3A_336 = tpu.vector_load %arg13[%get3A_334, %get3A_335] {strides = array<i32>} : memref<2x256xi32, #tpu.memory_space<vmem>>, vector<1x16xi32>,
    %get3A_337 = vector.shape_cast %get3A_336 : vector<1x16xi32> to vector<16xi32>
    %broadcast_in_dim3A_338 = arith.constant 100000 : i32
    %broadcast_in_dim3A_339 = vector.broadcast %broadcast_in_dim3A_338 : i32 to vector<16xi32>
    %select_n3A_340 = arith.select %lt3A_153, %get3A_337, %broadcast_in_dim3A_339 : vector<16xi32>
    %swap3A_341 = arith.constant 272 : index
    %swap3A_342 = tpu.vector_load %arg14[%swap3A_341] {strides = array<i32>} : memref<512xi32, #tpu.memory_space<vmem>>, vector<16xi32>,
    %swap3A_343 = vector.shape_cast %swap3A_342 : vector<16xi32> to vector<16xi32>
    %swap3A_344 = vector.shape_cast %select_n3A_340 : vector<16xi32> to vector<16xi32>
    tpu.vector_store %arg14[%swap3A_341], %swap3A_344 {strides = array<i32>} : memref<512xi32, #tpu.memory_space<vmem>>, vector<16xi32>,
    %get3A_345 = arith.constant 1 : i32
    %get3A_346 = arith.index_cast %get3A_345 : i32 to index
    %get3A_347 = arith.constant 32 : index
    %get3A_348 = tpu.vector_load %arg13[%get3A_346, %get3A_347] {strides = array<i32>} : memref<2x256xi32, #tpu.memory_space<vmem>>, vector<1x16xi32>,
    %get3A_349 = vector.shape_cast %get3A_348 : vector<1x16xi32> to vector<16xi32>
    %broadcast_in_dim3A_350 = arith.constant 100000 : i32
    %broadcast_in_dim3A_351 = vector.broadcast %broadcast_in_dim3A_350 : i32 to vector<16xi32>
    %select_n3A_352 = arith.select %lt3A_153, %get3A_349, %broadcast_in_dim3A_351 : vector<16xi32>
    %swap3A_353 = arith.constant 288 : index
    %swap3A_354 = tpu.vector_load %arg14[%swap3A_353] {strides = array<i32>} : memref<512xi32, #tpu.memory_space<vmem>>, vector<16xi32>,
    %swap3A_355 = vector.shape_cast %swap3A_354 : vector<16xi32> to vector<16xi32>
    %swap3A_356 = vector.shape_cast %select_n3A_352 : vector<16xi32> to vector<16xi32>
    tpu.vector_store %arg14[%swap3A_353], %swap3A_356 {strides = array<i32>} : memref<512xi32, #tpu.memory_space<vmem>>, vector<16xi32>,
    %get3A_357 = arith.constant 1 : i32
    %get3A_358 = arith.index_cast %get3A_357 : i32 to index
    %get3A_359 = arith.constant 48 : index
    %get3A_360 = tpu.vector_load %arg13[%get3A_358, %get3A_359] {strides = array<i32>} : memref<2x256xi32, #tpu.memory_space<vmem>>, vector<1x16xi32>,
    %get3A_361 = vector.shape_cast %get3A_360 : vector<1x16xi32> to vector<16xi32>
    %broadcast_in_dim3A_362 = arith.constant 100000 : i32
    %broadcast_in_dim3A_363 = vector.broadcast %broadcast_in_dim3A_362 : i32 to vector<16xi32>
    %select_n3A_364 = arith.select %lt3A_153, %get3A_361, %broadcast_in_dim3A_363 : vector<16xi32>
    %swap3A_365 = arith.constant 304 : index
    %swap3A_366 = tpu.vector_load %arg14[%swap3A_365] {strides = array<i32>} : memref<512xi32, #tpu.memory_space<vmem>>, vector<16xi32>,
    %swap3A_367 = vector.shape_cast %swap3A_366 : vector<16xi32> to vector<16xi32>
    %swap3A_368 = vector.shape_cast %select_n3A_364 : vector<16xi32> to vector<16xi32>
    tpu.vector_store %arg14[%swap3A_365], %swap3A_368 {strides = array<i32>} : memref<512xi32, #tpu.memory_space<vmem>>, vector<16xi32>,
    %get3A_369 = arith.constant 1 : i32
    %get3A_370 = arith.index_cast %get3A_369 : i32 to index
    %get3A_371 = arith.constant 64 : index
    %get3A_372 = tpu.vector_load %arg13[%get3A_370, %get3A_371] {strides = array<i32>} : memref<2x256xi32, #tpu.memory_space<vmem>>, vector<1x16xi32>,
    %get3A_373 = vector.shape_cast %get3A_372 : vector<1x16xi32> to vector<16xi32>
    %broadcast_in_dim3A_374 = arith.constant 100000 : i32
    %broadcast_in_dim3A_375 = vector.broadcast %broadcast_in_dim3A_374 : i32 to vector<16xi32>
    %select_n3A_376 = arith.select %lt3A_153, %get3A_373, %broadcast_in_dim3A_375 : vector<16xi32>
    %swap3A_377 = arith.constant 320 : index
    %swap3A_378 = tpu.vector_load %arg14[%swap3A_377] {strides = array<i32>} : memref<512xi32, #tpu.memory_space<vmem>>, vector<16xi32>,
    %swap3A_379 = vector.shape_cast %swap3A_378 : vector<16xi32> to vector<16xi32>
    %swap3A_380 = vector.shape_cast %select_n3A_376 : vector<16xi32> to vector<16xi32>
    tpu.vector_store %arg14[%swap3A_377], %swap3A_380 {strides = array<i32>} : memref<512xi32, #tpu.memory_space<vmem>>, vector<16xi32>,
    %get3A_381 = arith.constant 1 : i32
    %get3A_382 = arith.index_cast %get3A_381 : i32 to index
    %get3A_383 = arith.constant 80 : index
    %get3A_384 = tpu.vector_load %arg13[%get3A_382, %get3A_383] {strides = array<i32>} : memref<2x256xi32, #tpu.memory_space<vmem>>, vector<1x16xi32>,
    %get3A_385 = vector.shape_cast %get3A_384 : vector<1x16xi32> to vector<16xi32>
    %broadcast_in_dim3A_386 = arith.constant 100000 : i32
    %broadcast_in_dim3A_387 = vector.broadcast %broadcast_in_dim3A_386 : i32 to vector<16xi32>
    %select_n3A_388 = arith.select %lt3A_153, %get3A_385, %broadcast_in_dim3A_387 : vector<16xi32>
    %swap3A_389 = arith.constant 336 : index
    %swap3A_390 = tpu.vector_load %arg14[%swap3A_389] {strides = array<i32>} : memref<512xi32, #tpu.memory_space<vmem>>, vector<16xi32>,
    %swap3A_391 = vector.shape_cast %swap3A_390 : vector<16xi32> to vector<16xi32>
    %swap3A_392 = vector.shape_cast %select_n3A_388 : vector<16xi32> to vector<16xi32>
    tpu.vector_store %arg14[%swap3A_389], %swap3A_392 {strides = array<i32>} : memref<512xi32, #tpu.memory_space<vmem>>, vector<16xi32>,
    %get3A_393 = arith.constant 1 : i32
    %get3A_394 = arith.index_cast %get3A_393 : i32 to index
    %get3A_395 = arith.constant 96 : index
    %get3A_396 = tpu.vector_load %arg13[%get3A_394, %get3A_395] {strides = array<i32>} : memref<2x256xi32, #tpu.memory_space<vmem>>, vector<1x16xi32>,
    %get3A_397 = vector.shape_cast %get3A_396 : vector<1x16xi32> to vector<16xi32>
    %broadcast_in_dim3A_398 = arith.constant 100000 : i32
    %broadcast_in_dim3A_399 = vector.broadcast %broadcast_in_dim3A_398 : i32 to vector<16xi32>
    %select_n3A_400 = arith.select %lt3A_153, %get3A_397, %broadcast_in_dim3A_399 : vector<16xi32>
    %swap3A_401 = arith.constant 352 : index
    %swap3A_402 = tpu.vector_load %arg14[%swap3A_401] {strides = array<i32>} : memref<512xi32, #tpu.memory_space<vmem>>, vector<16xi32>,
    %swap3A_403 = vector.shape_cast %swap3A_402 : vector<16xi32> to vector<16xi32>
    %swap3A_404 = vector.shape_cast %select_n3A_400 : vector<16xi32> to vector<16xi32>
    tpu.vector_store %arg14[%swap3A_401], %swap3A_404 {strides = array<i32>} : memref<512xi32, #tpu.memory_space<vmem>>, vector<16xi32>,
    %get3A_405 = arith.constant 1 : i32
    %get3A_406 = arith.index_cast %get3A_405 : i32 to index
    %get3A_407 = arith.constant 112 : index
    %get3A_408 = tpu.vector_load %arg13[%get3A_406, %get3A_407] {strides = array<i32>} : memref<2x256xi32, #tpu.memory_space<vmem>>, vector<1x16xi32>,
    %get3A_409 = vector.shape_cast %get3A_408 : vector<1x16xi32> to vector<16xi32>
    %broadcast_in_dim3A_410 = arith.constant 100000 : i32
    %broadcast_in_dim3A_411 = vector.broadcast %broadcast_in_dim3A_410 : i32 to vector<16xi32>
    %select_n3A_412 = arith.select %lt3A_153, %get3A_409, %broadcast_in_dim3A_411 : vector<16xi32>
    %swap3A_413 = arith.constant 368 : index
    %swap3A_414 = tpu.vector_load %arg14[%swap3A_413] {strides = array<i32>} : memref<512xi32, #tpu.memory_space<vmem>>, vector<16xi32>,
    %swap3A_415 = vector.shape_cast %swap3A_414 : vector<16xi32> to vector<16xi32>
    %swap3A_416 = vector.shape_cast %select_n3A_412 : vector<16xi32> to vector<16xi32>
    tpu.vector_store %arg14[%swap3A_413], %swap3A_416 {strides = array<i32>} : memref<512xi32, #tpu.memory_space<vmem>>, vector<16xi32>,
    %get3A_417 = arith.constant 1 : i32
    %get3A_418 = arith.index_cast %get3A_417 : i32 to index
    %get3A_419 = arith.constant 128 : index
    %get3A_420 = tpu.vector_load %arg13[%get3A_418, %get3A_419] {strides = array<i32>} : memref<2x256xi32, #tpu.memory_space<vmem>>, vector<1x16xi32>,
    %get3A_421 = vector.shape_cast %get3A_420 : vector<1x16xi32> to vector<16xi32>
    %swap3A_422 = arith.constant 384 : index
    %swap3A_423 = tpu.vector_load %arg14[%swap3A_422] {strides = array<i32>} : memref<512xi32, #tpu.memory_space<vmem>>, vector<16xi32>,
    %swap3A_424 = vector.shape_cast %swap3A_423 : vector<16xi32> to vector<16xi32>
    %swap3A_425 = vector.shape_cast %get3A_421 : vector<16xi32> to vector<16xi32>
    tpu.vector_store %arg14[%swap3A_422], %swap3A_425 {strides = array<i32>} : memref<512xi32, #tpu.memory_space<vmem>>, vector<16xi32>,
    %get3A_426 = arith.constant 1 : i32
    %get3A_427 = arith.index_cast %get3A_426 : i32 to index
    %get3A_428 = arith.constant 144 : index
    %get3A_429 = tpu.vector_load %arg13[%get3A_427, %get3A_428] {strides = array<i32>} : memref<2x256xi32, #tpu.memory_space<vmem>>, vector<1x16xi32>,
    %get3A_430 = vector.shape_cast %get3A_429 : vector<1x16xi32> to vector<16xi32>
    %swap3A_431 = arith.constant 400 : index
    %swap3A_432 = tpu.vector_load %arg14[%swap3A_431] {strides = array<i32>} : memref<512xi32, #tpu.memory_space<vmem>>, vector<16xi32>,
    %swap3A_433 = vector.shape_cast %swap3A_432 : vector<16xi32> to vector<16xi32>
    %swap3A_434 = vector.shape_cast %get3A_430 : vector<16xi32> to vector<16xi32>
    tpu.vector_store %arg14[%swap3A_431], %swap3A_434 {strides = array<i32>} : memref<512xi32, #tpu.memory_space<vmem>>, vector<16xi32>,
    %get3A_435 = arith.constant 1 : i32
    %get3A_436 = arith.index_cast %get3A_435 : i32 to index
    %get3A_437 = arith.constant 160 : index
    %get3A_438 = tpu.vector_load %arg13[%get3A_436, %get3A_437] {strides = array<i32>} : memref<2x256xi32, #tpu.memory_space<vmem>>, vector<1x16xi32>,
    %get3A_439 = vector.shape_cast %get3A_438 : vector<1x16xi32> to vector<16xi32>
    %swap3A_440 = arith.constant 416 : index
    %swap3A_441 = tpu.vector_load %arg14[%swap3A_440] {strides = array<i32>} : memref<512xi32, #tpu.memory_space<vmem>>, vector<16xi32>,
    %swap3A_442 = vector.shape_cast %swap3A_441 : vector<16xi32> to vector<16xi32>
    %swap3A_443 = vector.shape_cast %get3A_439 : vector<16xi32> to vector<16xi32>
    tpu.vector_store %arg14[%swap3A_440], %swap3A_443 {strides = array<i32>} : memref<512xi32, #tpu.memory_space<vmem>>, vector<16xi32>,
    %get3A_444 = arith.constant 1 : i32
    %get3A_445 = arith.index_cast %get3A_444 : i32 to index
    %get3A_446 = arith.constant 176 : index
    %get3A_447 = tpu.vector_load %arg13[%get3A_445, %get3A_446] {strides = array<i32>} : memref<2x256xi32, #tpu.memory_space<vmem>>, vector<1x16xi32>,
    %get3A_448 = vector.shape_cast %get3A_447 : vector<1x16xi32> to vector<16xi32>
    %swap3A_449 = arith.constant 432 : index
    %swap3A_450 = tpu.vector_load %arg14[%swap3A_449] {strides = array<i32>} : memref<512xi32, #tpu.memory_space<vmem>>, vector<16xi32>,
    %swap3A_451 = vector.shape_cast %swap3A_450 : vector<16xi32> to vector<16xi32>
    %swap3A_452 = vector.shape_cast %get3A_448 : vector<16xi32> to vector<16xi32>
    tpu.vector_store %arg14[%swap3A_449], %swap3A_452 {strides = array<i32>} : memref<512xi32, #tpu.memory_space<vmem>>, vector<16xi32>,
    %get3A_453 = arith.constant 1 : i32
    %get3A_454 = arith.index_cast %get3A_453 : i32 to index
    %get3A_455 = arith.constant 192 : index
    %get3A_456 = tpu.vector_load %arg13[%get3A_454, %get3A_455] {strides = array<i32>} : memref<2x256xi32, #tpu.memory_space<vmem>>, vector<1x16xi32>,
    %get3A_457 = vector.shape_cast %get3A_456 : vector<1x16xi32> to vector<16xi32>
    %swap3A_458 = arith.constant 448 : index
    %swap3A_459 = tpu.vector_load %arg14[%swap3A_458] {strides = array<i32>} : memref<512xi32, #tpu.memory_space<vmem>>, vector<16xi32>,
    %swap3A_460 = vector.shape_cast %swap3A_459 : vector<16xi32> to vector<16xi32>
    %swap3A_461 = vector.shape_cast %get3A_457 : vector<16xi32> to vector<16xi32>
    tpu.vector_store %arg14[%swap3A_458], %swap3A_461 {strides = array<i32>} : memref<512xi32, #tpu.memory_space<vmem>>, vector<16xi32>,
    %get3A_462 = arith.constant 1 : i32
    %get3A_463 = arith.index_cast %get3A_462 : i32 to index
    %get3A_464 = arith.constant 208 : index
    %get3A_465 = tpu.vector_load %arg13[%get3A_463, %get3A_464] {strides = array<i32>} : memref<2x256xi32, #tpu.memory_space<vmem>>, vector<1x16xi32>,
    %get3A_466 = vector.shape_cast %get3A_465 : vector<1x16xi32> to vector<16xi32>
    %swap3A_467 = arith.constant 464 : index
    %swap3A_468 = tpu.vector_load %arg14[%swap3A_467] {strides = array<i32>} : memref<512xi32, #tpu.memory_space<vmem>>, vector<16xi32>,
    %swap3A_469 = vector.shape_cast %swap3A_468 : vector<16xi32> to vector<16xi32>
    %swap3A_470 = vector.shape_cast %get3A_466 : vector<16xi32> to vector<16xi32>
    tpu.vector_store %arg14[%swap3A_467], %swap3A_470 {strides = array<i32>} : memref<512xi32, #tpu.memory_space<vmem>>, vector<16xi32>,
    %get3A_471 = arith.constant 1 : i32
    %get3A_472 = arith.index_cast %get3A_471 : i32 to index
    %get3A_473 = arith.constant 224 : index
    %get3A_474 = tpu.vector_load %arg13[%get3A_472, %get3A_473] {strides = array<i32>} : memref<2x256xi32, #tpu.memory_space<vmem>>, vector<1x16xi32>,
    %get3A_475 = vector.shape_cast %get3A_474 : vector<1x16xi32> to vector<16xi32>
    %swap3A_476 = arith.constant 480 : index
    %swap3A_477 = tpu.vector_load %arg14[%swap3A_476] {strides = array<i32>} : memref<512xi32, #tpu.memory_space<vmem>>, vector<16xi32>,
    %swap3A_478 = vector.shape_cast %swap3A_477 : vector<16xi32> to vector<16xi32>
    %swap3A_479 = vector.shape_cast %get3A_475 : vector<16xi32> to vector<16xi32>
    tpu.vector_store %arg14[%swap3A_476], %swap3A_479 {strides = array<i32>} : memref<512xi32, #tpu.memory_space<vmem>>, vector<16xi32>,
    %get3A_480 = arith.constant 1 : i32
    %get3A_481 = arith.index_cast %get3A_480 : i32 to index
    %get3A_482 = arith.constant 240 : index
    %get3A_483 = tpu.vector_load %arg13[%get3A_481, %get3A_482] {strides = array<i32>} : memref<2x256xi32, #tpu.memory_space<vmem>>, vector<1x16xi32>,
    %get3A_484 = vector.shape_cast %get3A_483 : vector<1x16xi32> to vector<16xi32>
    %swap3A_485 = arith.constant 496 : index
    %swap3A_486 = tpu.vector_load %arg14[%swap3A_485] {strides = array<i32>} : memref<512xi32, #tpu.memory_space<vmem>>, vector<16xi32>,
    %swap3A_487 = vector.shape_cast %swap3A_486 : vector<16xi32> to vector<16xi32>
    %swap3A_488 = vector.shape_cast %get3A_484 : vector<16xi32> to vector<16xi32>
    tpu.vector_store %arg14[%swap3A_485], %swap3A_488 {strides = array<i32>} : memref<512xi32, #tpu.memory_space<vmem>>, vector<16xi32>,
    %dma_start3A_489 = arith.constant 0 : i32
    %dma_start3A_490 = tpu.memref_slice %arg15[%dma_start3A_489] : memref<2560xi32, #tpu.memory_space<vmem>> -> memref<512xi32, #tpu.memory_space<vmem>>
    %dma_start3A_491 = arith.constant 0 : i32
    %dma_start3A_492 = tpu.memref_slice %arg6[%dma_start3A_491] : memref<100352xi32, #tpu.memory_space<vmem_shared>> -> memref<100352xi32, #tpu.memory_space<vmem_shared>>
    tpu.enqueue_indirect_dma source(%dma_start3A_490 : memref<512xi32, #tpu.memory_space<vmem>>) target(%dma_start3A_492 : memref<100352xi32, #tpu.memory_space<vmem_shared>>) offsets(%arg14 : memref<512xi32, #tpu.memory_space<vmem>>) semaphore(%arg25 : memref<!tpu.dma_semaphore, #tpu.memory_space<semaphore_mem>>) {add = true}
    %dma_wait3A_493 = arith.constant 0 : i32
    %dma_wait3A_494 = tpu.memref_slice %arg15[%dma_wait3A_493] : memref<2560xi32, #tpu.memory_space<vmem>> -> memref<512xi32, #tpu.memory_space<vmem>>
    %dma_wait3A_495 = arith.constant 0 : i32
    %dma_wait3A_496 = tpu.memref_slice %arg6[%dma_wait3A_495] : memref<100352xi32, #tpu.memory_space<vmem_shared>> -> memref<100352xi32, #tpu.memory_space<vmem_shared>>
    tpu.wait_indirect_dma semaphore(%arg25 : memref<!tpu.dma_semaphore, #tpu.memory_space<semaphore_mem>>) src(%dma_wait3A_494 : memref<512xi32, #tpu.memory_space<vmem>>) dst(%dma_wait3A_496 : memref<100352xi32, #tpu.memory_space<vmem_shared>>)
    %dma_wait3A_497 = arith.constant 0 : i32
    %dma_wait3A_498 = tpu.memref_slice %arg16[%dma_wait3A_497] : memref<16384xi32, #tpu.memory_space<vmem>> -> memref<8192xi32, #tpu.memory_space<vmem>>
    %dma_wait3A_499 = arith.constant 0 : i32
    %dma_wait3A_500 = tpu.memref_slice %arg7[%dma_wait3A_499] : memref<100352xf32, #tpu.memory_space<vmem_shared>> -> memref<100352xf32, #tpu.memory_space<vmem_shared>>
    tpu.wait_indirect_dma semaphore(%arg27 : memref<!tpu.dma_semaphore, #tpu.memory_space<semaphore_mem>>) src(%dma_wait3A_500 : memref<100352xf32, #tpu.memory_space<vmem_shared>>) dst(%arg19 : memref<8192xf32, #tpu.memory_space<vmem>>)
    %dma_wait3A_501 = arith.constant 8192 : i32
    %dma_wait3A_502 = tpu.memref_slice %arg16[%dma_wait3A_501] : memref<16384xi32, #tpu.memory_space<vmem>> -> memref<8192xi32, #tpu.memory_space<vmem>>
    %dma_wait3A_503 = arith.constant 0 : i32
    %dma_wait3A_504 = tpu.memref_slice %arg7[%dma_wait3A_503] : memref<100352xf32, #tpu.memory_space<vmem_shared>> -> memref<100352xf32, #tpu.memory_space<vmem_shared>>
    tpu.wait_indirect_dma semaphore(%arg28 : memref<!tpu.dma_semaphore, #tpu.memory_space<semaphore_mem>>) src(%dma_wait3A_504 : memref<100352xf32, #tpu.memory_space<vmem_shared>>) dst(%arg20 : memref<8192xf32, #tpu.memory_space<vmem>>)
    %barrier3A_505 = arith.constant 0 : index
    tpu.barrier barrier_id(%barrier3A_505)
    %dma_start3A_506 = arith.constant 0 : i32
    %dma_start3A_507 = tpu.memref_slice %arg16[%dma_start3A_506] : memref<16384xi32, #tpu.memory_space<vmem>> -> memref<8192xi32, #tpu.memory_space<vmem>>
    %dma_start3A_508 = arith.constant 0 : i32
    %dma_start3A_509 = tpu.memref_slice %arg6[%dma_start3A_508] : memref<100352xi32, #tpu.memory_space<vmem_shared>> -> memref<100352xi32, #tpu.memory_space<vmem_shared>>
    tpu.enqueue_indirect_dma source(%dma_start3A_509 : memref<100352xi32, #tpu.memory_space<vmem_shared>>) target(%arg17 : memref<8192xi32, #tpu.memory_space<vmem>>) offsets(%dma_start3A_507 : memref<8192xi32, #tpu.memory_space<vmem>>) semaphore(%arg23 : memref<!tpu.dma_semaphore, #tpu.memory_space<semaphore_mem>>)
    %dma_start3A_510 = arith.constant 8192 : i32
    %dma_start3A_511 = tpu.memref_slice %arg16[%dma_start3A_510] : memref<16384xi32, #tpu.memory_space<vmem>> -> memref<8192xi32, #tpu.memory_space<vmem>>
    %dma_start3A_512 = arith.constant 0 : i32
    %dma_start3A_513 = tpu.memref_slice %arg6[%dma_start3A_512] : memref<100352xi32, #tpu.memory_space<vmem_shared>> -> memref<100352xi32, #tpu.memory_space<vmem_shared>>
    tpu.enqueue_indirect_dma source(%dma_start3A_513 : memref<100352xi32, #tpu.memory_space<vmem_shared>>) target(%arg18 : memref<8192xi32, #tpu.memory_space<vmem>>) offsets(%dma_start3A_511 : memref<8192xi32, #tpu.memory_space<vmem>>) semaphore(%arg24 : memref<!tpu.dma_semaphore, #tpu.memory_space<semaphore_mem>>)
    %dma_wait3A_514 = arith.constant 0 : i32
    %dma_wait3A_515 = tpu.memref_slice %arg16[%dma_wait3A_514] : memref<16384xi32, #tpu.memory_space<vmem>> -> memref<8192xi32, #tpu.memory_space<vmem>>
    %dma_wait3A_516 = arith.constant 0 : i32
    %dma_wait3A_517 = tpu.memref_slice %arg6[%dma_wait3A_516] : memref<100352xi32, #tpu.memory_space<vmem_shared>> -> memref<100352xi32, #tpu.memory_space<vmem_shared>>
    tpu.wait_indirect_dma semaphore(%arg23 : memref<!tpu.dma_semaphore, #tpu.memory_space<semaphore_mem>>) src(%dma_wait3A_517 : memref<100352xi32, #tpu.memory_space<vmem_shared>>) dst(%arg17 : memref<8192xi32, #tpu.memory_space<vmem>>)
    %scan3A_518 = arith.constant 0 : i32
    %scan3A_519 = arith.constant 0 : i32
    %scan3A_520 = arith.constant 64 : i32
    %scan3A_521 = arith.addi %scan3A_519, %scan3A_520 : i32
    %scan3A_522 = arith.constant 1 : i32
    scf.for %scan3A_548 = %scan3A_519 to %scan3A_521 step %scan3A_522  : i32 {
      %mul3A_549 = arith.constant 128 : i32
      %mul3A_550 = arith.muli %arg1, %mul3A_549 : i32
      %add3A_551 = arith.constant 0 : i32
      %add3A_552 = arith.addi %mul3A_550, %add3A_551 : i32
      %add3A_553 = arith.addi %add3A_552, %scan3A_548 : i32
      %mul3A_554 = arith.constant 64 : i32
      %mul3A_555 = arith.muli %add3A_553, %mul3A_554 : i32
      %mul3A_556 = arith.constant 128 : i32
      %mul3A_557 = arith.muli %scan3A_548, %mul3A_556 : i32
      %add3A_558 = arith.constant 0 : i32
      %add3A_559 = arith.addi %mul3A_557, %add3A_558 : i32
      %get3A_560 = arith.index_cast %add3A_559 : i32 to index
      %get3A_561 = tpu.vector_load %arg17[%get3A_560] {strides = array<i32>} : memref<8192xi32, #tpu.memory_space<vmem>>, vector<16xi32>,
      %get3A_562 = vector.shape_cast %get3A_561 : vector<16xi32> to vector<16xi32>
      %get3A_563 = arith.index_cast %add3A_559 : i32 to index
      %get3A_564 = tpu.vector_load %arg19[%get3A_563] {strides = array<i32>} : memref<8192xf32, #tpu.memory_space<vmem>>, vector<16xf32>,
      %get3A_565 = vector.shape_cast %get3A_564 : vector<16xf32> to vector<16xf32>
      %min3A = arith.constant 63 : i32
      %min3A_566 = vector.broadcast %min3A : i32 to vector<16xi32>
      %min3A_567 = arith.minsi %get3A_562, %min3A_566 : vector<16xi32>
      %add3A_568 = vector.broadcast %mul3A_555 : i32 to vector<16xi32>
      %add3A_569 = arith.addi %add3A_568, %min3A_567 : vector<16xi32>
      %lt3A_570 = arith.constant 64 : i32
      %lt3A_571 = vector.broadcast %lt3A_570 : i32 to vector<16xi32>
      %lt3A_572 = arith.cmpi slt, %get3A_562, %lt3A_571 : vector<16xi32>
      %broadcast_in_dim3A_573 = arith.constant 0.000000e+00 : f32
      %broadcast_in_dim3A_574 = vector.broadcast %broadcast_in_dim3A_573 : f32 to vector<16xf32>
      %select_n3A_575 = arith.select %lt3A_572, %get3A_565, %broadcast_in_dim3A_574 : vector<16xi1>, vector<16xf32>
      %swap3A_576 = arith.index_cast %add3A_559 : i32 to index
      %swap3A_577 = tpu.vector_load %arg17[%swap3A_576] {strides = array<i32>} : memref<8192xi32, #tpu.memory_space<vmem>>, vector<16xi32>,
      %swap3A_578 = vector.shape_cast %swap3A_577 : vector<16xi32> to vector<16xi32>
      %swap3A_579 = vector.shape_cast %add3A_569 : vector<16xi32> to vector<16xi32>
      tpu.vector_store %arg17[%swap3A_576], %swap3A_579 {strides = array<i32>} : memref<8192xi32, #tpu.memory_space<vmem>>, vector<16xi32>,
      %swap3A_580 = arith.index_cast %add3A_559 : i32 to index
      %swap3A_581 = tpu.vector_load %arg19[%swap3A_580] {strides = array<i32>} : memref<8192xf32, #tpu.memory_space<vmem>>, vector<16xf32>,
      %swap3A_582 = vector.shape_cast %swap3A_581 : vector<16xf32> to vector<16xf32>
      %swap3A_583 = vector.shape_cast %select_n3A_575 : vector<16xf32> to vector<16xf32>
      tpu.vector_store %arg19[%swap3A_580], %swap3A_583 {strides = array<i32>} : memref<8192xf32, #tpu.memory_space<vmem>>, vector<16xf32>,
      %mul3A_584 = arith.constant 128 : i32
      %mul3A_585 = arith.muli %scan3A_548, %mul3A_584 : i32
      %add3A_586 = arith.constant 16 : i32
      %add3A_587 = arith.addi %mul3A_585, %add3A_586 : i32
      %get3A_588 = arith.index_cast %add3A_587 : i32 to index
      %get3A_589 = tpu.vector_load %arg17[%get3A_588] {strides = array<i32>} : memref<8192xi32, #tpu.memory_space<vmem>>, vector<16xi32>,
      %get3A_590 = vector.shape_cast %get3A_589 : vector<16xi32> to vector<16xi32>
      %get3A_591 = arith.index_cast %add3A_587 : i32 to index
      %get3A_592 = tpu.vector_load %arg19[%get3A_591] {strides = array<i32>} : memref<8192xf32, #tpu.memory_space<vmem>>, vector<16xf32>,
      %get3A_593 = vector.shape_cast %get3A_592 : vector<16xf32> to vector<16xf32>
      %min3A_594 = arith.constant 63 : i32
      %min3A_595 = vector.broadcast %min3A_594 : i32 to vector<16xi32>
      %min3A_596 = arith.minsi %get3A_590, %min3A_595 : vector<16xi32>
      %add3A_597 = vector.broadcast %mul3A_555 : i32 to vector<16xi32>
      %add3A_598 = arith.addi %add3A_597, %min3A_596 : vector<16xi32>
      %lt3A_599 = arith.constant 64 : i32
      %lt3A_600 = vector.broadcast %lt3A_599 : i32 to vector<16xi32>
      %lt3A_601 = arith.cmpi slt, %get3A_590, %lt3A_600 : vector<16xi32>
      %broadcast_in_dim3A_602 = arith.constant 0.000000e+00 : f32
      %broadcast_in_dim3A_603 = vector.broadcast %broadcast_in_dim3A_602 : f32 to vector<16xf32>
      %select_n3A_604 = arith.select %lt3A_601, %get3A_593, %broadcast_in_dim3A_603 : vector<16xi1>, vector<16xf32>
      %swap3A_605 = arith.index_cast %add3A_587 : i32 to index
      %swap3A_606 = tpu.vector_load %arg17[%swap3A_605] {strides = array<i32>} : memref<8192xi32, #tpu.memory_space<vmem>>, vector<16xi32>,
      %swap3A_607 = vector.shape_cast %swap3A_606 : vector<16xi32> to vector<16xi32>
      %swap3A_608 = vector.shape_cast %add3A_598 : vector<16xi32> to vector<16xi32>
      tpu.vector_store %arg17[%swap3A_605], %swap3A_608 {strides = array<i32>} : memref<8192xi32, #tpu.memory_space<vmem>>, vector<16xi32>,
      %swap3A_609 = arith.index_cast %add3A_587 : i32 to index
      %swap3A_610 = tpu.vector_load %arg19[%swap3A_609] {strides = array<i32>} : memref<8192xf32, #tpu.memory_space<vmem>>, vector<16xf32>,
      %swap3A_611 = vector.shape_cast %swap3A_610 : vector<16xf32> to vector<16xf32>
      %swap3A_612 = vector.shape_cast %select_n3A_604 : vector<16xf32> to vector<16xf32>
      tpu.vector_store %arg19[%swap3A_609], %swap3A_612 {strides = array<i32>} : memref<8192xf32, #tpu.memory_space<vmem>>, vector<16xf32>,
      %mul3A_613 = arith.constant 128 : i32
      %mul3A_614 = arith.muli %scan3A_548, %mul3A_613 : i32
      %add3A_615 = arith.constant 32 : i32
      %add3A_616 = arith.addi %mul3A_614, %add3A_615 : i32
      %get3A_617 = arith.index_cast %add3A_616 : i32 to index
      %get3A_618 = tpu.vector_load %arg17[%get3A_617] {strides = array<i32>} : memref<8192xi32, #tpu.memory_space<vmem>>, vector<16xi32>,
      %get3A_619 = vector.shape_cast %get3A_618 : vector<16xi32> to vector<16xi32>
      %get3A_620 = arith.index_cast %add3A_616 : i32 to index
      %get3A_621 = tpu.vector_load %arg19[%get3A_620] {strides = array<i32>} : memref<8192xf32, #tpu.memory_space<vmem>>, vector<16xf32>,
      %get3A_622 = vector.shape_cast %get3A_621 : vector<16xf32> to vector<16xf32>
      %min3A_623 = arith.constant 63 : i32
      %min3A_624 = vector.broadcast %min3A_623 : i32 to vector<16xi32>
      %min3A_625 = arith.minsi %get3A_619, %min3A_624 : vector<16xi32>
      %add3A_626 = vector.broadcast %mul3A_555 : i32 to vector<16xi32>
      %add3A_627 = arith.addi %add3A_626, %min3A_625 : vector<16xi32>
      %lt3A_628 = arith.constant 64 : i32
      %lt3A_629 = vector.broadcast %lt3A_628 : i32 to vector<16xi32>
      %lt3A_630 = arith.cmpi slt, %get3A_619, %lt3A_629 : vector<16xi32>
      %broadcast_in_dim3A_631 = arith.constant 0.000000e+00 : f32
      %broadcast_in_dim3A_632 = vector.broadcast %broadcast_in_dim3A_631 : f32 to vector<16xf32>
      %select_n3A_633 = arith.select %lt3A_630, %get3A_622, %broadcast_in_dim3A_632 : vector<16xi1>, vector<16xf32>
      %swap3A_634 = arith.index_cast %add3A_616 : i32 to index
      %swap3A_635 = tpu.vector_load %arg17[%swap3A_634] {strides = array<i32>} : memref<8192xi32, #tpu.memory_space<vmem>>, vector<16xi32>,
      %swap3A_636 = vector.shape_cast %swap3A_635 : vector<16xi32> to vector<16xi32>
      %swap3A_637 = vector.shape_cast %add3A_627 : vector<16xi32> to vector<16xi32>
      tpu.vector_store %arg17[%swap3A_634], %swap3A_637 {strides = array<i32>} : memref<8192xi32, #tpu.memory_space<vmem>>, vector<16xi32>,
      %swap3A_638 = arith.index_cast %add3A_616 : i32 to index
      %swap3A_639 = tpu.vector_load %arg19[%swap3A_638] {strides = array<i32>} : memref<8192xf32, #tpu.memory_space<vmem>>, vector<16xf32>,
      %swap3A_640 = vector.shape_cast %swap3A_639 : vector<16xf32> to vector<16xf32>
      %swap3A_641 = vector.shape_cast %select_n3A_633 : vector<16xf32> to vector<16xf32>
      tpu.vector_store %arg19[%swap3A_638], %swap3A_641 {strides = array<i32>} : memref<8192xf32, #tpu.memory_space<vmem>>, vector<16xf32>,
      %mul3A_642 = arith.constant 128 : i32
      %mul3A_643 = arith.muli %scan3A_548, %mul3A_642 : i32
      %add3A_644 = arith.constant 48 : i32
      %add3A_645 = arith.addi %mul3A_643, %add3A_644 : i32
      %get3A_646 = arith.index_cast %add3A_645 : i32 to index
      %get3A_647 = tpu.vector_load %arg17[%get3A_646] {strides = array<i32>} : memref<8192xi32, #tpu.memory_space<vmem>>, vector<16xi32>,
      %get3A_648 = vector.shape_cast %get3A_647 : vector<16xi32> to vector<16xi32>
      %get3A_649 = arith.index_cast %add3A_645 : i32 to index
      %get3A_650 = tpu.vector_load %arg19[%get3A_649] {strides = array<i32>} : memref<8192xf32, #tpu.memory_space<vmem>>, vector<16xf32>,
      %get3A_651 = vector.shape_cast %get3A_650 : vector<16xf32> to vector<16xf32>
      %min3A_652 = arith.constant 63 : i32
      %min3A_653 = vector.broadcast %min3A_652 : i32 to vector<16xi32>
      %min3A_654 = arith.minsi %get3A_648, %min3A_653 : vector<16xi32>
      %add3A_655 = vector.broadcast %mul3A_555 : i32 to vector<16xi32>
      %add3A_656 = arith.addi %add3A_655, %min3A_654 : vector<16xi32>
      %lt3A_657 = arith.constant 64 : i32
      %lt3A_658 = vector.broadcast %lt3A_657 : i32 to vector<16xi32>
      %lt3A_659 = arith.cmpi slt, %get3A_648, %lt3A_658 : vector<16xi32>
      %broadcast_in_dim3A_660 = arith.constant 0.000000e+00 : f32
      %broadcast_in_dim3A_661 = vector.broadcast %broadcast_in_dim3A_660 : f32 to vector<16xf32>
      %select_n3A_662 = arith.select %lt3A_659, %get3A_651, %broadcast_in_dim3A_661 : vector<16xi1>, vector<16xf32>
      %swap3A_663 = arith.index_cast %add3A_645 : i32 to index
      %swap3A_664 = tpu.vector_load %arg17[%swap3A_663] {strides = array<i32>} : memref<8192xi32, #tpu.memory_space<vmem>>, vector<16xi32>,
      %swap3A_665 = vector.shape_cast %swap3A_664 : vector<16xi32> to vector<16xi32>
      %swap3A_666 = vector.shape_cast %add3A_656 : vector<16xi32> to vector<16xi32>
      tpu.vector_store %arg17[%swap3A_663], %swap3A_666 {strides = array<i32>} : memref<8192xi32, #tpu.memory_space<vmem>>, vector<16xi32>,
      %swap3A_667 = arith.index_cast %add3A_645 : i32 to index
      %swap3A_668 = tpu.vector_load %arg19[%swap3A_667] {strides = array<i32>} : memref<8192xf32, #tpu.memory_space<vmem>>, vector<16xf32>,
      %swap3A_669 = vector.shape_cast %swap3A_668 : vector<16xf32> to vector<16xf32>
      %swap3A_670 = vector.shape_cast %select_n3A_662 : vector<16xf32> to vector<16xf32>
      tpu.vector_store %arg19[%swap3A_667], %swap3A_670 {strides = array<i32>} : memref<8192xf32, #tpu.memory_space<vmem>>, vector<16xf32>,
      %mul3A_671 = arith.constant 128 : i32
      %mul3A_672 = arith.muli %scan3A_548, %mul3A_671 : i32
      %add3A_673 = arith.constant 64 : i32
      %add3A_674 = arith.addi %mul3A_672, %add3A_673 : i32
      %get3A_675 = arith.index_cast %add3A_674 : i32 to index
      %get3A_676 = tpu.vector_load %arg17[%get3A_675] {strides = array<i32>} : memref<8192xi32, #tpu.memory_space<vmem>>, vector<16xi32>,
      %get3A_677 = vector.shape_cast %get3A_676 : vector<16xi32> to vector<16xi32>
      %get3A_678 = arith.index_cast %add3A_674 : i32 to index
      %get3A_679 = tpu.vector_load %arg19[%get3A_678] {strides = array<i32>} : memref<8192xf32, #tpu.memory_space<vmem>>, vector<16xf32>,
      %get3A_680 = vector.shape_cast %get3A_679 : vector<16xf32> to vector<16xf32>
      %min3A_681 = arith.constant 63 : i32
      %min3A_682 = vector.broadcast %min3A_681 : i32 to vector<16xi32>
      %min3A_683 = arith.minsi %get3A_677, %min3A_682 : vector<16xi32>
      %add3A_684 = vector.broadcast %mul3A_555 : i32 to vector<16xi32>
      %add3A_685 = arith.addi %add3A_684, %min3A_683 : vector<16xi32>
      %lt3A_686 = arith.constant 64 : i32
      %lt3A_687 = vector.broadcast %lt3A_686 : i32 to vector<16xi32>
      %lt3A_688 = arith.cmpi slt, %get3A_677, %lt3A_687 : vector<16xi32>
      %broadcast_in_dim3A_689 = arith.constant 0.000000e+00 : f32
      %broadcast_in_dim3A_690 = vector.broadcast %broadcast_in_dim3A_689 : f32 to vector<16xf32>
      %select_n3A_691 = arith.select %lt3A_688, %get3A_680, %broadcast_in_dim3A_690 : vector<16xi1>, vector<16xf32>
      %swap3A_692 = arith.index_cast %add3A_674 : i32 to index
      %swap3A_693 = tpu.vector_load %arg17[%swap3A_692] {strides = array<i32>} : memref<8192xi32, #tpu.memory_space<vmem>>, vector<16xi32>,
      %swap3A_694 = vector.shape_cast %swap3A_693 : vector<16xi32> to vector<16xi32>
      %swap3A_695 = vector.shape_cast %add3A_685 : vector<16xi32> to vector<16xi32>
      tpu.vector_store %arg17[%swap3A_692], %swap3A_695 {strides = array<i32>} : memref<8192xi32, #tpu.memory_space<vmem>>, vector<16xi32>,
      %swap3A_696 = arith.index_cast %add3A_674 : i32 to index
      %swap3A_697 = tpu.vector_load %arg19[%swap3A_696] {strides = array<i32>} : memref<8192xf32, #tpu.memory_space<vmem>>, vector<16xf32>,
      %swap3A_698 = vector.shape_cast %swap3A_697 : vector<16xf32> to vector<16xf32>
      %swap3A_699 = vector.shape_cast %select_n3A_691 : vector<16xf32> to vector<16xf32>
      tpu.vector_store %arg19[%swap3A_696], %swap3A_699 {strides = array<i32>} : memref<8192xf32, #tpu.memory_space<vmem>>, vector<16xf32>,
      %mul3A_700 = arith.constant 128 : i32
      %mul3A_701 = arith.muli %scan3A_548, %mul3A_700 : i32
      %add3A_702 = arith.constant 80 : i32
      %add3A_703 = arith.addi %mul3A_701, %add3A_702 : i32
      %get3A_704 = arith.index_cast %add3A_703 : i32 to index
      %get3A_705 = tpu.vector_load %arg17[%get3A_704] {strides = array<i32>} : memref<8192xi32, #tpu.memory_space<vmem>>, vector<16xi32>,
      %get3A_706 = vector.shape_cast %get3A_705 : vector<16xi32> to vector<16xi32>
      %get3A_707 = arith.index_cast %add3A_703 : i32 to index
      %get3A_708 = tpu.vector_load %arg19[%get3A_707] {strides = array<i32>} : memref<8192xf32, #tpu.memory_space<vmem>>, vector<16xf32>,
      %get3A_709 = vector.shape_cast %get3A_708 : vector<16xf32> to vector<16xf32>
      %min3A_710 = arith.constant 63 : i32
      %min3A_711 = vector.broadcast %min3A_710 : i32 to vector<16xi32>
      %min3A_712 = arith.minsi %get3A_706, %min3A_711 : vector<16xi32>
      %add3A_713 = vector.broadcast %mul3A_555 : i32 to vector<16xi32>
      %add3A_714 = arith.addi %add3A_713, %min3A_712 : vector<16xi32>
      %lt3A_715 = arith.constant 64 : i32
      %lt3A_716 = vector.broadcast %lt3A_715 : i32 to vector<16xi32>
      %lt3A_717 = arith.cmpi slt, %get3A_706, %lt3A_716 : vector<16xi32>
      %broadcast_in_dim3A_718 = arith.constant 0.000000e+00 : f32
      %broadcast_in_dim3A_719 = vector.broadcast %broadcast_in_dim3A_718 : f32 to vector<16xf32>
      %select_n3A_720 = arith.select %lt3A_717, %get3A_709, %broadcast_in_dim3A_719 : vector<16xi1>, vector<16xf32>
      %swap3A_721 = arith.index_cast %add3A_703 : i32 to index
      %swap3A_722 = tpu.vector_load %arg17[%swap3A_721] {strides = array<i32>} : memref<8192xi32, #tpu.memory_space<vmem>>, vector<16xi32>,
      %swap3A_723 = vector.shape_cast %swap3A_722 : vector<16xi32> to vector<16xi32>
      %swap3A_724 = vector.shape_cast %add3A_714 : vector<16xi32> to vector<16xi32>
      tpu.vector_store %arg17[%swap3A_721], %swap3A_724 {strides = array<i32>} : memref<8192xi32, #tpu.memory_space<vmem>>, vector<16xi32>,
      %swap3A_725 = arith.index_cast %add3A_703 : i32 to index
      %swap3A_726 = tpu.vector_load %arg19[%swap3A_725] {strides = array<i32>} : memref<8192xf32, #tpu.memory_space<vmem>>, vector<16xf32>,
      %swap3A_727 = vector.shape_cast %swap3A_726 : vector<16xf32> to vector<16xf32>
      %swap3A_728 = vector.shape_cast %select_n3A_720 : vector<16xf32> to vector<16xf32>
      tpu.vector_store %arg19[%swap3A_725], %swap3A_728 {strides = array<i32>} : memref<8192xf32, #tpu.memory_space<vmem>>, vector<16xf32>,
      %mul3A_729 = arith.constant 128 : i32
      %mul3A_730 = arith.muli %scan3A_548, %mul3A_729 : i32
      %add3A_731 = arith.constant 96 : i32
      %add3A_732 = arith.addi %mul3A_730, %add3A_731 : i32
      %get3A_733 = arith.index_cast %add3A_732 : i32 to index
      %get3A_734 = tpu.vector_load %arg17[%get3A_733] {strides = array<i32>} : memref<8192xi32, #tpu.memory_space<vmem>>, vector<16xi32>,
      %get3A_735 = vector.shape_cast %get3A_734 : vector<16xi32> to vector<16xi32>
      %get3A_736 = arith.index_cast %add3A_732 : i32 to index
      %get3A_737 = tpu.vector_load %arg19[%get3A_736] {strides = array<i32>} : memref<8192xf32, #tpu.memory_space<vmem>>, vector<16xf32>,
      %get3A_738 = vector.shape_cast %get3A_737 : vector<16xf32> to vector<16xf32>
      %min3A_739 = arith.constant 63 : i32
      %min3A_740 = vector.broadcast %min3A_739 : i32 to vector<16xi32>
      %min3A_741 = arith.minsi %get3A_735, %min3A_740 : vector<16xi32>
      %add3A_742 = vector.broadcast %mul3A_555 : i32 to vector<16xi32>
      %add3A_743 = arith.addi %add3A_742, %min3A_741 : vector<16xi32>
      %lt3A_744 = arith.constant 64 : i32
      %lt3A_745 = vector.broadcast %lt3A_744 : i32 to vector<16xi32>
      %lt3A_746 = arith.cmpi slt, %get3A_735, %lt3A_745 : vector<16xi32>
      %broadcast_in_dim3A_747 = arith.constant 0.000000e+00 : f32
      %broadcast_in_dim3A_748 = vector.broadcast %broadcast_in_dim3A_747 : f32 to vector<16xf32>
      %select_n3A_749 = arith.select %lt3A_746, %get3A_738, %broadcast_in_dim3A_748 : vector<16xi1>, vector<16xf32>
      %swap3A_750 = arith.index_cast %add3A_732 : i32 to index
      %swap3A_751 = tpu.vector_load %arg17[%swap3A_750] {strides = array<i32>} : memref<8192xi32, #tpu.memory_space<vmem>>, vector<16xi32>,
      %swap3A_752 = vector.shape_cast %swap3A_751 : vector<16xi32> to vector<16xi32>
      %swap3A_753 = vector.shape_cast %add3A_743 : vector<16xi32> to vector<16xi32>
      tpu.vector_store %arg17[%swap3A_750], %swap3A_753 {strides = array<i32>} : memref<8192xi32, #tpu.memory_space<vmem>>, vector<16xi32>,
      %swap3A_754 = arith.index_cast %add3A_732 : i32 to index
      %swap3A_755 = tpu.vector_load %arg19[%swap3A_754] {strides = array<i32>} : memref<8192xf32, #tpu.memory_space<vmem>>, vector<16xf32>,
      %swap3A_756 = vector.shape_cast %swap3A_755 : vector<16xf32> to vector<16xf32>
      %swap3A_757 = vector.shape_cast %select_n3A_749 : vector<16xf32> to vector<16xf32>
      tpu.vector_store %arg19[%swap3A_754], %swap3A_757 {strides = array<i32>} : memref<8192xf32, #tpu.memory_space<vmem>>, vector<16xf32>,
      %mul3A_758 = arith.constant 128 : i32
      %mul3A_759 = arith.muli %scan3A_548, %mul3A_758 : i32
      %add3A_760 = arith.constant 112 : i32
      %add3A_761 = arith.addi %mul3A_759, %add3A_760 : i32
      %get3A_762 = arith.index_cast %add3A_761 : i32 to index
      %get3A_763 = tpu.vector_load %arg17[%get3A_762] {strides = array<i32>} : memref<8192xi32, #tpu.memory_space<vmem>>, vector<16xi32>,
      %get3A_764 = vector.shape_cast %get3A_763 : vector<16xi32> to vector<16xi32>
      %get3A_765 = arith.index_cast %add3A_761 : i32 to index
      %get3A_766 = tpu.vector_load %arg19[%get3A_765] {strides = array<i32>} : memref<8192xf32, #tpu.memory_space<vmem>>, vector<16xf32>,
      %get3A_767 = vector.shape_cast %get3A_766 : vector<16xf32> to vector<16xf32>
      %min3A_768 = arith.constant 63 : i32
      %min3A_769 = vector.broadcast %min3A_768 : i32 to vector<16xi32>
      %min3A_770 = arith.minsi %get3A_764, %min3A_769 : vector<16xi32>
      %add3A_771 = vector.broadcast %mul3A_555 : i32 to vector<16xi32>
      %add3A_772 = arith.addi %add3A_771, %min3A_770 : vector<16xi32>
      %lt3A_773 = arith.constant 64 : i32
      %lt3A_774 = vector.broadcast %lt3A_773 : i32 to vector<16xi32>
      %lt3A_775 = arith.cmpi slt, %get3A_764, %lt3A_774 : vector<16xi32>
      %broadcast_in_dim3A_776 = arith.constant 0.000000e+00 : f32
      %broadcast_in_dim3A_777 = vector.broadcast %broadcast_in_dim3A_776 : f32 to vector<16xf32>
      %select_n3A_778 = arith.select %lt3A_775, %get3A_767, %broadcast_in_dim3A_777 : vector<16xi1>, vector<16xf32>
      %swap3A_779 = arith.index_cast %add3A_761 : i32 to index
      %swap3A_780 = tpu.vector_load %arg17[%swap3A_779] {strides = array<i32>} : memref<8192xi32, #tpu.memory_space<vmem>>, vector<16xi32>,
      %swap3A_781 = vector.shape_cast %swap3A_780 : vector<16xi32> to vector<16xi32>
      %swap3A_782 = vector.shape_cast %add3A_772 : vector<16xi32> to vector<16xi32>
      tpu.vector_store %arg17[%swap3A_779], %swap3A_782 {strides = array<i32>} : memref<8192xi32, #tpu.memory_space<vmem>>, vector<16xi32>,
      %swap3A_783 = arith.index_cast %add3A_761 : i32 to index
      %swap3A_784 = tpu.vector_load %arg19[%swap3A_783] {strides = array<i32>} : memref<8192xf32, #tpu.memory_space<vmem>>, vector<16xf32>,
      %swap3A_785 = vector.shape_cast %swap3A_784 : vector<16xf32> to vector<16xf32>
      %swap3A_786 = vector.shape_cast %select_n3A_778 : vector<16xf32> to vector<16xf32>
      tpu.vector_store %arg19[%swap3A_783], %swap3A_786 {strides = array<i32>} : memref<8192xf32, #tpu.memory_space<vmem>>, vector<16xf32>,
    }
    %scan3A_523 = arith.constant 64 : i32
    %dma_start3A_524 = arith.constant 0 : i32
    %dma_start3A_525 = tpu.memref_slice %arg8[%dma_start3A_524] : memref<131584xf32, #tpu.memory_space<vmem_shared>> -> memref<131584xf32, #tpu.memory_space<vmem_shared>>
    tpu.enqueue_indirect_dma source(%arg19 : memref<8192xf32, #tpu.memory_space<vmem>>) target(%dma_start3A_525 : memref<131584xf32, #tpu.memory_space<vmem_shared>>) offsets(%arg17 : memref<8192xi32, #tpu.memory_space<vmem>>) semaphore(%arg25 : memref<!tpu.dma_semaphore, #tpu.memory_space<semaphore_mem>>) {add = true}
    %dma_wait3A_526 = arith.constant 8192 : i32
    %dma_wait3A_527 = tpu.memref_slice %arg16[%dma_wait3A_526] : memref<16384xi32, #tpu.memory_space<vmem>> -> memref<8192xi32, #tpu.memory_space<vmem>>
    %dma_wait3A_528 = arith.constant 0 : i32
    %dma_wait3A_529 = tpu.memref_slice %arg6[%dma_wait3A_528] : memref<100352xi32, #tpu.memory_space<vmem_shared>> -> memref<100352xi32, #tpu.memory_space<vmem_shared>>
    tpu.wait_indirect_dma semaphore(%arg24 : memref<!tpu.dma_semaphore, #tpu.memory_space<semaphore_mem>>) src(%dma_wait3A_529 : memref<100352xi32, #tpu.memory_space<vmem_shared>>) dst(%arg18 : memref<8192xi32, #tpu.memory_space<vmem>>)
    %scan3A_530 = arith.constant 0 : i32
    %scan3A_531 = arith.constant 0 : i32
    %scan3A_532 = arith.constant 64 : i32
    %scan3A_533 = arith.addi %scan3A_531, %scan3A_532 : i32
    %scan3A_534 = arith.constant 1 : i32
    scf.for %scan3A_548 = %scan3A_531 to %scan3A_533 step %scan3A_534  : i32 {
      %mul3A_549 = arith.constant 128 : i32
      %mul3A_550 = arith.muli %arg1, %mul3A_549 : i32
      %add3A_551 = arith.constant 64 : i32
      %add3A_552 = arith.addi %mul3A_550, %add3A_551 : i32
      %add3A_553 = arith.addi %add3A_552, %scan3A_548 : i32
      %mul3A_554 = arith.constant 64 : i32
      %mul3A_555 = arith.muli %add3A_553, %mul3A_554 : i32
      %mul3A_556 = arith.constant 128 : i32
      %mul3A_557 = arith.muli %scan3A_548, %mul3A_556 : i32
      %add3A_558 = arith.constant 0 : i32
      %add3A_559 = arith.addi %mul3A_557, %add3A_558 : i32
      %get3A_560 = arith.index_cast %add3A_559 : i32 to index
      %get3A_561 = tpu.vector_load %arg18[%get3A_560] {strides = array<i32>} : memref<8192xi32, #tpu.memory_space<vmem>>, vector<16xi32>,
      %get3A_562 = vector.shape_cast %get3A_561 : vector<16xi32> to vector<16xi32>
      %get3A_563 = arith.index_cast %add3A_559 : i32 to index
      %get3A_564 = tpu.vector_load %arg20[%get3A_563] {strides = array<i32>} : memref<8192xf32, #tpu.memory_space<vmem>>, vector<16xf32>,
      %get3A_565 = vector.shape_cast %get3A_564 : vector<16xf32> to vector<16xf32>
      %min3A = arith.constant 63 : i32
      %min3A_566 = vector.broadcast %min3A : i32 to vector<16xi32>
      %min3A_567 = arith.minsi %get3A_562, %min3A_566 : vector<16xi32>
      %add3A_568 = vector.broadcast %mul3A_555 : i32 to vector<16xi32>
      %add3A_569 = arith.addi %add3A_568, %min3A_567 : vector<16xi32>
      %lt3A_570 = arith.constant 64 : i32
      %lt3A_571 = vector.broadcast %lt3A_570 : i32 to vector<16xi32>
      %lt3A_572 = arith.cmpi slt, %get3A_562, %lt3A_571 : vector<16xi32>
      %broadcast_in_dim3A_573 = arith.constant 0.000000e+00 : f32
      %broadcast_in_dim3A_574 = vector.broadcast %broadcast_in_dim3A_573 : f32 to vector<16xf32>
      %select_n3A_575 = arith.select %lt3A_572, %get3A_565, %broadcast_in_dim3A_574 : vector<16xi1>, vector<16xf32>
      %swap3A_576 = arith.index_cast %add3A_559 : i32 to index
      %swap3A_577 = tpu.vector_load %arg18[%swap3A_576] {strides = array<i32>} : memref<8192xi32, #tpu.memory_space<vmem>>, vector<16xi32>,
      %swap3A_578 = vector.shape_cast %swap3A_577 : vector<16xi32> to vector<16xi32>
      %swap3A_579 = vector.shape_cast %add3A_569 : vector<16xi32> to vector<16xi32>
      tpu.vector_store %arg18[%swap3A_576], %swap3A_579 {strides = array<i32>} : memref<8192xi32, #tpu.memory_space<vmem>>, vector<16xi32>,
      %swap3A_580 = arith.index_cast %add3A_559 : i32 to index
      %swap3A_581 = tpu.vector_load %arg20[%swap3A_580] {strides = array<i32>} : memref<8192xf32, #tpu.memory_space<vmem>>, vector<16xf32>,
      %swap3A_582 = vector.shape_cast %swap3A_581 : vector<16xf32> to vector<16xf32>
      %swap3A_583 = vector.shape_cast %select_n3A_575 : vector<16xf32> to vector<16xf32>
      tpu.vector_store %arg20[%swap3A_580], %swap3A_583 {strides = array<i32>} : memref<8192xf32, #tpu.memory_space<vmem>>, vector<16xf32>,
      %mul3A_584 = arith.constant 128 : i32
      %mul3A_585 = arith.muli %scan3A_548, %mul3A_584 : i32
      %add3A_586 = arith.constant 16 : i32
      %add3A_587 = arith.addi %mul3A_585, %add3A_586 : i32
      %get3A_588 = arith.index_cast %add3A_587 : i32 to index
      %get3A_589 = tpu.vector_load %arg18[%get3A_588] {strides = array<i32>} : memref<8192xi32, #tpu.memory_space<vmem>>, vector<16xi32>,
      %get3A_590 = vector.shape_cast %get3A_589 : vector<16xi32> to vector<16xi32>
      %get3A_591 = arith.index_cast %add3A_587 : i32 to index
      %get3A_592 = tpu.vector_load %arg20[%get3A_591] {strides = array<i32>} : memref<8192xf32, #tpu.memory_space<vmem>>, vector<16xf32>,
      %get3A_593 = vector.shape_cast %get3A_592 : vector<16xf32> to vector<16xf32>
      %min3A_594 = arith.constant 63 : i32
      %min3A_595 = vector.broadcast %min3A_594 : i32 to vector<16xi32>
      %min3A_596 = arith.minsi %get3A_590, %min3A_595 : vector<16xi32>
      %add3A_597 = vector.broadcast %mul3A_555 : i32 to vector<16xi32>
      %add3A_598 = arith.addi %add3A_597, %min3A_596 : vector<16xi32>
      %lt3A_599 = arith.constant 64 : i32
      %lt3A_600 = vector.broadcast %lt3A_599 : i32 to vector<16xi32>
      %lt3A_601 = arith.cmpi slt, %get3A_590, %lt3A_600 : vector<16xi32>
      %broadcast_in_dim3A_602 = arith.constant 0.000000e+00 : f32
      %broadcast_in_dim3A_603 = vector.broadcast %broadcast_in_dim3A_602 : f32 to vector<16xf32>
      %select_n3A_604 = arith.select %lt3A_601, %get3A_593, %broadcast_in_dim3A_603 : vector<16xi1>, vector<16xf32>
      %swap3A_605 = arith.index_cast %add3A_587 : i32 to index
      %swap3A_606 = tpu.vector_load %arg18[%swap3A_605] {strides = array<i32>} : memref<8192xi32, #tpu.memory_space<vmem>>, vector<16xi32>,
      %swap3A_607 = vector.shape_cast %swap3A_606 : vector<16xi32> to vector<16xi32>
      %swap3A_608 = vector.shape_cast %add3A_598 : vector<16xi32> to vector<16xi32>
      tpu.vector_store %arg18[%swap3A_605], %swap3A_608 {strides = array<i32>} : memref<8192xi32, #tpu.memory_space<vmem>>, vector<16xi32>,
      %swap3A_609 = arith.index_cast %add3A_587 : i32 to index
      %swap3A_610 = tpu.vector_load %arg20[%swap3A_609] {strides = array<i32>} : memref<8192xf32, #tpu.memory_space<vmem>>, vector<16xf32>,
      %swap3A_611 = vector.shape_cast %swap3A_610 : vector<16xf32> to vector<16xf32>
      %swap3A_612 = vector.shape_cast %select_n3A_604 : vector<16xf32> to vector<16xf32>
      tpu.vector_store %arg20[%swap3A_609], %swap3A_612 {strides = array<i32>} : memref<8192xf32, #tpu.memory_space<vmem>>, vector<16xf32>,
      %mul3A_613 = arith.constant 128 : i32
      %mul3A_614 = arith.muli %scan3A_548, %mul3A_613 : i32
      %add3A_615 = arith.constant 32 : i32
      %add3A_616 = arith.addi %mul3A_614, %add3A_615 : i32
      %get3A_617 = arith.index_cast %add3A_616 : i32 to index
      %get3A_618 = tpu.vector_load %arg18[%get3A_617] {strides = array<i32>} : memref<8192xi32, #tpu.memory_space<vmem>>, vector<16xi32>,
      %get3A_619 = vector.shape_cast %get3A_618 : vector<16xi32> to vector<16xi32>
      %get3A_620 = arith.index_cast %add3A_616 : i32 to index
      %get3A_621 = tpu.vector_load %arg20[%get3A_620] {strides = array<i32>} : memref<8192xf32, #tpu.memory_space<vmem>>, vector<16xf32>,
      %get3A_622 = vector.shape_cast %get3A_621 : vector<16xf32> to vector<16xf32>
      %min3A_623 = arith.constant 63 : i32
      %min3A_624 = vector.broadcast %min3A_623 : i32 to vector<16xi32>
      %min3A_625 = arith.minsi %get3A_619, %min3A_624 : vector<16xi32>
      %add3A_626 = vector.broadcast %mul3A_555 : i32 to vector<16xi32>
      %add3A_627 = arith.addi %add3A_626, %min3A_625 : vector<16xi32>
      %lt3A_628 = arith.constant 64 : i32
      %lt3A_629 = vector.broadcast %lt3A_628 : i32 to vector<16xi32>
      %lt3A_630 = arith.cmpi slt, %get3A_619, %lt3A_629 : vector<16xi32>
      %broadcast_in_dim3A_631 = arith.constant 0.000000e+00 : f32
      %broadcast_in_dim3A_632 = vector.broadcast %broadcast_in_dim3A_631 : f32 to vector<16xf32>
      %select_n3A_633 = arith.select %lt3A_630, %get3A_622, %broadcast_in_dim3A_632 : vector<16xi1>, vector<16xf32>
      %swap3A_634 = arith.index_cast %add3A_616 : i32 to index
      %swap3A_635 = tpu.vector_load %arg18[%swap3A_634] {strides = array<i32>} : memref<8192xi32, #tpu.memory_space<vmem>>, vector<16xi32>,
      %swap3A_636 = vector.shape_cast %swap3A_635 : vector<16xi32> to vector<16xi32>
      %swap3A_637 = vector.shape_cast %add3A_627 : vector<16xi32> to vector<16xi32>
      tpu.vector_store %arg18[%swap3A_634], %swap3A_637 {strides = array<i32>} : memref<8192xi32, #tpu.memory_space<vmem>>, vector<16xi32>,
      %swap3A_638 = arith.index_cast %add3A_616 : i32 to index
      %swap3A_639 = tpu.vector_load %arg20[%swap3A_638] {strides = array<i32>} : memref<8192xf32, #tpu.memory_space<vmem>>, vector<16xf32>,
      %swap3A_640 = vector.shape_cast %swap3A_639 : vector<16xf32> to vector<16xf32>
      %swap3A_641 = vector.shape_cast %select_n3A_633 : vector<16xf32> to vector<16xf32>
      tpu.vector_store %arg20[%swap3A_638], %swap3A_641 {strides = array<i32>} : memref<8192xf32, #tpu.memory_space<vmem>>, vector<16xf32>,
      %mul3A_642 = arith.constant 128 : i32
      %mul3A_643 = arith.muli %scan3A_548, %mul3A_642 : i32
      %add3A_644 = arith.constant 48 : i32
      %add3A_645 = arith.addi %mul3A_643, %add3A_644 : i32
      %get3A_646 = arith.index_cast %add3A_645 : i32 to index
      %get3A_647 = tpu.vector_load %arg18[%get3A_646] {strides = array<i32>} : memref<8192xi32, #tpu.memory_space<vmem>>, vector<16xi32>,
      %get3A_648 = vector.shape_cast %get3A_647 : vector<16xi32> to vector<16xi32>
      %get3A_649 = arith.index_cast %add3A_645 : i32 to index
      %get3A_650 = tpu.vector_load %arg20[%get3A_649] {strides = array<i32>} : memref<8192xf32, #tpu.memory_space<vmem>>, vector<16xf32>,
      %get3A_651 = vector.shape_cast %get3A_650 : vector<16xf32> to vector<16xf32>
      %min3A_652 = arith.constant 63 : i32
      %min3A_653 = vector.broadcast %min3A_652 : i32 to vector<16xi32>
      %min3A_654 = arith.minsi %get3A_648, %min3A_653 : vector<16xi32>
      %add3A_655 = vector.broadcast %mul3A_555 : i32 to vector<16xi32>
      %add3A_656 = arith.addi %add3A_655, %min3A_654 : vector<16xi32>
      %lt3A_657 = arith.constant 64 : i32
      %lt3A_658 = vector.broadcast %lt3A_657 : i32 to vector<16xi32>
      %lt3A_659 = arith.cmpi slt, %get3A_648, %lt3A_658 : vector<16xi32>
      %broadcast_in_dim3A_660 = arith.constant 0.000000e+00 : f32
      %broadcast_in_dim3A_661 = vector.broadcast %broadcast_in_dim3A_660 : f32 to vector<16xf32>
      %select_n3A_662 = arith.select %lt3A_659, %get3A_651, %broadcast_in_dim3A_661 : vector<16xi1>, vector<16xf32>
      %swap3A_663 = arith.index_cast %add3A_645 : i32 to index
      %swap3A_664 = tpu.vector_load %arg18[%swap3A_663] {strides = array<i32>} : memref<8192xi32, #tpu.memory_space<vmem>>, vector<16xi32>,
      %swap3A_665 = vector.shape_cast %swap3A_664 : vector<16xi32> to vector<16xi32>
      %swap3A_666 = vector.shape_cast %add3A_656 : vector<16xi32> to vector<16xi32>
      tpu.vector_store %arg18[%swap3A_663], %swap3A_666 {strides = array<i32>} : memref<8192xi32, #tpu.memory_space<vmem>>, vector<16xi32>,
      %swap3A_667 = arith.index_cast %add3A_645 : i32 to index
      %swap3A_668 = tpu.vector_load %arg20[%swap3A_667] {strides = array<i32>} : memref<8192xf32, #tpu.memory_space<vmem>>, vector<16xf32>,
      %swap3A_669 = vector.shape_cast %swap3A_668 : vector<16xf32> to vector<16xf32>
      %swap3A_670 = vector.shape_cast %select_n3A_662 : vector<16xf32> to vector<16xf32>
      tpu.vector_store %arg20[%swap3A_667], %swap3A_670 {strides = array<i32>} : memref<8192xf32, #tpu.memory_space<vmem>>, vector<16xf32>,
      %mul3A_671 = arith.constant 128 : i32
      %mul3A_672 = arith.muli %scan3A_548, %mul3A_671 : i32
      %add3A_673 = arith.constant 64 : i32
      %add3A_674 = arith.addi %mul3A_672, %add3A_673 : i32
      %get3A_675 = arith.index_cast %add3A_674 : i32 to index
      %get3A_676 = tpu.vector_load %arg18[%get3A_675] {strides = array<i32>} : memref<8192xi32, #tpu.memory_space<vmem>>, vector<16xi32>,
      %get3A_677 = vector.shape_cast %get3A_676 : vector<16xi32> to vector<16xi32>
      %get3A_678 = arith.index_cast %add3A_674 : i32 to index
      %get3A_679 = tpu.vector_load %arg20[%get3A_678] {strides = array<i32>} : memref<8192xf32, #tpu.memory_space<vmem>>, vector<16xf32>,
      %get3A_680 = vector.shape_cast %get3A_679 : vector<16xf32> to vector<16xf32>
      %min3A_681 = arith.constant 63 : i32
      %min3A_682 = vector.broadcast %min3A_681 : i32 to vector<16xi32>
      %min3A_683 = arith.minsi %get3A_677, %min3A_682 : vector<16xi32>
      %add3A_684 = vector.broadcast %mul3A_555 : i32 to vector<16xi32>
      %add3A_685 = arith.addi %add3A_684, %min3A_683 : vector<16xi32>
      %lt3A_686 = arith.constant 64 : i32
      %lt3A_687 = vector.broadcast %lt3A_686 : i32 to vector<16xi32>
      %lt3A_688 = arith.cmpi slt, %get3A_677, %lt3A_687 : vector<16xi32>
      %broadcast_in_dim3A_689 = arith.constant 0.000000e+00 : f32
      %broadcast_in_dim3A_690 = vector.broadcast %broadcast_in_dim3A_689 : f32 to vector<16xf32>
      %select_n3A_691 = arith.select %lt3A_688, %get3A_680, %broadcast_in_dim3A_690 : vector<16xi1>, vector<16xf32>
      %swap3A_692 = arith.index_cast %add3A_674 : i32 to index
      %swap3A_693 = tpu.vector_load %arg18[%swap3A_692] {strides = array<i32>} : memref<8192xi32, #tpu.memory_space<vmem>>, vector<16xi32>,
      %swap3A_694 = vector.shape_cast %swap3A_693 : vector<16xi32> to vector<16xi32>
      %swap3A_695 = vector.shape_cast %add3A_685 : vector<16xi32> to vector<16xi32>
      tpu.vector_store %arg18[%swap3A_692], %swap3A_695 {strides = array<i32>} : memref<8192xi32, #tpu.memory_space<vmem>>, vector<16xi32>,
      %swap3A_696 = arith.index_cast %add3A_674 : i32 to index
      %swap3A_697 = tpu.vector_load %arg20[%swap3A_696] {strides = array<i32>} : memref<8192xf32, #tpu.memory_space<vmem>>, vector<16xf32>,
      %swap3A_698 = vector.shape_cast %swap3A_697 : vector<16xf32> to vector<16xf32>
      %swap3A_699 = vector.shape_cast %select_n3A_691 : vector<16xf32> to vector<16xf32>
      tpu.vector_store %arg20[%swap3A_696], %swap3A_699 {strides = array<i32>} : memref<8192xf32, #tpu.memory_space<vmem>>, vector<16xf32>,
      %mul3A_700 = arith.constant 128 : i32
      %mul3A_701 = arith.muli %scan3A_548, %mul3A_700 : i32
      %add3A_702 = arith.constant 80 : i32
      %add3A_703 = arith.addi %mul3A_701, %add3A_702 : i32
      %get3A_704 = arith.index_cast %add3A_703 : i32 to index
      %get3A_705 = tpu.vector_load %arg18[%get3A_704] {strides = array<i32>} : memref<8192xi32, #tpu.memory_space<vmem>>, vector<16xi32>,
      %get3A_706 = vector.shape_cast %get3A_705 : vector<16xi32> to vector<16xi32>
      %get3A_707 = arith.index_cast %add3A_703 : i32 to index
      %get3A_708 = tpu.vector_load %arg20[%get3A_707] {strides = array<i32>} : memref<8192xf32, #tpu.memory_space<vmem>>, vector<16xf32>,
      %get3A_709 = vector.shape_cast %get3A_708 : vector<16xf32> to vector<16xf32>
      %min3A_710 = arith.constant 63 : i32
      %min3A_711 = vector.broadcast %min3A_710 : i32 to vector<16xi32>
      %min3A_712 = arith.minsi %get3A_706, %min3A_711 : vector<16xi32>
      %add3A_713 = vector.broadcast %mul3A_555 : i32 to vector<16xi32>
      %add3A_714 = arith.addi %add3A_713, %min3A_712 : vector<16xi32>
      %lt3A_715 = arith.constant 64 : i32
      %lt3A_716 = vector.broadcast %lt3A_715 : i32 to vector<16xi32>
      %lt3A_717 = arith.cmpi slt, %get3A_706, %lt3A_716 : vector<16xi32>
      %broadcast_in_dim3A_718 = arith.constant 0.000000e+00 : f32
      %broadcast_in_dim3A_719 = vector.broadcast %broadcast_in_dim3A_718 : f32 to vector<16xf32>
      %select_n3A_720 = arith.select %lt3A_717, %get3A_709, %broadcast_in_dim3A_719 : vector<16xi1>, vector<16xf32>
      %swap3A_721 = arith.index_cast %add3A_703 : i32 to index
      %swap3A_722 = tpu.vector_load %arg18[%swap3A_721] {strides = array<i32>} : memref<8192xi32, #tpu.memory_space<vmem>>, vector<16xi32>,
      %swap3A_723 = vector.shape_cast %swap3A_722 : vector<16xi32> to vector<16xi32>
      %swap3A_724 = vector.shape_cast %add3A_714 : vector<16xi32> to vector<16xi32>
      tpu.vector_store %arg18[%swap3A_721], %swap3A_724 {strides = array<i32>} : memref<8192xi32, #tpu.memory_space<vmem>>, vector<16xi32>,
      %swap3A_725 = arith.index_cast %add3A_703 : i32 to index
      %swap3A_726 = tpu.vector_load %arg20[%swap3A_725] {strides = array<i32>} : memref<8192xf32, #tpu.memory_space<vmem>>, vector<16xf32>,
      %swap3A_727 = vector.shape_cast %swap3A_726 : vector<16xf32> to vector<16xf32>
      %swap3A_728 = vector.shape_cast %select_n3A_720 : vector<16xf32> to vector<16xf32>
      tpu.vector_store %arg20[%swap3A_725], %swap3A_728 {strides = array<i32>} : memref<8192xf32, #tpu.memory_space<vmem>>, vector<16xf32>,
      %mul3A_729 = arith.constant 128 : i32
      %mul3A_730 = arith.muli %scan3A_548, %mul3A_729 : i32
      %add3A_731 = arith.constant 96 : i32
      %add3A_732 = arith.addi %mul3A_730, %add3A_731 : i32
      %get3A_733 = arith.index_cast %add3A_732 : i32 to index
      %get3A_734 = tpu.vector_load %arg18[%get3A_733] {strides = array<i32>} : memref<8192xi32, #tpu.memory_space<vmem>>, vector<16xi32>,
      %get3A_735 = vector.shape_cast %get3A_734 : vector<16xi32> to vector<16xi32>
      %get3A_736 = arith.index_cast %add3A_732 : i32 to index
      %get3A_737 = tpu.vector_load %arg20[%get3A_736] {strides = array<i32>} : memref<8192xf32, #tpu.memory_space<vmem>>, vector<16xf32>,
      %get3A_738 = vector.shape_cast %get3A_737 : vector<16xf32> to vector<16xf32>
      %min3A_739 = arith.constant 63 : i32
      %min3A_740 = vector.broadcast %min3A_739 : i32 to vector<16xi32>
      %min3A_741 = arith.minsi %get3A_735, %min3A_740 : vector<16xi32>
      %add3A_742 = vector.broadcast %mul3A_555 : i32 to vector<16xi32>
      %add3A_743 = arith.addi %add3A_742, %min3A_741 : vector<16xi32>
      %lt3A_744 = arith.constant 64 : i32
      %lt3A_745 = vector.broadcast %lt3A_744 : i32 to vector<16xi32>
      %lt3A_746 = arith.cmpi slt, %get3A_735, %lt3A_745 : vector<16xi32>
      %broadcast_in_dim3A_747 = arith.constant 0.000000e+00 : f32
      %broadcast_in_dim3A_748 = vector.broadcast %broadcast_in_dim3A_747 : f32 to vector<16xf32>
      %select_n3A_749 = arith.select %lt3A_746, %get3A_738, %broadcast_in_dim3A_748 : vector<16xi1>, vector<16xf32>
      %swap3A_750 = arith.index_cast %add3A_732 : i32 to index
      %swap3A_751 = tpu.vector_load %arg18[%swap3A_750] {strides = array<i32>} : memref<8192xi32, #tpu.memory_space<vmem>>, vector<16xi32>,
      %swap3A_752 = vector.shape_cast %swap3A_751 : vector<16xi32> to vector<16xi32>
      %swap3A_753 = vector.shape_cast %add3A_743 : vector<16xi32> to vector<16xi32>
      tpu.vector_store %arg18[%swap3A_750], %swap3A_753 {strides = array<i32>} : memref<8192xi32, #tpu.memory_space<vmem>>, vector<16xi32>,
      %swap3A_754 = arith.index_cast %add3A_732 : i32 to index
      %swap3A_755 = tpu.vector_load %arg20[%swap3A_754] {strides = array<i32>} : memref<8192xf32, #tpu.memory_space<vmem>>, vector<16xf32>,
      %swap3A_756 = vector.shape_cast %swap3A_755 : vector<16xf32> to vector<16xf32>
      %swap3A_757 = vector.shape_cast %select_n3A_749 : vector<16xf32> to vector<16xf32>
      tpu.vector_store %arg20[%swap3A_754], %swap3A_757 {strides = array<i32>} : memref<8192xf32, #tpu.memory_space<vmem>>, vector<16xf32>,
      %mul3A_758 = arith.constant 128 : i32
      %mul3A_759 = arith.muli %scan3A_548, %mul3A_758 : i32
      %add3A_760 = arith.constant 112 : i32
      %add3A_761 = arith.addi %mul3A_759, %add3A_760 : i32
      %get3A_762 = arith.index_cast %add3A_761 : i32 to index
      %get3A_763 = tpu.vector_load %arg18[%get3A_762] {strides = array<i32>} : memref<8192xi32, #tpu.memory_space<vmem>>, vector<16xi32>,
      %get3A_764 = vector.shape_cast %get3A_763 : vector<16xi32> to vector<16xi32>
      %get3A_765 = arith.index_cast %add3A_761 : i32 to index
      %get3A_766 = tpu.vector_load %arg20[%get3A_765] {strides = array<i32>} : memref<8192xf32, #tpu.memory_space<vmem>>, vector<16xf32>,
      %get3A_767 = vector.shape_cast %get3A_766 : vector<16xf32> to vector<16xf32>
      %min3A_768 = arith.constant 63 : i32
      %min3A_769 = vector.broadcast %min3A_768 : i32 to vector<16xi32>
      %min3A_770 = arith.minsi %get3A_764, %min3A_769 : vector<16xi32>
      %add3A_771 = vector.broadcast %mul3A_555 : i32 to vector<16xi32>
      %add3A_772 = arith.addi %add3A_771, %min3A_770 : vector<16xi32>
      %lt3A_773 = arith.constant 64 : i32
      %lt3A_774 = vector.broadcast %lt3A_773 : i32 to vector<16xi32>
      %lt3A_775 = arith.cmpi slt, %get3A_764, %lt3A_774 : vector<16xi32>
      %broadcast_in_dim3A_776 = arith.constant 0.000000e+00 : f32
      %broadcast_in_dim3A_777 = vector.broadcast %broadcast_in_dim3A_776 : f32 to vector<16xf32>
      %select_n3A_778 = arith.select %lt3A_775, %get3A_767, %broadcast_in_dim3A_777 : vector<16xi1>, vector<16xf32>
      %swap3A_779 = arith.index_cast %add3A_761 : i32 to index
      %swap3A_780 = tpu.vector_load %arg18[%swap3A_779] {strides = array<i32>} : memref<8192xi32, #tpu.memory_space<vmem>>, vector<16xi32>,
      %swap3A_781 = vector.shape_cast %swap3A_780 : vector<16xi32> to vector<16xi32>
      %swap3A_782 = vector.shape_cast %add3A_772 : vector<16xi32> to vector<16xi32>
      tpu.vector_store %arg18[%swap3A_779], %swap3A_782 {strides = array<i32>} : memref<8192xi32, #tpu.memory_space<vmem>>, vector<16xi32>,
      %swap3A_783 = arith.index_cast %add3A_761 : i32 to index
      %swap3A_784 = tpu.vector_load %arg20[%swap3A_783] {strides = array<i32>} : memref<8192xf32, #tpu.memory_space<vmem>>, vector<16xf32>,
      %swap3A_785 = vector.shape_cast %swap3A_784 : vector<16xf32> to vector<16xf32>
      %swap3A_786 = vector.shape_cast %select_n3A_778 : vector<16xf32> to vector<16xf32>
      tpu.vector_store %arg20[%swap3A_783], %swap3A_786 {strides = array<i32>} : memref<8192xf32, #tpu.memory_space<vmem>>, vector<16xf32>,
    }
    %scan3A_535 = arith.constant 64 : i32
    %dma_start3A_536 = arith.constant 0 : i32
    %dma_start3A_537 = tpu.memref_slice %arg8[%dma_start3A_536] : memref<131584xf32, #tpu.memory_space<vmem_shared>> -> memref<131584xf32, #tpu.memory_space<vmem_shared>>
    tpu.enqueue_indirect_dma source(%arg20 : memref<8192xf32, #tpu.memory_space<vmem>>) target(%dma_start3A_537 : memref<131584xf32, #tpu.memory_space<vmem_shared>>) offsets(%arg18 : memref<8192xi32, #tpu.memory_space<vmem>>) semaphore(%arg26 : memref<!tpu.dma_semaphore, #tpu.memory_space<semaphore_mem>>) {add = true}
    %dma_wait3A_538 = arith.constant 0 : i32
    %dma_wait3A_539 = tpu.memref_slice %arg8[%dma_wait3A_538] : memref<131584xf32, #tpu.memory_space<vmem_shared>> -> memref<131584xf32, #tpu.memory_space<vmem_shared>>
    tpu.wait_indirect_dma semaphore(%arg25 : memref<!tpu.dma_semaphore, #tpu.memory_space<semaphore_mem>>) src(%arg19 : memref<8192xf32, #tpu.memory_space<vmem>>) dst(%dma_wait3A_539 : memref<131584xf32, #tpu.memory_space<vmem_shared>>)
    %dma_wait3A_540 = arith.constant 0 : i32
    %dma_wait3A_541 = tpu.memref_slice %arg8[%dma_wait3A_540] : memref<131584xf32, #tpu.memory_space<vmem_shared>> -> memref<131584xf32, #tpu.memory_space<vmem_shared>>
    tpu.wait_indirect_dma semaphore(%arg26 : memref<!tpu.dma_semaphore, #tpu.memory_space<semaphore_mem>>) src(%arg20 : memref<8192xf32, #tpu.memory_space<vmem>>) dst(%dma_wait3A_541 : memref<131584xf32, #tpu.memory_space<vmem_shared>>)
    %barrier3A_542 = arith.constant 0 : index
    tpu.barrier barrier_id(%barrier3A_542)
    %mul3A_543 = arith.constant 8192 : i32
    %mul3A_544 = arith.muli %arg1, %mul3A_543 : i32
    %mul3A_545 = arith.constant 131072 : i32
    %mul3A_546 = arith.muli %arg0, %mul3A_545 : i32
    %add3A_547 = arith.addi %mul3A_546, %mul3A_544 : i32
    "tpu.region"() ({
      %run_scoped3A = tpu.sem_alloc : memref<!tpu.dma_semaphore, #tpu.memory_space<semaphore_mem>>
      %dma_start3A_548 = tpu.memref_slice %arg5[%add3A_547] : memref<262144xf32, #tpu.memory_space<hbm>> -> memref<8192xf32, #tpu.memory_space<hbm>>
      %dma_start3A_549 = tpu.memref_slice %arg8[%mul3A_544] : memref<131584xf32, #tpu.memory_space<vmem_shared>> -> memref<8192xf32, #tpu.memory_space<vmem_shared>>
      tpu.enqueue_dma source(%dma_start3A_549 : memref<8192xf32, #tpu.memory_space<vmem_shared>>) target(%dma_start3A_548 : memref<8192xf32, #tpu.memory_space<hbm>>) target_semaphore(%run_scoped3A : memref<!tpu.dma_semaphore, #tpu.memory_space<semaphore_mem>>)
      %dma_wait3A_550 = tpu.memref_slice %arg5[%add3A_547] : memref<262144xf32, #tpu.memory_space<hbm>> -> memref<8192xf32, #tpu.memory_space<hbm>>
      %dma_wait3A_551 = tpu.memref_slice %arg8[%mul3A_544] : memref<131584xf32, #tpu.memory_space<vmem_shared>> -> memref<8192xf32, #tpu.memory_space<vmem_shared>>
      tpu.wait_dma2 semaphore(%run_scoped3A : memref<!tpu.dma_semaphore, #tpu.memory_space<semaphore_mem>>) src(%dma_wait3A_551 : memref<8192xf32, #tpu.memory_space<vmem_shared>>) dst(%dma_wait3A_550 : memref<8192xf32, #tpu.memory_space<hbm>>)
      tpu.yield
    }) : () -> ()
    return
  }
}

</mosaic_0001>

<sc_bundles>
// kernel: kernel.3.cloned.1.call-start
scs
__scs_entry_jumppad:
0x0: {  	(pc) =	sbr.rel $0x88, $3  }
0x1: {  	(tag) =	ssettag $0x0;
	lr =	simm.s32 $0x1  }
0x2: {  	[smem:$0x3F9E] =	sst lr;
	_ =	strace $0xD0000000  }
0x3: {  	_ = 	snop  }
0x4: {  	_ = 	snop  }
0x5: {  	_ = 	snop  }
0x6: {  	_ = 	snop  }
0x7: {  	_ = 	snop  }
__scs_overlays_trampoline_lowered:
0x8: {  	[smem:$0x3FAD] =	sst s0  }
0x9: {  	[smem:$0x3FAE] =	sst s1  }
0xa: {  	[smem:$0x3FAF] =	sst s2  }
0xb: {  	[smem:$0x3FB0] =	sst s3  }
0xc: {  	[smem:$0x3FB1] =	sst s4  }
0xd: {  	[smem:$0x3FB2] =	sst s5  }
0xe: {  	[smem:$0x3FB3] =	sst s6  }
0xf: {  	[smem:$0x3FB4] =	sst s7  }
0x10: {  	[smem:$0x3FB5] =	sst s8  }
0x11: {  	[smem:$0x3FB6] =	sst s9;
	s0 =	simm.s32 @!p0 $0x0  }
0x12: {  	s1 =	sld [smem:$0x3F9C];
	s0 =	simm.s32 @p0 $0x1  }
0x13: {  	[smem:$0x3FB7] =	sst s0;
	s0 =	simm.s32 @!p1 $0x0  }
0x14: {  	s2 =	sld [smem:$0x3F9B];
	s0 =	simm.s32 @p1 $0x1  }
0x15: {  	[smem:$0x3FB8] =	sst s0;
	s0 =	simm.s32 @!p2 $0x0  }
0x16: {  	s3 =	sld [smem:$0x3FDB];
	s0 =	simm.s32 @p2 $0x1  }
0x17: {  	s4 =	simm.s32 $0x1BF5;
	[smem:$0x3FBA] =	sst s0  }
0x18: {  	s0 =	sld [smem:$0x3F9D];
	_ =	swait.ge [sflag:s4], $0x0  }
0x19: {  	s7 =	sld [smem:$0x3F9E]  }
0x1a: {  	s8 =	sadd.s32 $0xFFFFE003, lr  }
0x1b: {  	s9 =	sadd.s32 $0xFFFFFEF7, lr;
	s5 =	simm.s32 $0xFFFFFFFF;
	p2 =	slt.u32 s8, $0xFFFFF086  }
0x1c: {  	p1 =	slt.u32 s9, $0xF7A;
	s5 =	simm.s32 @!p2 $0x0  }
0x1d: {  	s5 =	simm.s32 @p1 $0x1;
	p0 =	seq.s32 s7, s2  }
0x1e: {  	s7 =	smul.u32 @!p0 $0xF7A, s2;
	p2 =	seq.s32 @!p0 s5, $0x0  }
0x1f: {  	s9 =	smul.u32 $0xF7A, s1;
	s8 =	simm.s32 @!p0 $0x1BF5;
	p2 =	por !p2, p0  }
0x20: {  	[sflag:s8] =	ssyncset.s32 @!p0 $0xFFFFF086;
	s6 =	sadd.s32 @!p0 s3, s7;
	s7 =	simm.s32 @!p0 $0x108  }
0x21: {  	s3 =	sadd.s32 s3, s9;
	s6 =	sadd.s32 @!p0 $0x88, s6;
	s7 =	simm.s32 @p2 $0x1082  }
0x22: {  	[simem:s7], [sflag:s8] =	dma.local @!p0 [hbm:s6], $0xF7A  }
0x23: {  	s9 =	sor.u32 $0xD0000000, s2;
	s6 =	simm.s32 $0x108;
	_ =	swait.ge @!p0 [sflag:s8], $0x0  }
0x24: {  	s3 =	sadd.s32 $0x88, s3;
	s6 =	simm.s32 @!p1 $0x1082;
	[sflag:s4] =	ssyncset.s32 $0xFFFFF086  }
0x25: {  	[simem:s6], [sflag:s4] =	dma.local [hbm:s3], $0xF7A  }
0x26: {  	[smem:$0x3F9E] =	sst s1;
	(tag) =	ssettag s2;
	_ =	strace s9  }
0x27: {  	s1 =	sld [smem:$0x3FAE]  }
0x28: {  	s2 =	sld [smem:$0x3FAF]  }
0x29: {  	s4 =	sld [smem:$0x3FB1]  }
0x2a: {  	p0 =	seq.s32 s5, $0x0;
	s5 =	sld [smem:$0x3FB2]  }
0x2b: {  	s6 =	sld [smem:$0x3FB3]  }
0x2c: {  	s7 =	sld [smem:$0x3FB4]  }
0x2d: {  	s3 =	simm.s32 $0x108;
	s8 =	sld [smem:$0x3FB5]  }
0x2e: {  	s3 =	simm.s32 @!p0 $0x1082;
	s9 =	sld [smem:$0x3FB6]  }
0x2f: {  	lr =	sadd.s32 s0, s3;
	s0 =	sld [smem:$0x3FAD]  }
0x30: {  	s3 =	sld [smem:$0x3FB0]  }
0x31: {  	[smem:$0x3FB9] =	sst s10  }
0x32: {  	s10 =	sld [smem:$0x3FB7];
	_ =	sdelay $0x3  }
0x33: {  	p0 =	seq.s32 s10, $0x1;
	s10 =	sld [smem:$0x3FB9];
	_ =	sdelay $0x3  }
0x34: {  	[smem:$0x3FB9] =	sst s10  }
0x35: {  	s10 =	sld [smem:$0x3FB8];
	_ =	sdelay $0x3  }
0x36: {  	p1 =	seq.s32 s10, $0x1;
	s10 =	sld [smem:$0x3FB9];
	_ =	sdelay $0x3  }
0x37: {  	[smem:$0x3FB9] =	sst s10  }
0x38: {  	s10 =	sld [smem:$0x3FBA]  }
0x39: {  	_ = 	snop;
	(pc) =	sbr.ind lr, $3  }
0x3a: {  	_ = 	snop  }
0x3b: {  	_ = 	snop  }
0x3c: {  	p2 =	seq.s32 s10, $0x1;
	s10 =	sld [smem:$0x3FB9]  }
0x3d: {  	_ =	shalt  }
0x3e: {  	_ =	shalt  }
0x3f: {  	_ =	shalt  }
0x40: {  	_ =	shalt  }
0x41: {  	_ =	shalt  }
0x42: {  	_ =	shalt  }
0x43: {  	_ =	shalt  }
0x44: {  	_ =	shalt  }
0x45: {  	_ =	shalt  }
0x46: {  	_ =	shalt  }
0x47: {  	_ =	shalt  }
0x48: {  	_ =	shalt  }
0x49: {  	_ =	shalt  }
0x4a: {  	_ =	shalt  }
0x4b: {  	_ =	shalt  }
0x4c: {  	_ =	shalt  }
0x4d: {  	_ =	shalt  }
0x4e: {  	_ =	shalt  }
0x4f: {  	_ =	shalt  }
0x50: {  	_ =	shalt  }
0x51: {  	_ =	shalt  }
0x52: {  	_ =	shalt  }
0x53: {  	_ =	shalt  }
0x54: {  	_ =	shalt  }
0x55: {  	_ =	shalt  }
0x56: {  	_ =	shalt  }
0x57: {  	_ =	shalt  }
0x58: {  	_ =	shalt  }
0x59: {  	_ =	shalt  }
0x5a: {  	_ =	shalt  }
0x5b: {  	_ =	shalt  }
0x5c: {  	_ =	shalt  }
0x5d: {  	_ =	shalt  }
0x5e: {  	_ =	shalt  }
0x5f: {  	_ =	shalt  }
0x60: {  	_ =	shalt  }
0x61: {  	_ =	shalt  }
0x62: {  	_ =	shalt  }
0x63: {  	_ =	shalt  }
0x64: {  	_ =	shalt  }
0x65: {  	_ =	shalt  }
0x66: {  	_ =	shalt  }
0x67: {  	_ =	shalt  }
0x68: {  	_ =	shalt  }
0x69: {  	_ =	shalt  }
0x6a: {  	_ =	shalt  }
0x6b: {  	_ =	shalt  }
0x6c: {  	_ =	shalt  }
0x6d: {  	_ =	shalt  }
0x6e: {  	_ =	shalt  }
0x6f: {  	_ =	shalt  }
0x70: {  	_ =	shalt  }
0x71: {  	_ =	shalt  }
0x72: {  	_ =	shalt  }
0x73: {  	_ =	shalt  }
0x74: {  	_ =	shalt  }
0x75: {  	_ =	shalt  }
0x76: {  	_ =	shalt  }
0x77: {  	_ =	shalt  }
0x78: {  	_ =	shalt  }
0x79: {  	_ =	shalt  }
0x7a: {  	_ =	shalt  }
0x7b: {  	_ =	shalt  }
0x7c: {  	_ =	shalt  }
0x7d: {  	_ =	shalt  }
0x7e: {  	_ =	shalt  }
0x7f: {  	_ =	shalt  }
0x80: {  	_ =	shalt  }
0x81: {  	_ =	shalt  }
0x82: {  	_ =	shalt  }
0x83: {  	_ =	shalt  }
0x84: {  	_ =	shalt  }
0x85: {  	_ =	shalt  }
0x86: {  	_ =	shalt  }
0x87: {  	_ =	shalt  }
.Lfunc_end0:
.L_simem_size_0:
called_computation_lowered:
.L_overlay_start_0:
0x88: {  	s2 =	sld [smem:$0x3FD9]  }
0x89: {  	s3 =	sld [smem:$0x3FFE];
	_ =	sdelay $0x1  }
0x8a: {  	s1 =	srdreg.scid  }
0x8b: {  	s0 =	sand.u32 $0x1, s1  }
0x8c: {  	s17 =	sshll.u32 s0, $0xA;
	s2 =	sadd.s32 s3, s2  }
0x8d: {  	s2 =	sadd.s32 s2, s17  }
0x8e: {  	[smem:$0x3FC5] =	sst s2  }
0x8f: {  	_ = 	snop  }
0x90: {  	s2 =	sld [smem:$0x3FC9]  }
0x91: {  	s18 =	sld [smem:$0x3FC8]  }
0x92: {  	s4 =	sld [smem:$0x3FD0];
	(tm) =	ssettm $0x1  }
0x93: {  	s5 =	sld [smem:$0x3FFB];
	_ =	sdelay $0x3  }
0x94: {  	_ =	strace s5  }
0x95: {  	s5 =	sld [smem:$0x3FFC];
	_ =	sdelay $0x3  }
0x96: {  	_ =	strace s5  }
0x97: {  	s5 =	sld [smem:$0x3FFD];
	_ =	sdelay $0x3  }
0x98: {  	_ =	strace s5  }
0x99: {  	_ =	strace $0x8FFFFFFF  }
0x9a: {  	s19 =	sld [smem:$0x3FDB];
	_ =	sdelay $0x1  }
0x9b: {  	s6 =	simm.s32 $_scs_section_size  }
0x9c: {  	s7 =	simm.s32 $_size__tile_overlayer_lowered;
	s8 =	simm.s32 $_tile_overlayer_lowered  }
0x9d: {  	s22 =	simm.s32 $0x1BFF;
	s21 =	sshll.u32 s8, $0x1;
	s5 =	sadd.s32 s6, s19  }
0x9e: {  	s9 =	simm.s32 $0x0;
	s20 =	sshll.u32 s7, $0x1;
	s7 =	sadd.s32 s21, s5  }
0x9f: {  	[timem:s9], [sflag:s22] =	dma.local [hbm:s7], s20  }
0xa0: {  	_ =	swait.ge [sflag:s22], s20  }
0xa1: {  	s6 =	ssub.s32 $0x0, s20;
	[sflag:s22] =	ssyncset.done $0x0  }
0xa2: {  	[sflag:s22] =	ssyncadd.s32 s6;
	_ =	sdelay $0x1  }
0xa3: {  	s23 =	simm.s32 $0x1B8B  }
0xa4: {  	_ =	swait.ge [sflag:s23], $0x1  }
0xa5: {  	[sflag:s23] =	ssyncset.done $0x0  }
0xa6: {  	s25 =	simm.s32 $0x1B8E;
	s24 =	sld [smem:$0x3FFE];
	[sflag:s23] =	ssyncadd.s32 $0xFFFFFFFF  }
0xa7: {  	s26 =	simm.s32 $execute0_lowered;
	[smem:$0x3FD2] =	sst s25  }
0xa8: {  	s7 =	sshll.u32 s26, $0x1;
	_ =	strace $0x80000046;
	[dreg:$0x1] =	wrdreg $0xFFFFFFFF  }
0xa9: {  	s28 =	simm.s32 $_size_execute0_lowered;
	s5 =	sadd.s32 s5, s7;
	[dreg:$0x0] =	wrdreg $0x0  }
0xaa: {  	s7 =	sshll.u32 s28, $0x1;
	[dreg:$0x2] =	wrdreg s5  }
0xab: {  	[dreg:$0x3] =	wrdreg s7  }
0xac: {  	[dreg:$0x4] =	wrdreg $0xC0  }
0xad: {  	_ =	task [dreg:s9], $0x5FFFF  }
0xae: {  	[dreg:$0x1] =	wrdreg $0xFFFFFFFF  }
0xaf: {  	[dreg:$0x0] =	wrdreg $0x60  }
0xb0: {  	[dreg:$0x2] =	wrdreg s18  }
0xb1: {  	[dreg:$0x3] =	wrdreg s2  }
0xb2: {  	[dreg:$0x4] =	wrdreg s24  }
0xb3: {  	[dreg:$0x5] =	wrdreg s4  }
0xb4: {  	[dreg:$0x6] =	wrdreg $0x0  }
0xb5: {  	[dreg:$0x7] =	wrdreg $0x31000  }
0xb6: {  	[dreg:$0x8] =	wrdreg $0x18800  }
0xb7: {  	[dreg:$0x9] =	wrdreg $0x9  }
0xb8: {  	_ =	task.clear_ibuf [dreg:s9], $0xAFFFF;
	_ =	strace $0x90000046  }
0xb9: {  	s29 =	simm.s32 $0x9;
	_ =	strace $0x80000048  }
0xba: {  	_ =	swait.ge [sflag:s29], $0x1  }
0xbb: {  	[sflag:s29] =	ssyncadd.s32 $0xFFFFFFFF  }
0xbc: {  	_ =	strace $0x90000048  }
0xbd: {  	_ =	sfence  }
0xbe: {  	s30 =	sld [smem:$0x0];
	_ =	sdelay $0x2  }
0xbf: {  	s31 =	sshll.u32 s1, $0xD;
	s1 =	sshrl.u32 s1, $0x2  }
0xc0: {  	s3 =	sand.u32 $0x4000, s31;
	s1 =	sadd.s32 s1, s30  }
0xc1: {  	s0 =	sor.u32 s3, s0;
	s1 =	sshll.u32 s1, $0x11  }
0xc2: {  	s0 =	sor.u32 s1, s0  }
0xc3: {  	s0 =	sadd.s32 $0x8F2B, s0  }
0xc4: {  	[sflag:s0] =	ssyncadd.remote.s32 $0x1  }
0xc5: {  	_ =	sfence.sel $0xFFFF  }
0xc6: {  	[dreg:$0x0] =	wrdreg $0xFFFFFFFF;
	(pc) =	sbr.abs _section_cstart, $3  }
0xc7: {  	[dreg:$0x1] =	wrdreg $0xFFFFFFFF  }
0xc8: {  	_ =	task.clear_ibuf [dreg:s9], $0x2FFFF;
	_ =	strace $0x9FFFFFFF  }
0xc9: {  	(tm) =	ssettm $0x7FFFFFFF  }
tec
execute0_lowered:
.L_overlay_start_1:
0x0: {  	(tag) =	ssettag $0x1  }
0x1: {  	s0 =	rddreg [dreg:$0x0]  }
0x2: {  	s1 =	rddreg [dreg:$0x1]  }
0x3: {  	s2 =	rddreg [dreg:$0x2]  }
0x4: {  	s4 =	rddreg [dreg:$0x3]  }
0x5: {  	s3 =	rddreg [dreg:$0x4]  }
0x6: {  	s13 =	rddreg [dreg:$0x5]  }
0x7: {  	s14 =	rddreg [dreg:$0x6];
	s12 =	stileid.u32  }
0x8: {  	s5 =	srdreg.scid;
	s7 =	smul.u32 $0x1880, s12  }
0x9: {  	s6 =	simm.s32 $0x0;
	s29 =	simm.s32 $0x1;
	s9 =	smul.u32 $0x8080, s12  }
0xa: {  	s30 =	simm.s32 $0x2;
	s31 =	simm.s32 $0x5;
	s24 =	smul.u32 $0x30C00, s12  }
0xb: {  	s28 =	simm.s32 $0xA00;
	s5 =	sand.u32 $0x1, s5;
	s15 =	smul.u32 $0x6180, s12  }
0xc: {  	[smem:$0x7FF] =	sst s6;
	s23 =	sshll.u32 s12, $0x6;
	s16 =	smul.u32 $0x18600, s12  }
0xd: {  	p0 =	slt.u32 s12, $0x4;
	s18 =	sshll.u32 s12, $0xD;
	s8 =	ssub.s32 $0x2, s5  }
0xe: {  	_ =	strace $0x80000047;
	s25 =	sor.u32 $0x1C05, s23;
	s26 =	sshll.u32 s5, $0xF  }
0xf: {  	s5 =	sshll.u32 s5, $0x11;
	[dreg:$0xb] =	wrdreg s23;
	s10 =	sshrl.u32 s7, $0x3  }
0x10: {  	s11 =	sshrl.u32 s8, $0x1;
	s9 =	sshrl.u32 s9, $0x2;
	s22 =	sadd.s32 s7, s3  }
0x11: {  	s7 =	sadd.s32 s7, s14;
	[dreg:$0xc] =	wrdreg s25;
	s14 =	sshll.u32 s12, $0xB  }
0x12: {  	s19 =	sadd.s32 s0, s15;
	s17 =	sadd.s32 $0xA00, s16;
	s5 =	sor.u32 s18, s5  }
0x13: {  	s2 =	sadd.s32 s10, s2;
	s8 =	ssub.s32 s8, s11;
	[dreg:$0x8] =	wrdreg s22  }
0x14: {  	s9 =	sadd.s32 s9, s13;
	s1 =	sadd.s32 s1, s14;
	[dreg:$0xe] =	wrdreg s19  }
0x15: {  	s22 =	sshll.u32 s12, $0x5;
	s19 =	sadd.s32 $0xF00, s16;
	s12 =	simm.s32 $0x6F20  }
0x16: {  	s14 =	simm.s32 $0x4;
	s11 =	simm.s32 $0x0;
	[dreg:$0x9] =	wrdreg s9  }
0x17: {  	s2 =	sadd.s32 $0x400, s2;
	s1 =	sadd.s32 s26, s1;
	s9 =	sor.u32 $0x61800, s23  }
0x18: {  	s23 =	sshrl.u32 s5, $0x3;
	s25 =	smax.u32 s8, $0x1;
	[dreg:$0xa] =	wrdreg s2  }
0x19: {  	s26 =	sshrl.u32 s7, $0x3;
	s5 =	simm.s32 $0x6520;
	[dreg:$0xd] =	wrdreg s1  }
0x1a: {  	s2 =	sshrl.u32 s24, $0x3;
	s1 =	sadd.s32 s4, s23;
	[dreg:$0x14] =	wrdreg s25  }
0x1b: {  	s24 =	sadd.s32 s18, s13;
	[dreg:$0x15] =	wrdreg s26;
	s2 =	sadd.s32 s0, s2  }
0x1c: {  	[dreg:$0x13] =	wrdreg s1;
	s1 =	sshrl.u32 s24, $0x3;
	s20 =	sadd.s32 $0x140, s2  }
0x1d: {  	s21 =	sadd.s32 $0x280, s2;
	s2 =	sadd.s32 $0x3C0, s2;
	[dreg:$0x16] =	wrdreg s1  }
0x1e: {  	s7 =	simm.s32 $0x7D20;
	[dreg:$0x11] =	wrdreg s2;
	s2 =	sadd.s32 $0x61860, s22  }
0x1f: {  	s23 =	sor.u32 $0x1000, s18;
	[dreg:$0xf] =	wrdreg s20;
	s2 =	smov.u32 @p0 s9  }
0x20: {  	s26 =	simm.s32 $0x5B20;
	[dreg:$0x10] =	wrdreg s21;
	s2 =	sadd.s32 s0, s2  }
0x21: {  	v0 =	vimm.s32 $0x0;
	v1 =	vimm.f32 $0.0e+00;
	v2 =	vimm.s32 $0x1;
	s13 =	simm.s32 $0x3;
	[dreg:$0x12] =	wrdreg s2;
	s2 =	simm.s32 $0x5120  }
.LBB2_1:
0x22: {  	s4 =	simm.s32 $0x0  }
.LBB2_2:
0x23: {  	p1 =	sne.s32 s4, $0x6100  }
.Ltmp0:
0x24: {  	s9 =	sshra.s32 s4, $0x2;
	(pc) =	sbr.rel @p1 .LBB2_2-.Ltmp0, $4  }
0x25: {  	[tilespmem:s9+$0x14720] =	vst v0  }
0x26: {  	[tilespmem:s9+$0x14730] =	vst v0  }
0x27: {  	[tilespmem:s9+$0x14740] =	vst v0  }
0x28: {  	s4 =	sadd.s32 $0x100, s4;
	[tilespmem:s9+$0x14750] =	vst v0  }
0x29: {  	s20 =	simm.s32 $0x100;
	s9 =	simm.s32 $0x0  }
.LBB2_4:
0x2a: {  	p1 =	sne.s32 s20, $0x7F00;
	[tilespmem:s9+$0x15FD0] =	vst v1;
	s4 =	smov.u32 s20;
	s20 =	sadd.s32 $0x100, s20  }
.Ltmp1:
0x2b: {  	[tilespmem:s9+$0x15FC0] =	vst v1;
	(pc) =	sbr.rel @p1 .LBB2_4-.Ltmp1, $3  }
0x2c: {  	[tilespmem:s9+$0x15FA0] =	vst v1  }
0x2d: {  	[tilespmem:s9+$0x15FB0] =	vst v1;
	_ =	sdelay $0x1  }
0x2e: {  	s9 =	sshra.s32 s4, $0x2  }
0x2f: {  	[tilespmem:s9+$0x15FD0] =	vst v1  }
0x30: {  	[tilespmem:s9+$0x15FC0] =	vst v1  }
0x31: {  	[tilespmem:s9+$0x15FA0] =	vst v1  }
0x32: {  	[tilespmem:s9+$0x15FB0] =	vst v1  }
0x33: {  	[tilespmem:$0x17FA0] =	vst v1  }
0x34: {  	s20 =	simm.s32 $0x100;
	s9 =	simm.s32 $0x0;
	[tilespmem:$0x17FB0] =	vst v1  }
.LBB2_6:
0x35: {  	p1 =	sne.s32 s20, $0x2700;
	[tilespmem:s9+$0x7D50] =	vst v2;
	s4 =	smov.u32 s20;
	s20 =	sadd.s32 $0x100, s20  }
.Ltmp2:
0x36: {  	[tilespmem:s9+$0x7D40] =	vst v2;
	(pc) =	sbr.rel @p1 .LBB2_6-.Ltmp2, $3  }
0x37: {  	[tilespmem:s9+$0x7D20] =	vst v2  }
0x38: {  	[tilespmem:s9+$0x7D30] =	vst v2;
	_ =	sdelay $0x1  }
0x39: {  	s9 =	sshra.s32 s4, $0x2  }
0x3a: {  	[tilespmem:s9+$0x7D50] =	vst v2  }
0x3b: {  	[tilespmem:s9+$0x7D40] =	vst v2;
	s1 =	rddreg [dreg:$0x8]  }
0x3c: {  	[tilespmem:s9+$0x7D20] =	vst v2;
	s8 =	rddreg [dreg:$0x9]  }
0x3d: {  	[tilespmem:s9+$0x7D30] =	vst v2;
	s4 =	simm.s32 $0x14720;
	s10 =	rddreg [dreg:$0xa]  }
0x3e: {  	[spmem:s1] =	stream.linear.scatter [tilespmem:s4], [sflag:$0x1], $0x1880, $0x38;
	[tilespmem:$0x18020] =	vst v63  }
0x3f: {  	s9 =	simm.s32 $0x15FA0;
	s15 =	rddreg [dreg:$0xc]  }
0x40: {  	[spmem:s8] =	stream.linear.scatter [tilespmem:s9], [sflag:$0x2], $0x2020, $0x38;
	[tilespmem:$0x18020] =	vst v63  }
0x41: {  	s8 =	rddreg [dreg:$0x15]  }
0x42: {  	[spmem:s8], [sflag:s15] =	dma.local [hbm:s10], $0x310  }
0x43: {  	_ =	swait.ge [sflag:s29], $0x1880  }
0x44: {  	[sflag:s29] =	ssyncset.done $0x0  }
0x45: {  	[sflag:s29] =	ssyncadd.s32 $0xFFFFE780  }
0x46: {  	_ =	swait.ge [sflag:s30], $0x2020  }
0x47: {  	[sflag:s30] =	ssyncset.done $0x0  }
0x48: {  	[sflag:s30] =	ssyncadd.s32 $0xFFFFDFE0  }
0x49: {  	_ =	swait.ge [sflag:s31], $0x310  }
0x4a: {  	[sflag:s31] =	ssyncset.done $0x0  }
0x4b: {  	[sflag:s31] =	ssyncadd.s32 $0xFFFFFCF0  }
0x4c: {  	[bflag:$0x0] =	sbarrier.arrive $0xFFFF  }
0x4d: {  	s16 =	simm.s32 $0x0;
	s25 =	simm.s32 $0x8720;
	s24 =	rddreg [dreg:$0xd]  }
0x4e: {  	[tilespmem:s25], [sflag:$0x5] =	stream.linear.gather [hbm4b:s24+s16], $0x4000, $0x38;
	[tilespmem:$0x18020] =	vst v63  }
0x4f: {  	s8 =	rddreg [dreg:$0xe]  }
0x50: {  	[tilespmem:s2], [sflag:$0x1] =	stream.linear.gather [hbm4b:s8+s16], $0xA00, $0x38;
	[tilespmem:$0x18020] =	vst v63  }
0x51: {  	_ =	swait.ge [sflag:s29], $0xA00  }
0x52: {  	[sflag:s29] =	ssyncset.done $0x0  }
0x53: {  	s10 =	sand.u32 $0xF00, s16;
	s9 =	rddreg [dreg:$0xf];
	[sflag:s29] =	ssyncadd.s32 $0xFFFFF600  }
0x54: {  	[tilespmem:s26], [sflag:$0x2] =	stream.linear.gather [hbm4b:s9+s16], $0xA00, $0x38;
	[tilespmem:$0x18020] =	vst v63  }
0x55: {  	s21 =	sand.u32 $0x40, s16;
	s9 =	sadd.s32 $0x5120, s10  }
0x56: {  	s20 =	sor.u32 s21, s9  }
0x57: {  	v3 =	vld [tilespmem:s20+$0x0];
	_ =	sdelay $0x3  }
0x58: {  	s22 =	sor.u32 $0x10, s21;
	s20 =	simm.s32 $0x6A50  }
0x59: {  	s24 =	sor.u32 s22, s9;
	[tilespmem:s20+$0xFFFFFAD0] =	vst v3  }
0x5a: {  	v3 =	vld [tilespmem:s24+$0x0];
	_ =	sdelay $0x1  }
0x5b: {  	s4 =	sand.u32 $0x780, s16  }
0x5c: {  	s15 =	sadd.s32 $0x6520, s4  }
0x5d: {  	s25 =	sor.u32 $0x20, s21;
	s22 =	sor.u32 s22, s15  }
0x5e: {  	s16 =	sadd.s32 s25, s9;
	[tilespmem:s22+$0x0] =	vst v3  }
0x5f: {  	v3 =	vld [tilespmem:s16+$0x0];
	_ =	sdelay $0x3  }
0x60: {  	s1 =	sadd.s32 s25, s15;
	s8 =	sor.u32 $0x30, s21  }
0x61: {  	s9 =	sadd.s32 s8, s9;
	[tilespmem:s1+$0x0] =	vst v3  }
0x62: {  	v3 =	vld [tilespmem:s9+$0x0]  }
0x63: {  	p1 =	por $0x0, $0x0;
	s9 =	simm.s32 $0x1  }
0x64: {  	s9 =	simm.s32 @!p1 $0x0  }
0x65: {  	s9 =	sshll.u32 s9, $0x6  }
0x66: {  	s10 =	sadd.s32 s8, s15;
	s9 =	sadd.s32 $0x0, s9  }
0x67: {  	s15 =	sor.u32 $0x80, s9;
	[tilespmem:s10+$0x0] =	vst v3  }
0x68: {  	v3 =	vld [tilespmem:s15+$0x5120];
	_ =	sdelay $0x3  }
0x69: {  	s4 =	sor.u32 s21, s4;
	s16 =	sadd.s32 $0x10, s9  }
0x6a: {  	s22 =	sor.u32 $0x80, s16;
	[tilespmem:s4+$0x6A20] =	vst v3  }
0x6b: {  	v3 =	vld [tilespmem:s22+$0x5120];
	_ =	sdelay $0x3  }
0x6c: {  	s24 =	sadd.s32 $0x20, s9  }
0x6d: {  	s4 =	sor.u32 $0x80, s24;
	[tilespmem:s20+$0xFFFFFFE0] =	vst v3  }
0x6e: {  	v3 =	vld [tilespmem:s4+$0x5120];
	_ =	sdelay $0x3  }
0x6f: {  	s25 =	sadd.s32 $0x30, s9  }
0x70: {  	s4 =	sor.u32 $0x80, s25;
	[tilespmem:s20+$0xFFFFFFF0] =	vst v3  }
0x71: {  	v3 =	vld [tilespmem:s4+$0x5120];
	_ =	sdelay $0x1  }
0x72: {  	s21 =	simm.s32 $0x80  }
0x73: {  	s9 =	sand.u32 $0xF00, s21;
	s24 =	simm.s32 $0x100;
	s22 =	simm.s32 $0x40  }
.LBB2_8:
0x74: {  	p2 =	sne.s32 s24, $0x980;
	s4 =	sand.u32 $0x40, s22;
	s9 =	sadd.s32 $0x5120, s9  }
0x75: {  	s25 =	sor.u32 s4, s9;
	[tilespmem:s20+$0x0] =	vst v3  }
0x76: {  	v3 =	vld [tilespmem:s25+$0x0];
	_ =	sdelay $0x3  }
0x77: {  	s20 =	sadd.s32 $0x40, s20;
	s25 =	sor.u32 $0x10, s4  }
0x78: {  	s10 =	sor.u32 s25, s9;
	[tilespmem:s20+$0xFFFFFAD0] =	vst v3  }
0x79: {  	v3 =	vld [tilespmem:s10+$0x0];
	_ =	sdelay $0x1  }
0x7a: {  	s10 =	sand.u32 $0x780, s22  }
0x7b: {  	s1 =	sadd.s32 $0x6520, s10  }
0x7c: {  	s16 =	sor.u32 $0x20, s4;
	s25 =	sor.u32 s25, s1  }
0x7d: {  	[tilespmem:s25+$0x0] =	vst v3;
	s25 =	sadd.s32 s16, s9  }
0x7e: {  	v3 =	vld [tilespmem:s25+$0x0];
	_ =	sdelay $0x3  }
0x7f: {  	s16 =	sadd.s32 s16, s1;
	s25 =	sor.u32 $0x30, s4  }
0x80: {  	s9 =	sadd.s32 s25, s9;
	[tilespmem:s16+$0x0] =	vst v3  }
0x81: {  	v3 =	vld [tilespmem:s9+$0x0]  }
0x82: {  	p1 =	por !p1, !p1;
	s9 =	simm.s32 $0x1  }
0x83: {  	s9 =	simm.s32 @!p1 $0x0  }
0x84: {  	s9 =	sshll.u32 s9, $0x6  }
0x85: {  	s1 =	sadd.s32 s25, s1;
	s9 =	sadd.s32 s9, s21;
	s21 =	smov.u32 s24  }
0x86: {  	[tilespmem:s1+$0x0] =	vst v3;
	s1 =	sor.u32 $0x80, s9  }
0x87: {  	v3 =	vld [tilespmem:s1+$0x5120];
	_ =	sdelay $0x3  }
0x88: {  	s1 =	sor.u32 s4, s10;
	s4 =	sadd.s32 $0x10, s9  }
0x89: {  	[tilespmem:s1+$0x6A20] =	vst v3;
	s1 =	sor.u32 $0x80, s4  }
0x8a: {  	v3 =	vld [tilespmem:s1+$0x5120];
	_ =	sdelay $0x3  }
0x8b: {  	s1 =	sadd.s32 $0x20, s9  }
0x8c: {  	s1 =	sor.u32 $0x80, s1;
	[tilespmem:s20+$0xFFFFFFE0] =	vst v3  }
0x8d: {  	v3 =	vld [tilespmem:s1+$0x5120];
	_ =	sdelay $0x3  }
0x8e: {  	s1 =	sadd.s32 $0x30, s9  }
.Ltmp3:
0x8f: {  	s1 =	sor.u32 $0x80, s1;
	[tilespmem:s20+$0xFFFFFFF0] =	vst v3;
	(pc) =	sbr.rel @p2 .LBB2_8-.Ltmp3, $2  }
0x90: {  	v3 =	vld [tilespmem:s1+$0x5120];
	_ =	sdelay $0x2  }
0x91: {  	s22 =	sadd.s32 $0x40, s22;
	s24 =	sadd.s32 $0x80, s24;
	s9 =	sand.u32 $0xF00, s21  }
0x92: {  	s1 =	sand.u32 $0x40, s22;
	s4 =	sadd.s32 $0x5120, s9  }
0x93: {  	s9 =	sor.u32 s1, s4;
	[tilespmem:s20+$0x0] =	vst v3  }
0x94: {  	v3 =	vld [tilespmem:s9+$0x0];
	_ =	sdelay $0x3  }
0x95: {  	s10 =	sadd.s32 $0x40, s20;
	s15 =	sor.u32 $0x10, s1  }
0x96: {  	s16 =	sor.u32 s15, s4;
	[tilespmem:s10+$0xFFFFFAD0] =	vst v3  }
0x97: {  	v3 =	vld [tilespmem:s16+$0x0];
	_ =	sdelay $0x1  }
0x98: {  	s16 =	sand.u32 $0x780, s22  }
0x99: {  	s20 =	sadd.s32 $0x6520, s16  }
0x9a: {  	s24 =	sor.u32 $0x20, s1;
	s9 =	sor.u32 s15, s20  }
0x9b: {  	s25 =	sadd.s32 s24, s4;
	[tilespmem:s9+$0x0] =	vst v3  }
0x9c: {  	v3 =	vld [tilespmem:s25+$0x0];
	_ =	sdelay $0x3  }
0x9d: {  	s8 =	sadd.s32 s24, s20;
	s15 =	sor.u32 $0x30, s1  }
0x9e: {  	s4 =	sadd.s32 s15, s4;
	[tilespmem:s8+$0x0] =	vst v3  }
0x9f: {  	v3 =	vld [tilespmem:s4+$0x0]  }
0xa0: {  	p1 =	por !p1, !p1;
	s4 =	simm.s32 $0x1  }
0xa1: {  	s4 =	simm.s32 @!p1 $0x0  }
0xa2: {  	s4 =	sshll.u32 s4, $0x6  }
0xa3: {  	s20 =	sadd.s32 s15, s20;
	s4 =	sadd.s32 s4, s21  }
0xa4: {  	s21 =	sor.u32 $0x80, s4;
	[tilespmem:s20+$0x0] =	vst v3  }
0xa5: {  	v3 =	vld [tilespmem:s21+$0x5120];
	_ =	sdelay $0x3  }
0xa6: {  	s1 =	sor.u32 s1, s16;
	s22 =	sadd.s32 $0x10, s4  }
0xa7: {  	s24 =	sor.u32 $0x80, s22;
	[tilespmem:s1+$0x6A20] =	vst v3  }
0xa8: {  	v3 =	vld [tilespmem:s24+$0x5120];
	_ =	sdelay $0x3  }
0xa9: {  	s25 =	sadd.s32 $0x20, s4  }
0xaa: {  	s1 =	sor.u32 $0x80, s25;
	[tilespmem:s10+$0xFFFFFFE0] =	vst v3  }
0xab: {  	v3 =	vld [tilespmem:s1+$0x5120];
	_ =	sdelay $0x3  }
0xac: {  	s4 =	sadd.s32 $0x30, s4  }
0xad: {  	s1 =	sor.u32 $0x80, s4;
	[tilespmem:s10+$0xFFFFFFF0] =	vst v3  }
0xae: {  	v3 =	vld [tilespmem:s1+$0x5120];
	_ =	sdelay $0x4  }
0xaf: {  	s8 =	rddreg [dreg:$0x10];
	s1 =	simm.s32 $0x0;
	[tilespmem:s10+$0x0] =	vst v3  }
0xb0: {  	[tilespmem:s2], [sflag:$0x1] =	stream.linear.gather [hbm4b:s8+s1], $0xA00, $0x38;
	[tilespmem:$0x18020] =	vst v63  }
0xb1: {  	_ = 	snop  }
0xb2: {  	[spmem:s3] =	stream.indirect.scatter.add.s32 [tilespmem:s7], [sflag:$0x3], $0x1, s5, s28, $0xb8;
	[tilespmem:$0x18020] =	vst v63  }
0xb3: {  	_ =	swait.ge [sflag:s31], $0x4000  }
0xb4: {  	[sflag:s31] =	ssyncset.done $0x0  }
0xb5: {  	s16 =	simm.s32 $0x10720;
	[sflag:s31] =	ssyncadd.s32 $0xFFFFC000  }
0xb6: {  	s15 =	simm.s32 $0x2000;
	s8 =	simm.s32 $0x8720;
	s9 =	rddreg [dreg:$0x6]  }
0xb7: {  	[tilespmem:s16], [sflag:$0x5] =	stream.indirect.gather [spmem:s9], $0x1, s8, s15, $0xb8;
	[tilespmem:$0x18020] =	vst v63  }
0xb8: {  	s20 =	simm.s32 $0xA720;
	s21 =	simm.s32 $0x12720  }
0xb9: {  	[tilespmem:s21], [sflag:$0x6] =	stream.indirect.gather [spmem:s9], $0x1, s20, s15, $0xb8;
	[tilespmem:$0x18020] =	vst v63  }
0xba: {  	s22 =	sand.u32 $0xF00, s1;
	_ =	swait.ge [sflag:s30], $0xA00  }
0xbb: {  	s4 =	sadd.s32 $0x5B20, s22;
	s9 =	sand.u32 $0x40, s1;
	[sflag:s30] =	ssyncset.done $0x0  }
0xbc: {  	s24 =	sor.u32 s9, s4;
	[sflag:s30] =	ssyncadd.s32 $0xFFFFF600  }
0xbd: {  	v3 =	vld [tilespmem:s24+$0x0];
	_ =	sdelay $0x3  }
0xbe: {  	s20 =	simm.s32 $0x7450;
	s25 =	sor.u32 $0x10, s9  }
0xbf: {  	s8 =	sor.u32 s25, s4;
	[tilespmem:s20+$0xFFFFFAD0] =	vst v3  }
0xc0: {  	v3 =	vld [tilespmem:s8+$0x0];
	_ =	sdelay $0x1  }
0xc1: {  	s1 =	sand.u32 $0x780, s1  }
0xc2: {  	s15 =	sadd.s32 $0x6F20, s1  }
0xc3: {  	s22 =	sor.u32 $0x20, s9;
	s10 =	sor.u32 s25, s15  }
0xc4: {  	s24 =	sadd.s32 s22, s4;
	[tilespmem:s10+$0x0] =	vst v3  }
0xc5: {  	v3 =	vld [tilespmem:s24+$0x0];
	_ =	sdelay $0x3  }
0xc6: {  	s25 =	sadd.s32 s22, s15;
	s8 =	sor.u32 $0x30, s9  }
0xc7: {  	s4 =	sadd.s32 s8, s4;
	[tilespmem:s25+$0x0] =	vst v3  }
0xc8: {  	v3 =	vld [tilespmem:s4+$0x0]  }
0xc9: {  	p1 =	por $0x0, $0x0;
	s4 =	simm.s32 $0x1  }
0xca: {  	s4 =	simm.s32 @!p1 $0x0  }
0xcb: {  	s4 =	sshll.u32 s4, $0x6  }
0xcc: {  	s15 =	sadd.s32 s8, s15;
	s4 =	sadd.s32 $0x0, s4  }
0xcd: {  	s16 =	sor.u32 $0x80, s4;
	[tilespmem:s15+$0x0] =	vst v3  }
0xce: {  	v3 =	vld [tilespmem:s16+$0x5B20];
	_ =	sdelay $0x3  }
0xcf: {  	s1 =	sor.u32 s9, s1;
	s21 =	sadd.s32 $0x10, s4  }
0xd0: {  	s22 =	sor.u32 $0x80, s21;
	[tilespmem:s1+$0x7420] =	vst v3  }
0xd1: {  	v3 =	vld [tilespmem:s22+$0x5B20];
	_ =	sdelay $0x3  }
0xd2: {  	s24 =	sadd.s32 $0x20, s4  }
0xd3: {  	s1 =	sor.u32 $0x80, s24;
	[tilespmem:s20+$0xFFFFFFE0] =	vst v3  }
0xd4: {  	v3 =	vld [tilespmem:s1+$0x5B20];
	_ =	sdelay $0x3  }
0xd5: {  	s25 =	sadd.s32 $0x30, s4  }
0xd6: {  	s1 =	sor.u32 $0x80, s25;
	[tilespmem:s20+$0xFFFFFFF0] =	vst v3  }
0xd7: {  	v3 =	vld [tilespmem:s1+$0x5B20];
	_ =	sdelay $0x1  }
0xd8: {  	s21 =	simm.s32 $0x80  }
0xd9: {  	s9 =	sand.u32 $0xF00, s21;
	s24 =	simm.s32 $0x100;
	s22 =	simm.s32 $0x40  }
.LBB2_10:
0xda: {  	p2 =	sne.s32 s24, $0x980;
	s1 =	sand.u32 $0x40, s22;
	s4 =	sadd.s32 $0x5B20, s9  }
0xdb: {  	s9 =	sor.u32 s1, s4;
	[tilespmem:s20+$0x0] =	vst v3  }
0xdc: {  	v3 =	vld [tilespmem:s9+$0x0];
	_ =	sdelay $0x3  }
0xdd: {  	s20 =	sadd.s32 $0x40, s20;
	s9 =	sor.u32 $0x10, s1  }
0xde: {  	s10 =	sor.u32 s9, s4;
	[tilespmem:s20+$0xFFFFFAD0] =	vst v3  }
0xdf: {  	v3 =	vld [tilespmem:s10+$0x0];
	_ =	sdelay $0x1  }
0xe0: {  	s10 =	sand.u32 $0x780, s22  }
0xe1: {  	s16 =	sadd.s32 $0x6F20, s10  }
0xe2: {  	s25 =	sor.u32 $0x20, s1;
	s9 =	sor.u32 s9, s16  }
0xe3: {  	[tilespmem:s9+$0x0] =	vst v3;
	s9 =	sadd.s32 s25, s4  }
0xe4: {  	v3 =	vld [tilespmem:s9+$0x0];
	_ =	sdelay $0x3  }
0xe5: {  	s9 =	sadd.s32 s25, s16;
	s25 =	sor.u32 $0x30, s1  }
0xe6: {  	s4 =	sadd.s32 s25, s4;
	[tilespmem:s9+$0x0] =	vst v3  }
0xe7: {  	v3 =	vld [tilespmem:s4+$0x0]  }
0xe8: {  	p1 =	por !p1, !p1;
	s4 =	simm.s32 $0x1  }
0xe9: {  	s4 =	simm.s32 @!p1 $0x0  }
0xea: {  	s4 =	sshll.u32 s4, $0x6  }
0xeb: {  	s9 =	sadd.s32 s25, s16;
	s4 =	sadd.s32 s4, s21;
	s21 =	smov.u32 s24  }
0xec: {  	[tilespmem:s9+$0x0] =	vst v3;
	s9 =	sor.u32 $0x80, s4  }
0xed: {  	v3 =	vld [tilespmem:s9+$0x5B20];
	_ =	sdelay $0x3  }
0xee: {  	s1 =	sor.u32 s1, s10;
	s9 =	sadd.s32 $0x10, s4  }
0xef: {  	[tilespmem:s1+$0x7420] =	vst v3;
	s1 =	sor.u32 $0x80, s9  }
0xf0: {  	v3 =	vld [tilespmem:s1+$0x5B20];
	_ =	sdelay $0x3  }
0xf1: {  	s1 =	sadd.s32 $0x20, s4  }
0xf2: {  	s1 =	sor.u32 $0x80, s1;
	[tilespmem:s20+$0xFFFFFFE0] =	vst v3  }
0xf3: {  	v3 =	vld [tilespmem:s1+$0x5B20];
	_ =	sdelay $0x3  }
0xf4: {  	s1 =	sadd.s32 $0x30, s4  }
.Ltmp4:
0xf5: {  	s1 =	sor.u32 $0x80, s1;
	[tilespmem:s20+$0xFFFFFFF0] =	vst v3;
	(pc) =	sbr.rel @p2 .LBB2_10-.Ltmp4, $2  }
0xf6: {  	v3 =	vld [tilespmem:s1+$0x5B20];
	_ =	sdelay $0x2  }
0xf7: {  	s22 =	sadd.s32 $0x40, s22;
	s24 =	sadd.s32 $0x80, s24;
	s9 =	sand.u32 $0xF00, s21  }
0xf8: {  	s1 =	sand.u32 $0x40, s22;
	s4 =	sadd.s32 $0x5B20, s9  }
0xf9: {  	s9 =	sor.u32 s1, s4;
	[tilespmem:s20+$0x0] =	vst v3  }
0xfa: {  	v3 =	vld [tilespmem:s9+$0x0];
	_ =	sdelay $0x3  }
0xfb: {  	s10 =	sadd.s32 $0x40, s20;
	s25 =	sor.u32 $0x10, s1  }
0xfc: {  	s16 =	sor.u32 s25, s4;
	[tilespmem:s10+$0xFFFFFAD0] =	vst v3  }
0xfd: {  	v3 =	vld [tilespmem:s16+$0x0];
	_ =	sdelay $0x1  }
0xfe: {  	s16 =	sand.u32 $0x780, s22  }
0xff: {  	s20 =	sadd.s32 $0x6F20, s16  }
0x100: {  	s8 =	sor.u32 $0x20, s1;
	s9 =	sor.u32 s25, s20  }
0x101: {  	s15 =	sadd.s32 s8, s4;
	[tilespmem:s9+$0x0] =	vst v3  }
0x102: {  	v3 =	vld [tilespmem:s15+$0x0];
	_ =	sdelay $0x3  }
0x103: {  	s24 =	sadd.s32 s8, s20;
	s25 =	sor.u32 $0x30, s1  }
0x104: {  	s4 =	sadd.s32 s25, s4;
	[tilespmem:s24+$0x0] =	vst v3  }
0x105: {  	v3 =	vld [tilespmem:s4+$0x0]  }
0x106: {  	p1 =	por !p1, !p1;
	s4 =	simm.s32 $0x1  }
0x107: {  	s4 =	simm.s32 @!p1 $0x0  }
0x108: {  	s4 =	sshll.u32 s4, $0x6  }
0x109: {  	s8 =	sadd.s32 s25, s20;
	s4 =	sadd.s32 s4, s21  }
0x10a: {  	s15 =	sor.u32 $0x80, s4;
	[tilespmem:s8+$0x0] =	vst v3  }
0x10b: {  	v3 =	vld [tilespmem:s15+$0x5B20];
	_ =	sdelay $0x3  }
0x10c: {  	s1 =	sor.u32 s1, s16;
	s20 =	sadd.s32 $0x10, s4  }
0x10d: {  	s21 =	sor.u32 $0x80, s20;
	[tilespmem:s1+$0x7420] =	vst v3  }
0x10e: {  	v3 =	vld [tilespmem:s21+$0x5B20];
	_ =	sdelay $0x3  }
0x10f: {  	s22 =	sadd.s32 $0x20, s4  }
0x110: {  	s1 =	sor.u32 $0x80, s22;
	[tilespmem:s10+$0xFFFFFFE0] =	vst v3  }
0x111: {  	v3 =	vld [tilespmem:s1+$0x5B20];
	_ =	sdelay $0x3  }
0x112: {  	s24 =	sadd.s32 $0x30, s4  }
0x113: {  	s1 =	sor.u32 $0x80, s24;
	[tilespmem:s10+$0xFFFFFFF0] =	vst v3  }
0x114: {  	v3 =	vld [tilespmem:s1+$0x5B20];
	_ =	sdelay $0x4  }
0x115: {  	s25 =	rddreg [dreg:$0x11];
	[tilespmem:s10+$0x0] =	vst v3  }
0x116: {  	[tilespmem:s26], [sflag:$0x2] =	stream.linear.gather [hbm4b:s25+s6], $0xA00, $0x38;
	[tilespmem:$0x18020] =	vst v63  }
0x117: {  	s20 =	simm.s32 $0x1  }
0x118: {  	[spmem:s3] =	stream.indirect.scatter.add.s32 [tilespmem:s7], [sflag:$0x4], $0x1, s12, s28, $0xb8;
	[tilespmem:$0x18020] =	vst v63  }
.LBB2_12:
0x119: {  	_ =	swait.ge [sflag:s29], $0xA00  }
0x11a: {  	[sflag:s29] =	ssyncset.done $0x0  }
0x11b: {  	s1 =	simm.s32 $0x0;
	[sflag:s29] =	ssyncadd.s32 $0xFFFFF600  }
0x11c: {  	s4 =	sand.u32 $0xF00, s1;
	_ =	swait.ge [sflag:s13], $0xA00  }
0x11d: {  	s9 =	sand.u32 $0x40, s1;
	s4 =	sadd.s32 $0x5120, s4;
	[sflag:s13] =	ssyncset.done $0x0  }
0x11e: {  	s10 =	sor.u32 s9, s4;
	[sflag:s13] =	ssyncadd.s32 $0xFFFFF600  }
0x11f: {  	v3 =	vld [tilespmem:s10+$0x0];
	_ =	sdelay $0x3  }
0x120: {  	s21 =	simm.s32 $0x6A50;
	s25 =	sor.u32 $0x10, s9  }
0x121: {  	s16 =	sor.u32 s25, s4;
	[tilespmem:s21+$0xFFFFFAD0] =	vst v3  }
0x122: {  	v3 =	vld [tilespmem:s16+$0x0];
	_ =	sdelay $0x1  }
0x123: {  	s1 =	sand.u32 $0x780, s1  }
0x124: {  	s8 =	sadd.s32 $0x6520, s1  }
0x125: {  	s22 =	sor.u32 $0x20, s9;
	s10 =	sor.u32 s25, s8  }
0x126: {  	s15 =	sadd.s32 s22, s4;
	[tilespmem:s10+$0x0] =	vst v3  }
0x127: {  	v3 =	vld [tilespmem:s15+$0x0];
	_ =	sdelay $0x3  }
0x128: {  	s24 =	sadd.s32 s22, s8;
	s25 =	sor.u32 $0x30, s9  }
0x129: {  	s4 =	sadd.s32 s25, s4;
	[tilespmem:s24+$0x0] =	vst v3  }
0x12a: {  	v3 =	vld [tilespmem:s4+$0x0]  }
0x12b: {  	p1 =	por $0x0, $0x0;
	s4 =	simm.s32 $0x1  }
0x12c: {  	s4 =	simm.s32 @!p1 $0x0  }
0x12d: {  	s4 =	sshll.u32 s4, $0x6  }
0x12e: {  	s8 =	sadd.s32 s25, s8;
	s4 =	sadd.s32 $0x0, s4  }
0x12f: {  	s15 =	sor.u32 $0x80, s4;
	[tilespmem:s8+$0x0] =	vst v3  }
0x130: {  	v3 =	vld [tilespmem:s15+$0x5120];
	_ =	sdelay $0x3  }
0x131: {  	s1 =	sor.u32 s9, s1;
	s16 =	sadd.s32 $0x10, s4  }
0x132: {  	s22 =	sor.u32 $0x80, s16;
	[tilespmem:s1+$0x6A20] =	vst v3  }
0x133: {  	v3 =	vld [tilespmem:s22+$0x5120];
	_ =	sdelay $0x3  }
0x134: {  	s24 =	sadd.s32 $0x20, s4  }
0x135: {  	s1 =	sor.u32 $0x80, s24;
	[tilespmem:s21+$0xFFFFFFE0] =	vst v3  }
0x136: {  	v3 =	vld [tilespmem:s1+$0x5120];
	_ =	sdelay $0x3  }
0x137: {  	s25 =	sadd.s32 $0x30, s4  }
0x138: {  	s1 =	sor.u32 $0x80, s25;
	[tilespmem:s21+$0xFFFFFFF0] =	vst v3  }
0x139: {  	v3 =	vld [tilespmem:s1+$0x5120];
	_ =	sdelay $0x1  }
0x13a: {  	s22 =	simm.s32 $0x80  }
0x13b: {  	s24 =	simm.s32 $0x40;
	s9 =	sand.u32 $0xF00, s22;
	s25 =	simm.s32 $0x100  }
.LBB2_13:
0x13c: {  	p2 =	sne.s32 s25, $0x980;
	s1 =	sand.u32 $0x40, s24;
	s4 =	sadd.s32 $0x5120, s9  }
0x13d: {  	s9 =	sor.u32 s1, s4;
	[tilespmem:s21+$0x0] =	vst v3  }
0x13e: {  	v3 =	vld [tilespmem:s9+$0x0];
	_ =	sdelay $0x3  }
0x13f: {  	s21 =	sadd.s32 $0x40, s21;
	s9 =	sor.u32 $0x10, s1  }
0x140: {  	s10 =	sor.u32 s9, s4;
	[tilespmem:s21+$0xFFFFFAD0] =	vst v3  }
0x141: {  	v3 =	vld [tilespmem:s10+$0x0];
	_ =	sdelay $0x1  }
0x142: {  	s10 =	sand.u32 $0x780, s24  }
0x143: {  	s16 =	sadd.s32 $0x6520, s10  }
0x144: {  	s8 =	sor.u32 $0x20, s1;
	s9 =	sor.u32 s9, s16  }
0x145: {  	[tilespmem:s9+$0x0] =	vst v3;
	s9 =	sadd.s32 s8, s4  }
0x146: {  	v3 =	vld [tilespmem:s9+$0x0];
	_ =	sdelay $0x3  }
0x147: {  	s8 =	sadd.s32 s8, s16;
	s9 =	sor.u32 $0x30, s1  }
0x148: {  	s4 =	sadd.s32 s9, s4;
	[tilespmem:s8+$0x0] =	vst v3  }
0x149: {  	v3 =	vld [tilespmem:s4+$0x0]  }
0x14a: {  	p1 =	por !p1, !p1;
	s4 =	simm.s32 $0x1  }
0x14b: {  	s4 =	simm.s32 @!p1 $0x0  }
0x14c: {  	s4 =	sshll.u32 s4, $0x6  }
0x14d: {  	s8 =	sadd.s32 s9, s16;
	s4 =	sadd.s32 s4, s22;
	s22 =	smov.u32 s25  }
0x14e: {  	[tilespmem:s8+$0x0] =	vst v3;
	s8 =	sor.u32 $0x80, s4  }
0x14f: {  	v3 =	vld [tilespmem:s8+$0x5120];
	_ =	sdelay $0x3  }
0x150: {  	s1 =	sor.u32 s1, s10;
	s8 =	sadd.s32 $0x10, s4  }
0x151: {  	[tilespmem:s1+$0x6A20] =	vst v3;
	s1 =	sor.u32 $0x80, s8  }
0x152: {  	v3 =	vld [tilespmem:s1+$0x5120];
	_ =	sdelay $0x3  }
0x153: {  	s1 =	sadd.s32 $0x20, s4  }
0x154: {  	s1 =	sor.u32 $0x80, s1;
	[tilespmem:s21+$0xFFFFFFE0] =	vst v3  }
0x155: {  	v3 =	vld [tilespmem:s1+$0x5120];
	_ =	sdelay $0x3  }
0x156: {  	s1 =	sadd.s32 $0x30, s4  }
.Ltmp5:
0x157: {  	s1 =	sor.u32 $0x80, s1;
	[tilespmem:s21+$0xFFFFFFF0] =	vst v3;
	(pc) =	sbr.rel @p2 .LBB2_13-.Ltmp5, $2  }
0x158: {  	v3 =	vld [tilespmem:s1+$0x5120];
	_ =	sdelay $0x2  }
0x159: {  	s24 =	sadd.s32 $0x40, s24;
	s25 =	sadd.s32 $0x80, s25;
	s9 =	sand.u32 $0xF00, s22  }
0x15a: {  	s1 =	sand.u32 $0x40, s24;
	s4 =	sadd.s32 $0x5120, s9  }
0x15b: {  	s8 =	sor.u32 s1, s4;
	[tilespmem:s21+$0x0] =	vst v3  }
0x15c: {  	v3 =	vld [tilespmem:s8+$0x0];
	_ =	sdelay $0x3  }
0x15d: {  	s9 =	sadd.s32 $0x40, s21;
	s25 =	sor.u32 $0x10, s1  }
0x15e: {  	s10 =	sor.u32 s25, s4;
	[tilespmem:s9+$0xFFFFFAD0] =	vst v3  }
0x15f: {  	v3 =	vld [tilespmem:s10+$0x0];
	_ =	sdelay $0x1  }
0x160: {  	s10 =	sand.u32 $0x780, s24  }
0x161: {  	s16 =	sadd.s32 $0x6520, s10  }
0x162: {  	s15 =	sor.u32 $0x20, s1;
	s8 =	sor.u32 s25, s16  }
0x163: {  	s24 =	sadd.s32 s15, s4;
	[tilespmem:s8+$0x0] =	vst v3  }
0x164: {  	v3 =	vld [tilespmem:s24+$0x0];
	_ =	sdelay $0x3  }
0x165: {  	s25 =	sadd.s32 s15, s16;
	s15 =	sor.u32 $0x30, s1  }
0x166: {  	s4 =	sadd.s32 s15, s4;
	[tilespmem:s25+$0x0] =	vst v3  }
0x167: {  	v3 =	vld [tilespmem:s4+$0x0]  }
0x168: {  	p1 =	por !p1, !p1;
	s4 =	simm.s32 $0x1  }
0x169: {  	s4 =	simm.s32 @!p1 $0x0  }
0x16a: {  	s4 =	sshll.u32 s4, $0x6  }
0x16b: {  	s24 =	sadd.s32 s15, s16;
	s4 =	sadd.s32 s4, s22  }
0x16c: {  	s25 =	sor.u32 $0x80, s4;
	[tilespmem:s24+$0x0] =	vst v3  }
0x16d: {  	v3 =	vld [tilespmem:s25+$0x5120];
	_ =	sdelay $0x3  }
0x16e: {  	s1 =	sor.u32 s1, s10;
	s15 =	sadd.s32 $0x10, s4  }
0x16f: {  	s16 =	sor.u32 $0x80, s15;
	[tilespmem:s1+$0x6A20] =	vst v3  }
0x170: {  	v3 =	vld [tilespmem:s16+$0x5120];
	_ =	sdelay $0x3  }
0x171: {  	s21 =	sadd.s32 $0x20, s4  }
0x172: {  	s1 =	sor.u32 $0x80, s21;
	[tilespmem:s9+$0xFFFFFFE0] =	vst v3  }
0x173: {  	v3 =	vld [tilespmem:s1+$0x5120];
	_ =	sdelay $0x3  }
0x174: {  	s22 =	sadd.s32 $0x30, s4  }
0x175: {  	s1 =	sor.u32 $0x80, s22;
	[tilespmem:s9+$0xFFFFFFF0] =	vst v3  }
0x176: {  	v3 =	vld [tilespmem:s1+$0x5120]  }
0x177: {  	s21 =	smul.u32 $0xA00, s20;
	_ =	sdelay $0x1  }
0x178: {  	s24 =	sadd.s32 s21, s17  }
0x179: {  	s1 =	sshrl.u32 s24, $0x2  }
0x17a: {  	s25 =	simm.s32 $0x0;
	s1 =	sadd.s32 s0, s1;
	[tilespmem:s9+$0x0] =	vst v3  }
0x17b: {  	[tilespmem:s2], [sflag:$0x1] =	stream.linear.gather [hbm4b:s1+s25], $0xA00, $0x38;
	[tilespmem:$0x18020] =	vst v63  }
0x17c: {  	_ = 	snop  }
0x17d: {  	[spmem:s3] =	stream.indirect.scatter.add.s32 [tilespmem:s7], [sflag:$0x3], $0x1, s5, s28, $0xb8;
	[tilespmem:$0x18020] =	vst v63  }
0x17e: {  	_ =	swait.ge [sflag:s30], $0xA00  }
0x17f: {  	[sflag:s30] =	ssyncset.done $0x0  }
0x180: {  	[sflag:s30] =	ssyncadd.s32 $0xFFFFF600  }
0x181: {  	s10 =	sand.u32 $0xF00, s25;
	_ =	swait.ge [sflag:s14], $0xA00  }
0x182: {  	s8 =	sand.u32 $0x40, s25;
	s1 =	sadd.s32 $0x5B20, s10;
	[sflag:s14] =	ssyncset.done $0x0  }
0x183: {  	s15 =	sor.u32 s8, s1;
	[sflag:s14] =	ssyncadd.s32 $0xFFFFF600  }
0x184: {  	v3 =	vld [tilespmem:s15+$0x0];
	_ =	sdelay $0x3  }
0x185: {  	s16 =	sor.u32 $0x10, s8;
	s22 =	simm.s32 $0x7450  }
0x186: {  	s24 =	sor.u32 s16, s1;
	[tilespmem:s22+$0xFFFFFAD0] =	vst v3  }
0x187: {  	v3 =	vld [tilespmem:s24+$0x0];
	_ =	sdelay $0x1  }
0x188: {  	s4 =	sand.u32 $0x780, s25  }
0x189: {  	s10 =	sadd.s32 $0x6F20, s4  }
0x18a: {  	s25 =	sor.u32 $0x20, s8;
	s9 =	sor.u32 s16, s10  }
0x18b: {  	s15 =	sadd.s32 s25, s1;
	[tilespmem:s9+$0x0] =	vst v3  }
0x18c: {  	v3 =	vld [tilespmem:s15+$0x0];
	_ =	sdelay $0x3  }
0x18d: {  	s24 =	sadd.s32 s25, s10;
	s25 =	sor.u32 $0x30, s8  }
0x18e: {  	s1 =	sadd.s32 s25, s1;
	[tilespmem:s24+$0x0] =	vst v3  }
0x18f: {  	v3 =	vld [tilespmem:s1+$0x0]  }
0x190: {  	p1 =	por $0x0, $0x0;
	s1 =	simm.s32 $0x1  }
0x191: {  	s1 =	simm.s32 @!p1 $0x0  }
0x192: {  	s1 =	sshll.u32 s1, $0x6  }
0x193: {  	s10 =	sadd.s32 s25, s10;
	s1 =	sadd.s32 $0x0, s1  }
0x194: {  	s15 =	sor.u32 $0x80, s1;
	[tilespmem:s10+$0x0] =	vst v3  }
0x195: {  	v3 =	vld [tilespmem:s15+$0x5B20];
	_ =	sdelay $0x3  }
0x196: {  	s4 =	sor.u32 s8, s4;
	s16 =	sadd.s32 $0x10, s1  }
0x197: {  	s24 =	sor.u32 $0x80, s16;
	[tilespmem:s4+$0x7420] =	vst v3  }
0x198: {  	v3 =	vld [tilespmem:s24+$0x5B20];
	_ =	sdelay $0x3  }
0x199: {  	s25 =	sadd.s32 $0x20, s1  }
0x19a: {  	s4 =	sor.u32 $0x80, s25;
	[tilespmem:s22+$0xFFFFFFE0] =	vst v3  }
0x19b: {  	v3 =	vld [tilespmem:s4+$0x5B20];
	_ =	sdelay $0x3  }
0x19c: {  	s1 =	sadd.s32 $0x30, s1  }
0x19d: {  	s1 =	sor.u32 $0x80, s1;
	[tilespmem:s22+$0xFFFFFFF0] =	vst v3  }
0x19e: {  	v3 =	vld [tilespmem:s1+$0x5B20];
	_ =	sdelay $0x1  }
0x19f: {  	s24 =	simm.s32 $0x80  }
0x1a0: {  	s9 =	simm.s32 $0x100;
	s25 =	simm.s32 $0x40;
	s4 =	sand.u32 $0xF00, s24  }
.LBB2_15:
0x1a1: {  	p2 =	sne.s32 s9, $0x980;
	s1 =	sand.u32 $0x40, s25;
	s4 =	sadd.s32 $0x5B20, s4  }
0x1a2: {  	s8 =	sor.u32 s1, s4;
	[tilespmem:s22+$0x0] =	vst v3  }
0x1a3: {  	v3 =	vld [tilespmem:s8+$0x0];
	_ =	sdelay $0x3  }
0x1a4: {  	s22 =	sadd.s32 $0x40, s22;
	s8 =	sor.u32 $0x10, s1  }
0x1a5: {  	s10 =	sor.u32 s8, s4;
	[tilespmem:s22+$0xFFFFFAD0] =	vst v3  }
0x1a6: {  	v3 =	vld [tilespmem:s10+$0x0];
	_ =	sdelay $0x1  }
0x1a7: {  	s10 =	sand.u32 $0x780, s25  }
0x1a8: {  	s16 =	sadd.s32 $0x6F20, s10  }
0x1a9: {  	s15 =	sor.u32 $0x20, s1;
	s8 =	sor.u32 s8, s16  }
0x1aa: {  	[tilespmem:s8+$0x0] =	vst v3;
	s8 =	sadd.s32 s15, s4  }
0x1ab: {  	v3 =	vld [tilespmem:s8+$0x0];
	_ =	sdelay $0x3  }
0x1ac: {  	s8 =	sadd.s32 s15, s16;
	s15 =	sor.u32 $0x30, s1  }
0x1ad: {  	s4 =	sadd.s32 s15, s4;
	[tilespmem:s8+$0x0] =	vst v3  }
0x1ae: {  	v3 =	vld [tilespmem:s4+$0x0]  }
0x1af: {  	p1 =	por !p1, !p1;
	s4 =	simm.s32 $0x1  }
0x1b0: {  	s4 =	simm.s32 @!p1 $0x0  }
0x1b1: {  	s4 =	sshll.u32 s4, $0x6  }
0x1b2: {  	s8 =	sadd.s32 s15, s16;
	s4 =	sadd.s32 s4, s24;
	s24 =	smov.u32 s9  }
0x1b3: {  	[tilespmem:s8+$0x0] =	vst v3;
	s8 =	sor.u32 $0x80, s4  }
0x1b4: {  	v3 =	vld [tilespmem:s8+$0x5B20];
	_ =	sdelay $0x3  }
0x1b5: {  	s1 =	sor.u32 s1, s10;
	s8 =	sadd.s32 $0x10, s4  }
0x1b6: {  	[tilespmem:s1+$0x7420] =	vst v3;
	s1 =	sor.u32 $0x80, s8  }
0x1b7: {  	v3 =	vld [tilespmem:s1+$0x5B20];
	_ =	sdelay $0x3  }
0x1b8: {  	s1 =	sadd.s32 $0x20, s4  }
0x1b9: {  	s1 =	sor.u32 $0x80, s1;
	[tilespmem:s22+$0xFFFFFFE0] =	vst v3  }
0x1ba: {  	v3 =	vld [tilespmem:s1+$0x5B20];
	_ =	sdelay $0x3  }
0x1bb: {  	s1 =	sadd.s32 $0x30, s4  }
.Ltmp6:
0x1bc: {  	s1 =	sor.u32 $0x80, s1;
	[tilespmem:s22+$0xFFFFFFF0] =	vst v3;
	(pc) =	sbr.rel @p2 .LBB2_15-.Ltmp6, $2  }
0x1bd: {  	v3 =	vld [tilespmem:s1+$0x5B20];
	_ =	sdelay $0x2  }
0x1be: {  	s25 =	sadd.s32 $0x40, s25;
	s9 =	sadd.s32 $0x80, s9;
	s4 =	sand.u32 $0xF00, s24  }
0x1bf: {  	s1 =	sand.u32 $0x40, s25;
	s4 =	sadd.s32 $0x5B20, s4  }
0x1c0: {  	s8 =	sor.u32 s1, s4;
	[tilespmem:s22+$0x0] =	vst v3  }
0x1c1: {  	v3 =	vld [tilespmem:s8+$0x0];
	_ =	sdelay $0x3  }
0x1c2: {  	s9 =	sadd.s32 $0x40, s22;
	s16 =	sor.u32 $0x10, s1  }
0x1c3: {  	s10 =	sor.u32 s16, s4;
	[tilespmem:s9+$0xFFFFFAD0] =	vst v3  }
0x1c4: {  	v3 =	vld [tilespmem:s10+$0x0];
	_ =	sdelay $0x1  }
0x1c5: {  	s10 =	sand.u32 $0x780, s25  }
0x1c6: {  	s15 =	sadd.s32 $0x6F20, s10  }
0x1c7: {  	s8 =	sor.u32 s16, s15;
	s16 =	sor.u32 $0x20, s1  }
0x1c8: {  	s25 =	sadd.s32 s16, s4;
	[tilespmem:s8+$0x0] =	vst v3  }
0x1c9: {  	v3 =	vld [tilespmem:s25+$0x0];
	_ =	sdelay $0x3  }
0x1ca: {  	s22 =	sadd.s32 s16, s15;
	s25 =	sor.u32 $0x30, s1  }
0x1cb: {  	s4 =	sadd.s32 s25, s4;
	[tilespmem:s22+$0x0] =	vst v3  }
0x1cc: {  	v3 =	vld [tilespmem:s4+$0x0]  }
0x1cd: {  	p1 =	por !p1, !p1;
	s4 =	simm.s32 $0x1  }
0x1ce: {  	s4 =	simm.s32 @!p1 $0x0  }
0x1cf: {  	s4 =	sshll.u32 s4, $0x6  }
0x1d0: {  	s22 =	sadd.s32 s25, s15;
	s4 =	sadd.s32 s4, s24  }
0x1d1: {  	s25 =	sor.u32 $0x80, s4;
	[tilespmem:s22+$0x0] =	vst v3  }
0x1d2: {  	v3 =	vld [tilespmem:s25+$0x5B20];
	_ =	sdelay $0x3  }
0x1d3: {  	s1 =	sor.u32 s1, s10;
	s15 =	sadd.s32 $0x10, s4  }
0x1d4: {  	s16 =	sor.u32 $0x80, s15;
	[tilespmem:s1+$0x7420] =	vst v3  }
0x1d5: {  	v3 =	vld [tilespmem:s16+$0x5B20];
	_ =	sdelay $0x3  }
0x1d6: {  	s22 =	sadd.s32 $0x20, s4  }
0x1d7: {  	s1 =	sor.u32 $0x80, s22;
	[tilespmem:s9+$0xFFFFFFE0] =	vst v3  }
0x1d8: {  	v3 =	vld [tilespmem:s1+$0x5B20];
	_ =	sdelay $0x3  }
0x1d9: {  	s24 =	sadd.s32 $0x30, s4  }
0x1da: {  	s1 =	sor.u32 $0x80, s24;
	[tilespmem:s9+$0xFFFFFFF0] =	vst v3  }
0x1db: {  	v3 =	vld [tilespmem:s1+$0x5B20];
	_ =	sdelay $0x1  }
0x1dc: {  	s20 =	sadd.s32 $0x1, s20  }
0x1dd: {  	p1 =	sne.s32 s20, $0x27;
	s25 =	sadd.s32 s21, s19  }
.Ltmp7:
0x1de: {  	s1 =	sshrl.u32 s25, $0x2;
	(pc) =	sbr.rel @p1 .LBB2_12-.Ltmp7, $4  }
0x1df: {  	s1 =	sadd.s32 s0, s1;
	[tilespmem:s9+$0x0] =	vst v3  }
0x1e0: {  	[tilespmem:s26], [sflag:$0x2] =	stream.linear.gather [hbm4b:s1+s6], $0xA00, $0x38;
	[tilespmem:$0x18020] =	vst v63  }
0x1e1: {  	_ = 	snop  }
0x1e2: {  	[spmem:s3] =	stream.indirect.scatter.add.s32 [tilespmem:s7], [sflag:$0x4], $0x1, s12, s28, $0xb8;
	[tilespmem:$0x18020] =	vst v63  }
0x1e3: {  	_ =	swait.ge [sflag:s29], $0xA00  }
0x1e4: {  	[sflag:s29] =	ssyncset.done $0x0  }
0x1e5: {  	[sflag:s29] =	ssyncadd.s32 $0xFFFFF600  }
0x1e6: {  	_ =	swait.ge [sflag:s30], $0xA00  }
0x1e7: {  	[sflag:s30] =	ssyncset.done $0x0  }
0x1e8: {  	[sflag:s30] =	ssyncadd.s32 $0xFFFFF600  }
0x1e9: {  	_ =	swait.ge [sflag:s13], $0xA00  }
0x1ea: {  	[sflag:s13] =	ssyncset.done $0x0  }
0x1eb: {  	[sflag:s13] =	ssyncadd.s32 $0xFFFFF600  }
0x1ec: {  	_ =	swait.ge [sflag:s14], $0xA00  }
0x1ed: {  	s1 =	simm.s32 $0x0;
	s8 =	simm.s32 $0x7920;
	[sflag:s14] =	ssyncset.done $0x0  }
0x1ee: {  	s10 =	simm.s32 $0x7;
	s4 =	rddreg [dreg:$0x12];
	[sflag:s14] =	ssyncadd.s32 $0xFFFFF600  }
0x1ef: {  	[tilespmem:s8], [sflag:$0x7] =	stream.linear.gather [hbm4b:s4+s1], $0x200, $0x38;
	[tilespmem:$0x18020] =	vst v63  }
0x1f0: {  	_ =	swait.ge [sflag:s10], $0x200  }
0x1f1: {  	[sflag:s10] =	ssyncset.done $0x0  }
0x1f2: {  	[sflag:s10] =	ssyncadd.s32 $0xFFFFFE00  }
0x1f3: {  	v3 =	vld [tilespmem:$0x7920]  }
0x1f4: {  	v4 =	vld [tilespmem:$0x7930]  }
0x1f5: {  	v5 =	vld [tilespmem:$0x7940]  }
0x1f6: {  	v6 =	vld [tilespmem:$0x7950]  }
0x1f7: {  	v7 =	vld [tilespmem:$0x7960]  }
0x1f8: {  	v8 =	vld [tilespmem:$0x7970];
	v3 =	vpsel !p0, $0x186A0, v3  }
0x1f9: {  	[tilespmem:$0x7B20] =	vst v3;
	v3 =	vpsel !p0, $0x186A0, v4;
	v4 =	vld [tilespmem:$0x7980]  }
0x1fa: {  	[tilespmem:$0x7B30] =	vst v3;
	v3 =	vpsel !p0, $0x186A0, v5;
	v5 =	vld [tilespmem:$0x7990]  }
0x1fb: {  	[tilespmem:$0x7B40] =	vst v3;
	v3 =	vpsel !p0, $0x186A0, v6;
	v6 =	vld [tilespmem:$0x7A20]  }
0x1fc: {  	[tilespmem:$0x7B50] =	vst v3;
	v3 =	vpsel !p0, $0x186A0, v7;
	v7 =	vld [tilespmem:$0x7A30]  }
0x1fd: {  	[tilespmem:$0x7B60] =	vst v3;
	v3 =	vpsel !p0, $0x186A0, v8;
	v8 =	vld [tilespmem:$0x7A40]  }
0x1fe: {  	[tilespmem:$0x7B70] =	vst v3;
	v3 =	vpsel !p0, $0x186A0, v4;
	v4 =	vld [tilespmem:$0x7A50]  }
0x1ff: {  	[tilespmem:$0x7B80] =	vst v3;
	v3 =	vpsel !p0, $0x186A0, v5;
	v5 =	vld [tilespmem:$0x7A60]  }
0x200: {  	[tilespmem:$0x7B90] =	vst v3;
	v3 =	vld [tilespmem:$0x7A70]  }
0x201: {  	[tilespmem:$0x7BA0] =	vst v6;
	v6 =	vld [tilespmem:$0x7A80]  }
0x202: {  	[tilespmem:$0x7BB0] =	vst v7;
	v7 =	vld [tilespmem:$0x7A90]  }
0x203: {  	[tilespmem:$0x7BC0] =	vst v8;
	v8 =	vld [tilespmem:$0x79A0]  }
0x204: {  	[tilespmem:$0x7BD0] =	vst v4;
	v4 =	vld [tilespmem:$0x79B0]  }
0x205: {  	[tilespmem:$0x7BE0] =	vst v5;
	v5 =	vld [tilespmem:$0x79C0]  }
0x206: {  	[tilespmem:$0x7BF0] =	vst v3;
	v3 =	vld [tilespmem:$0x79D0]  }
0x207: {  	[tilespmem:$0x7C00] =	vst v6;
	v6 =	vld [tilespmem:$0x79E0]  }
0x208: {  	[tilespmem:$0x7C10] =	vst v7;
	v7 =	vpsel !p0, $0x186A0, v8;
	v8 =	vld [tilespmem:$0x79F0]  }
0x209: {  	[tilespmem:$0x7C20] =	vst v7;
	v4 =	vpsel !p0, $0x186A0, v4;
	v7 =	vld [tilespmem:$0x7A00]  }
0x20a: {  	[tilespmem:$0x7C30] =	vst v4;
	v4 =	vpsel !p0, $0x186A0, v5;
	v5 =	vld [tilespmem:$0x7A10]  }
0x20b: {  	[tilespmem:$0x7C40] =	vst v4;
	v3 =	vpsel !p0, $0x186A0, v3  }
0x20c: {  	v4 =	vld [tilespmem:$0x7AA0];
	[tilespmem:$0x7C50] =	vst v3;
	v3 =	vpsel !p0, $0x186A0, v6  }
0x20d: {  	v6 =	vld [tilespmem:$0x7AB0];
	[tilespmem:$0x7C60] =	vst v3;
	v3 =	vpsel !p0, $0x186A0, v8  }
0x20e: {  	[tilespmem:$0x7C70] =	vst v3;
	v3 =	vpsel !p0, $0x186A0, v7;
	v7 =	vld [tilespmem:$0x7AC0]  }
0x20f: {  	[tilespmem:$0x7C80] =	vst v3;
	v3 =	vpsel !p0, $0x186A0, v5;
	v5 =	vld [tilespmem:$0x7AD0]  }
0x210: {  	[tilespmem:$0x7C90] =	vst v3;
	v3 =	vld [tilespmem:$0x7AE0]  }
0x211: {  	[tilespmem:$0x7CA0] =	vst v4;
	v4 =	vld [tilespmem:$0x7AF0]  }
0x212: {  	[tilespmem:$0x7CB0] =	vst v6;
	v6 =	vld [tilespmem:$0x7B00]  }
0x213: {  	[tilespmem:$0x7CC0] =	vst v7;
	v7 =	vld [tilespmem:$0x7B10]  }
0x214: {  	[tilespmem:$0x7CD0] =	vst v5  }
0x215: {  	[tilespmem:$0x7CE0] =	vst v3  }
0x216: {  	[tilespmem:$0x7CF0] =	vst v4  }
0x217: {  	[tilespmem:$0x7D00] =	vst v6  }
0x218: {  	s20 =	simm.s32 $0x200;
	s21 =	simm.s32 $0x7B20;
	[tilespmem:$0x7D10] =	vst v7  }
0x219: {  	[spmem:s3] =	stream.indirect.scatter.add.s32 [tilespmem:s7], [sflag:$0x3], $0x1, s21, s20, $0xb8;
	[tilespmem:$0x18020] =	vst v63  }
0x21a: {  	_ =	swait.ge [sflag:s13], $0x200  }
0x21b: {  	[sflag:s13] =	ssyncset.done $0x0  }
0x21c: {  	[sflag:s13] =	ssyncadd.s32 $0xFFFFFE00  }
0x21d: {  	_ =	swait.ge [sflag:s31], $0x2000  }
0x21e: {  	[sflag:s31] =	ssyncset.done $0x0  }
0x21f: {  	s22 =	simm.s32 $0x6;
	[sflag:s31] =	ssyncadd.s32 $0xFFFFE000  }
0x220: {  	_ =	swait.ge [sflag:s22], $0x2000  }
0x221: {  	[sflag:s22] =	ssyncset.done $0x0  }
0x222: {  	s24 =	simm.s32 $0x8720;
	[sflag:s22] =	ssyncadd.s32 $0xFFFFE000  }
0x223: {  	s15 =	simm.s32 $0xC720;
	s8 =	simm.s32 $0x2000;
	[bflag:$0x0] =	sbarrier.arrive $0xFFFF  }
0x224: {  	[tilespmem:s15], [sflag:$0x1] =	stream.indirect.gather [spmem:s3], $0x1, s24, s8, $0xb8;
	[tilespmem:$0x18020] =	vst v63  }
0x225: {  	s25 =	simm.s32 $0xA720;
	s16 =	simm.s32 $0xE720  }
0x226: {  	[tilespmem:s16], [sflag:$0x2] =	stream.indirect.gather [spmem:s3], $0x1, s25, s8, $0xb8;
	[tilespmem:$0x18020] =	vst v63  }
0x227: {  	_ =	swait.ge [sflag:s29], $0x2000  }
0x228: {  	[sflag:s29] =	ssyncset.done $0x0  }
0x229: {  	s20 =	simm.s32 $0x0;
	[sflag:s29] =	ssyncadd.s32 $0xFFFFE000  }
0x22a: {  	v8 =	vld [tilespmem:s20+$0x10750]  }
0x22b: {  	v9 =	vld [tilespmem:s20+$0x10740]  }
0x22c: {  	v10 =	vld [tilespmem:s20+$0xC760]  }
0x22d: {  	v11 =	vld [tilespmem:s20+$0xC740]  }
0x22e: {  	v12 =	vld [tilespmem:s20+$0xC730]  }
0x22f: {  	v14 =	vld [tilespmem:s20+$0xC750]  }
0x230: {  	v13 =	vld [tilespmem:s20+$0x10760]  }
0x231: {  	v15 =	vld [tilespmem:s20+$0x10730]  }
0x232: {  	v3 =	vld [tilespmem:s20+$0x10780];
	vm0 =	vlt.s32 v10, $0x3F  }
0x233: {  	v6 =	vld [tilespmem:s20+$0xC720];
	vm11 =	vlt.s32 v11, $0x40;
	vm1 =	vlt.s32 v11, $0x3F;
	vm2 =	vlt.s32 v12, $0x3F  }
0x234: {  	v4 =	vld [tilespmem:s20+$0xC770];
	vm12 =	vlt.s32 v10, $0x40;
	vm13 =	vlt.s32 v14, $0x40;
	vm14 =	vlt.s32 v14, $0x3F  }
0x235: {  	v5 =	vld [tilespmem:s20+$0xC780];
	vm15 =	vlt.s32 v12, $0x40;
	v7 =	vnsel vm0, $0x3F, v10;
	v9 =	vnsel vm11, $0x0, v9  }
0x236: {  	v11 =	vnsel vm1, $0x3F, v11;
	v8 =	vnsel vm13, $0x0, v8;
	v16 =	vadd.s32 s18, v7;
	v7 =	vld [tilespmem:s20+$0x10720];
	[tilespmem:s20+$0x10740] =	vst v9  }
0x237: {  	v63 =	vnsel vm2, $0x3F, v12;
	v13 =	vnsel vm12, $0x0, v13;
	v9 =	vadd.s32 s18, v11;
	v11 =	vld [tilespmem:s20+$0x10770];
	[tilespmem:s20+$0x10750] =	vst v8  }
0x238: {  	s9 =	smov.u32 s18;
	s21 =	smov.u32 s18;
	s25 =	simm.s32 $0x200;
	v10 =	vnsel vm14, $0x3F, v14;
	v14 =	vnsel vm15, $0x0, v15;
	v12 =	vadd.s32 s18, v63;
	v8 =	vld [tilespmem:s20+$0x10790];
	[tilespmem:s20+$0xC760] =	vst v16  }
.LBB2_18:
0x239: {  	s24 =	sshra.s32 s25, $0x2  }
0x23a: {  	vm0 =	vlt.s32 v6, $0x3F;
	vm1 =	vlt.s32 v6, $0x40;
	[tilespmem:s20+$0x10730] =	vst v14;
	v14 =	vld [tilespmem:s20+$0xC790];
	s9 =	sadd.s32 $0x40, s9;
	s1 =	smov.u32 s25;
	s22 =	sadd.s32 $0x200, s25  }
0x23b: {  	p1 =	sne.s32 s25, $0x7E00;
	vm2 =	vlt.s32 v4, $0x3F;
	vm3 =	vlt.s32 v4, $0x40;
	v15 =	vld [tilespmem:s24+$0x10750];
	[tilespmem:s20+$0x10760] =	vst v13;
	vm4 =	vlt.s32 v5, $0x3F  }
0x23c: {  	v6 =	vnsel vm0, $0x3F, v6;
	vm0 =	vlt.s32 v5, $0x40;
	v13 =	vld [tilespmem:s24+$0x10740];
	v7 =	vnsel vm1, $0x0, v7;
	[tilespmem:s20+$0xC740] =	vst v9  }
0x23d: {  	v4 =	vnsel vm2, $0x3F, v4;
	v6 =	vadd.s32 s21, v6;
	v9 =	vld [tilespmem:s24+$0xC760];
	[tilespmem:s20+$0xC730] =	vst v12;
	v11 =	vnsel vm3, $0x0, v11  }
0x23e: {  	v10 =	vadd.s32 s21, v10;
	v5 =	vnsel vm4, $0x3F, v5;
	v3 =	vnsel vm0, $0x0, v3;
	v12 =	vld [tilespmem:s24+$0xC740];
	[tilespmem:s20+$0x10770] =	vst v11  }
0x23f: {  	v11 =	vld [tilespmem:s24+$0xC730];
	[tilespmem:s20+$0xC750] =	vst v10;
	vm0 =	vlt.s32 v14, $0x3F;
	vm1 =	vlt.s32 v14, $0x40  }
0x240: {  	v4 =	vadd.s32 s21, v4;
	v10 =	vld [tilespmem:s24+$0xC750];
	[tilespmem:s20+$0x10780] =	vst v3;
	v3 =	vnsel vm0, $0x3F, v14;
	v8 =	vnsel vm1, $0x0, v8  }
0x241: {  	v5 =	vadd.s32 s21, v5;
	v14 =	vld [tilespmem:s24+$0x10760];
	[tilespmem:s20+$0x10720] =	vst v7  }
0x242: {  	v7 =	vadd.s32 s21, v3;
	s21 =	smov.u32 s9;
	v16 =	vld [tilespmem:s24+$0x10730];
	[tilespmem:s20+$0x10790] =	vst v8  }
0x243: {  	vm0 =	vlt.s32 v12, $0x3F;
	vm1 =	vlt.s32 v12, $0x40;
	v3 =	vld [tilespmem:s24+$0x10780];
	[tilespmem:s20+$0xC720] =	vst v6  }
0x244: {  	v6 =	vld [tilespmem:s24+$0xC720];
	vm2 =	vlt.s32 v11, $0x3F;
	v8 =	vnsel vm0, $0x3F, v12;
	vm0 =	vlt.s32 v9, $0x3F;
	[tilespmem:s20+$0xC770] =	vst v4  }
.Ltmp8:
0x245: {  	v12 =	vnsel vm1, $0x0, v13;
	v13 =	vnsel vm0, $0x3F, v9;
	vm0 =	vlt.s32 v9, $0x40;
	v4 =	vld [tilespmem:s24+$0xC770];
	[tilespmem:s20+$0xC780] =	vst v5;
	(pc) =	sbr.rel @p1 .LBB2_18-.Ltmp8, $4  }
0x246: {  	v9 =	vadd.s32 s9, v8;
	vm1 =	vlt.s32 v10, $0x40;
	v8 =	vadd.s32 s9, v13;
	v5 =	vld [tilespmem:s24+$0xC780];
	[tilespmem:s20+$0xC790] =	vst v7;
	s20 =	smov.u32 s24  }
0x247: {  	v17 =	vnsel vm2, $0x3F, v11;
	vm2 =	vlt.s32 v10, $0x3F;
	v13 =	vnsel vm0, $0x0, v14;
	v7 =	vld [tilespmem:s20+$0x10720];
	[tilespmem:s20+$0xC760] =	vst v8  }
0x248: {  	vm0 =	vlt.s32 v11, $0x40;
	v10 =	vnsel vm2, $0x3F, v10;
	v8 =	vnsel vm1, $0x0, v15;
	[tilespmem:s20+$0x10740] =	vst v12;
	v11 =	vld [tilespmem:s20+$0x10770]  }
0x249: {  	s25 =	smov.u32 s22;
	v14 =	vnsel vm0, $0x0, v16;
	v12 =	vadd.s32 s9, v17;
	[tilespmem:s20+$0x10750] =	vst v8;
	v8 =	vld [tilespmem:s20+$0x10790]  }
0x24a: {  	[tilespmem:s20+$0x10730] =	vst v14  }
0x24b: {  	[tilespmem:s20+$0x10760] =	vst v13  }
0x24c: {  	[tilespmem:s20+$0xC740] =	vst v9  }
0x24d: {  	[tilespmem:s20+$0xC730] =	vst v12;
	v10 =	vadd.s32 s21, v10;
	vm15 =	vlt.s32 v5, $0x40  }
0x24e: {  	v14 =	vld [tilespmem:s20+$0xC790];
	vm1 =	vlt.s32 v6, $0x40;
	vm2 =	vlt.s32 v4, $0x3F;
	[tilespmem:s20+$0xC750] =	vst v10;
	v3 =	vnsel vm15, $0x0, v3  }
0x24f: {  	vm0 =	vlt.s32 v4, $0x40;
	v4 =	vnsel vm2, $0x3F, v4;
	v7 =	vnsel vm1, $0x0, v7;
	[tilespmem:s20+$0x10780] =	vst v3  }
0x250: {  	vm6 =	vlt.s32 v5, $0x3F;
	v4 =	vadd.s32 s21, v4;
	[tilespmem:s20+$0x10720] =	vst v7  }
0x251: {  	vm4 =	vlt.s32 v6, $0x3F;
	v5 =	vnsel vm6, $0x3F, v5;
	v9 =	vnsel vm0, $0x0, v11;
	[tilespmem:s20+$0xC770] =	vst v4  }
0x252: {  	v3 =	vnsel vm4, $0x3F, v6;
	v5 =	vadd.s32 s21, v5;
	[tilespmem:s20+$0x10770] =	vst v9  }
0x253: {  	v3 =	vadd.s32 s21, v3;
	[tilespmem:s20+$0xC780] =	vst v5;
	vm5 =	vlt.s32 v14, $0x40;
	vm7 =	vlt.s32 v14, $0x3F  }
0x254: {  	[tilespmem:s20+$0xC720] =	vst v3;
	v6 =	vnsel vm5, $0x0, v8;
	v3 =	vnsel vm7, $0x3F, v14  }
0x255: {  	[tilespmem:s20+$0x10790] =	vst v6;
	v3 =	vadd.s32 s21, v3  }
0x256: {  	s4 =	rddreg [dreg:$0x5];
	s1 =	simm.s32 $0x10720;
	[tilespmem:s20+$0xC790] =	vst v3  }
0x257: {  	[spmem:s4] =	stream.indirect.scatter.add.f32 [tilespmem:s1], [sflag:$0x3], $0x1, s15, s8, $0xb8;
	[tilespmem:$0x18020] =	vst v63  }
0x258: {  	_ =	swait.ge [sflag:s30], $0x2000  }
0x259: {  	[sflag:s30] =	ssyncset.done $0x0  }
0x25a: {  	s20 =	simm.s32 $0x0;
	[sflag:s30] =	ssyncadd.s32 $0xFFFFE000  }
0x25b: {  	v8 =	vld [tilespmem:s20+$0x12750]  }
0x25c: {  	v9 =	vld [tilespmem:s20+$0x12740]  }
0x25d: {  	v10 =	vld [tilespmem:s20+$0xE760]  }
0x25e: {  	v11 =	vld [tilespmem:s20+$0xE740]  }
0x25f: {  	v12 =	vld [tilespmem:s20+$0xE730]  }
0x260: {  	v14 =	vld [tilespmem:s20+$0xE750]  }
0x261: {  	v13 =	vld [tilespmem:s20+$0x12760]  }
0x262: {  	v15 =	vld [tilespmem:s20+$0x12730]  }
0x263: {  	v3 =	vld [tilespmem:s20+$0x12780];
	vm8 =	vlt.s32 v10, $0x3F  }
0x264: {  	v6 =	vld [tilespmem:s20+$0xE720];
	vm9 =	vlt.s32 v11, $0x40;
	vm10 =	vlt.s32 v11, $0x3F;
	vm11 =	vlt.s32 v12, $0x3F  }
0x265: {  	v4 =	vld [tilespmem:s20+$0xE770];
	vm12 =	vlt.s32 v10, $0x40;
	vm13 =	vlt.s32 v14, $0x40;
	vm14 =	vlt.s32 v14, $0x3F  }
0x266: {  	v5 =	vld [tilespmem:s20+$0xE780];
	vm15 =	vlt.s32 v12, $0x40;
	v7 =	vnsel vm8, $0x3F, v10;
	v9 =	vnsel vm9, $0x0, v9  }
0x267: {  	v11 =	vnsel vm10, $0x3F, v11;
	v8 =	vnsel vm13, $0x0, v8;
	v16 =	vadd.s32 s23, v7;
	v7 =	vld [tilespmem:s20+$0x12720];
	[tilespmem:s20+$0x12740] =	vst v9  }
0x268: {  	v63 =	vnsel vm11, $0x3F, v12;
	v13 =	vnsel vm12, $0x0, v13;
	v9 =	vadd.s32 s23, v11;
	v11 =	vld [tilespmem:s20+$0x12770];
	[tilespmem:s20+$0x12750] =	vst v8  }
0x269: {  	s25 =	simm.s32 $0x200;
	s9 =	smov.u32 s23;
	s21 =	smov.u32 s23;
	v10 =	vnsel vm14, $0x3F, v14;
	v14 =	vnsel vm15, $0x0, v15;
	v12 =	vadd.s32 s23, v63;
	v8 =	vld [tilespmem:s20+$0x12790];
	[tilespmem:s20+$0xE760] =	vst v16  }
.LBB2_20:
0x26a: {  	s24 =	sshra.s32 s25, $0x2  }
0x26b: {  	vm0 =	vlt.s32 v6, $0x3F;
	vm1 =	vlt.s32 v6, $0x40;
	[tilespmem:s20+$0x12730] =	vst v14;
	v14 =	vld [tilespmem:s20+$0xE790];
	s9 =	sadd.s32 $0x40, s9;
	s1 =	smov.u32 s25;
	s22 =	sadd.s32 $0x200, s25  }
0x26c: {  	p1 =	sne.s32 s25, $0x7E00;
	vm2 =	vlt.s32 v4, $0x3F;
	vm3 =	vlt.s32 v4, $0x40;
	v15 =	vld [tilespmem:s24+$0x12750];
	[tilespmem:s20+$0x12760] =	vst v13;
	vm4 =	vlt.s32 v5, $0x3F  }
0x26d: {  	v6 =	vnsel vm0, $0x3F, v6;
	vm0 =	vlt.s32 v5, $0x40;
	v13 =	vld [tilespmem:s24+$0x12740];
	v7 =	vnsel vm1, $0x0, v7;
	[tilespmem:s20+$0xE740] =	vst v9  }
0x26e: {  	v4 =	vnsel vm2, $0x3F, v4;
	v6 =	vadd.s32 s21, v6;
	v9 =	vld [tilespmem:s24+$0xE760];
	[tilespmem:s20+$0xE730] =	vst v12;
	v11 =	vnsel vm3, $0x0, v11  }
0x26f: {  	v10 =	vadd.s32 s21, v10;
	v5 =	vnsel vm4, $0x3F, v5;
	v3 =	vnsel vm0, $0x0, v3;
	v12 =	vld [tilespmem:s24+$0xE740];
	[tilespmem:s20+$0x12770] =	vst v11  }
0x270: {  	v11 =	vld [tilespmem:s24+$0xE730];
	[tilespmem:s20+$0xE750] =	vst v10;
	vm0 =	vlt.s32 v14, $0x3F;
	vm1 =	vlt.s32 v14, $0x40  }
0x271: {  	v4 =	vadd.s32 s21, v4;
	v10 =	vld [tilespmem:s24+$0xE750];
	[tilespmem:s20+$0x12780] =	vst v3;
	v3 =	vnsel vm0, $0x3F, v14;
	v8 =	vnsel vm1, $0x0, v8  }
0x272: {  	v5 =	vadd.s32 s21, v5;
	v14 =	vld [tilespmem:s24+$0x12760];
	[tilespmem:s20+$0x12720] =	vst v7  }
0x273: {  	v7 =	vadd.s32 s21, v3;
	s21 =	smov.u32 s9;
	v16 =	vld [tilespmem:s24+$0x12730];
	[tilespmem:s20+$0x12790] =	vst v8  }
0x274: {  	vm0 =	vlt.s32 v12, $0x3F;
	vm1 =	vlt.s32 v12, $0x40;
	v3 =	vld [tilespmem:s24+$0x12780];
	[tilespmem:s20+$0xE720] =	vst v6  }
0x275: {  	v6 =	vld [tilespmem:s24+$0xE720];
	vm2 =	vlt.s32 v11, $0x3F;
	v8 =	vnsel vm0, $0x3F, v12;
	vm0 =	vlt.s32 v9, $0x3F;
	[tilespmem:s20+$0xE770] =	vst v4  }
.Ltmp9:
0x276: {  	v12 =	vnsel vm1, $0x0, v13;
	v13 =	vnsel vm0, $0x3F, v9;
	vm0 =	vlt.s32 v9, $0x40;
	v4 =	vld [tilespmem:s24+$0xE770];
	[tilespmem:s20+$0xE780] =	vst v5;
	(pc) =	sbr.rel @p1 .LBB2_20-.Ltmp9, $4  }
0x277: {  	v9 =	vadd.s32 s9, v8;
	vm1 =	vlt.s32 v10, $0x40;
	v8 =	vadd.s32 s9, v13;
	v5 =	vld [tilespmem:s24+$0xE780];
	[tilespmem:s20+$0xE790] =	vst v7;
	s20 =	smov.u32 s24  }
0x278: {  	v17 =	vnsel vm2, $0x3F, v11;
	vm2 =	vlt.s32 v10, $0x3F;
	v13 =	vnsel vm0, $0x0, v14;
	v7 =	vld [tilespmem:s20+$0x12720];
	[tilespmem:s20+$0xE760] =	vst v8  }
0x279: {  	vm0 =	vlt.s32 v11, $0x40;
	v10 =	vnsel vm2, $0x3F, v10;
	v8 =	vnsel vm1, $0x0, v15;
	[tilespmem:s20+$0x12740] =	vst v12;
	v11 =	vld [tilespmem:s20+$0x12770]  }
0x27a: {  	s25 =	smov.u32 s22;
	v14 =	vnsel vm0, $0x0, v16;
	v12 =	vadd.s32 s9, v17;
	[tilespmem:s20+$0x12750] =	vst v8;
	v8 =	vld [tilespmem:s20+$0x12790]  }
0x27b: {  	[tilespmem:s20+$0x12730] =	vst v14  }
0x27c: {  	[tilespmem:s20+$0x12760] =	vst v13  }
0x27d: {  	[tilespmem:s20+$0xE740] =	vst v9  }
0x27e: {  	[tilespmem:s20+$0xE730] =	vst v12;
	v10 =	vadd.s32 s21, v10;
	vm11 =	vlt.s32 v5, $0x40  }
0x27f: {  	v61 =	vld [tilespmem:s20+$0xE790];
	vm1 =	vlt.s32 v6, $0x40;
	vm2 =	vlt.s32 v4, $0x3F;
	[tilespmem:s20+$0xE750] =	vst v10;
	v3 =	vnsel vm11, $0x0, v3  }
0x280: {  	vm0 =	vlt.s32 v4, $0x40;
	v4 =	vnsel vm2, $0x3F, v4;
	v7 =	vnsel vm1, $0x0, v7;
	[tilespmem:s20+$0x12780] =	vst v3  }
0x281: {  	vm14 =	vlt.s32 v5, $0x3F;
	v4 =	vadd.s32 s21, v4;
	[tilespmem:s20+$0x12720] =	vst v7  }
0x282: {  	vm12 =	vlt.s32 v6, $0x3F;
	v5 =	vnsel vm14, $0x3F, v5;
	v62 =	vnsel vm0, $0x0, v11;
	[tilespmem:s20+$0xE770] =	vst v4  }
0x283: {  	v3 =	vnsel vm12, $0x3F, v6;
	v5 =	vadd.s32 s21, v5;
	[tilespmem:s20+$0x12770] =	vst v62  }
0x284: {  	v3 =	vadd.s32 s21, v3;
	[tilespmem:s20+$0xE780] =	vst v5;
	vm13 =	vlt.s32 v61, $0x40;
	vm15 =	vlt.s32 v61, $0x3F  }
0x285: {  	[tilespmem:s20+$0xE720] =	vst v3;
	v63 =	vnsel vm13, $0x0, v8;
	v3 =	vnsel vm15, $0x3F, v61  }
0x286: {  	[tilespmem:s20+$0x12790] =	vst v63;
	v3 =	vadd.s32 s21, v3  }
0x287: {  	s1 =	simm.s32 $0x12720;
	[tilespmem:s20+$0xE790] =	vst v3  }
0x288: {  	[spmem:s4] =	stream.indirect.scatter.add.f32 [tilespmem:s1], [sflag:$0x4], $0x1, s16, s8, $0xb8;
	[tilespmem:$0x18020] =	vst v63  }
0x289: {  	_ =	swait.ge [sflag:s13], $0x2000  }
0x28a: {  	[sflag:s13] =	ssyncset.done $0x0  }
0x28b: {  	[sflag:s13] =	ssyncadd.s32 $0xFFFFE000  }
0x28c: {  	_ =	swait.ge [sflag:s14], $0x2000  }
0x28d: {  	[sflag:s14] =	ssyncset.done $0x0  }
0x28e: {  	[sflag:s14] =	ssyncadd.s32 $0xFFFFE000  }
0x28f: {  	[bflag:$0x0] =	sbarrier.arrive $0xFFFF  }
0x290: {  	s21 =	rddreg [dreg:$0xb]  }
0x291: {  	s22 =	rddreg [dreg:$0x13]  }
0x292: {  	s24 =	rddreg [dreg:$0x16];
	s1 =	sor.u32 $0x1C07, s21  }
0x293: {  	[hbm:s22], [sflag:s1] =	dma.local [spmem:s24], $0x400  }
0x294: {  	_ =	swait.ge [sflag:s10], $0x400  }
0x295: {  	s11 =	sadd.s32 $0x1, s11;
	s25 =	rddreg [dreg:$0x14]  }
0x296: {  	p1 =	sne.s32 s11, s25  }
.Ltmp10:
0x297: {  	_ = 	snop;
	(pc) =	sbr.rel @p1 .LBB2_1-.Ltmp10, $3  }
0x298: {  	_ =	sdelay $0x1  }
0x299: {  	[sflag:s10] =	ssyncset.done $0x0  }
0x29a: {  	[sflag:s10] =	ssyncadd.s32 $0xFFFFFC00  }
0x29b: {  	_ =	sfence.sel $0x180000  }
0x29c: {  	[bflag:$0x0] =	sbarrier.arrive $0xFFFF  }
0x29d: {  	_ =	strace $0x90000047  }
0x29e: {  	s0 =	stileid.u32;
	[bflag:$0x2] =	sbarrier.arrive $0xFFFF  }
0x29f: {  	p0 =	sne.s32 s0, $0x0;
	s0 =	rddreg [dreg:$0x7]  }
0x2a0: {  	s0 =	sadd.s32 @!p0 $0x100000, s0  }
0x2a1: {  	[sflag:s0] =	ssyncadd.tile.s32 @!p0 $0x1;
	_ =	shalt  }
.Lfunc_end2:
_tile_overlayer_lowered:
.L_overlay_start_2:
0x2a2: {  	(tag) =	ssettag $0x2  }
0x2a3: {  	s0 =	rddreg [dreg:$0x0];
	s2 =	stileid.u32  }
0x2a4: {  	s1 =	rddreg [dreg:$0x1];
	p0 =	sne.s32 s2, $0x0  }
0x2a5: {  	s3 =	rddreg [dreg:$0x2];
	[bflag:$0x3] =	sbarrier.arrive $0xFFFF;
	s2 =	simm.s32 @!p0 $0x1C07  }
0x2a6: {  	[timem:s3], [sflag:s2] =	dma.local @!p0 [hbm:s0], s1  }
0x2a7: {  	s0 =	simm.s32 @!p0 $0x7  }
0x2a8: {  	_ =	swait.ge @!p0 [sflag:s0], s1  }
0x2a9: {  	s1 =	ssub.s32 @!p0 $0x0, s1;
	[sflag:s0] =	ssyncset.done @!p0 $0x0  }
0x2aa: {  	[sflag:s0] =	ssyncadd.s32 @!p0 s1  }
0x2ab: {  	[bflag:$0x3] =	sbarrier.arrive $0xFFFF  }
0x2ac: {  	_ =	shalt  }

</sc_bundles>
